<compile_context>
chip_gen: v7x
topology: tpu7x:2x2x1
jax: 0.10.2.dev20260603
libtpu: 0.0.44.dev20260713+nightly
codegen_flags: <defaults>
</compile_context>

<pallas_src>
import jax
import jax.numpy as jnp
from jax import lax
from jax.experimental import pallas as pl
from jax.experimental.pallas import tpu as pltpu
from jax.experimental.pallas import tpu_sc as plsc

N_CORES = 2
N_SUBCORES = 16
NW = N_CORES * N_SUBCORES

B = 16384
BH = B // 2
FPT_DIM = 256
DIM = 64
N_ADR = 100000
PAIR_OFF = 51200
B_PER_W = B // NW
BH_PER_W = BH // NW
CHUNK = 128
N_CHUNKS = B_PER_W // CHUNK
NH_CHUNKS = BH_PER_W // CHUNK
LANES = 16
TBLK = 10240


def _tc_transpose_body(a_ref, b_ref, out_ref):
  out_ref[:, :DIM] = jnp.transpose(a_ref[...], (1, 0))
  out_ref[:, DIM:] = jnp.transpose(b_ref[...], (1, 0))


def _tc_transpose(aet):
  grid = (PAIR_OFF // TBLK,)
  return pl.pallas_call(
      _tc_transpose_body,
      grid=grid,
      in_specs=[
          pl.BlockSpec((DIM, TBLK), lambda i: (0, i)),
          pl.BlockSpec((DIM, TBLK),
                       lambda i: (0, jnp.minimum(i + PAIR_OFF // TBLK,
                                                 N_ADR // TBLK))),
      ],
      out_specs=pl.BlockSpec((TBLK, 2 * DIM), lambda i: (i, 0)),
      out_shape=jax.ShapeDtypeStruct((PAIR_OFF, 2 * DIM), jnp.float32),
  )(aet, aet)


def _sc_drug_body(didx_hbm, demb_hbm, drugs_out, didx_v, dbuf0, dbuf1, sem0):
  wid = lax.axis_index("s") * N_CORES + lax.axis_index("c")
  base = wid * B_PER_W

  for k in range(N_CHUNKS):
    pltpu.sync_copy(didx_hbm.at[pl.ds(base + k * CHUNK, CHUNK)], didx_v.at[k])

  bufs = (dbuf0, dbuf1)
  cps = [None] * N_CHUNKS
  cps[0] = pltpu.async_copy(demb_hbm.at[didx_v.at[0]], bufs[0], sem0)
  for k in range(N_CHUNKS):
    if k + 1 < N_CHUNKS:
      cps[k + 1] = pltpu.async_copy(
          demb_hbm.at[didx_v.at[k + 1]], bufs[(k + 1) % 2], sem0)
    cps[k].wait()
    pltpu.sync_copy(bufs[k % 2],
                    drugs_out.at[pl.ds(base + k * CHUNK, CHUNK)])


def _make_adr_body(half):
  hbase = half * BH

  def _sc_adr_body(didx_hbm, aidx_hbm, atab_hbm, bd_hbm, ba_hbm,
                   adrs_out, bd_out, ba_out,
                   didx_v, aidx_v, pidx_v, abuf, bdbuf, babuf, sem1, sem2):
    wid = lax.axis_index("s") * N_CORES + lax.axis_index("c")
    base = wid * BH_PER_W
    src = hbase + base

    for k in range(NH_CHUNKS):
      pltpu.sync_copy(didx_hbm.at[pl.ds(src + k * CHUNK, CHUNK)],
                      didx_v.at[k])
      pltpu.sync_copy(aidx_hbm.at[pl.ds(src + k * CHUNK, CHUNK)],
                      aidx_v.at[k])

    for k in range(NH_CHUNKS):
      for j in range(CHUNK // LANES):
        sl = pl.ds(j * LANES, LANES)
        a = aidx_v[k, sl]
        pidx_v[k, sl] = jnp.where(a >= PAIR_OFF, a - PAIR_OFF, a)

    cps = []
    for k in range(NH_CHUNKS):
      cps.append(pltpu.async_copy(
          atab_hbm.at[pidx_v.at[k]], abuf.at[pl.ds(k * CHUNK, CHUNK)], sem1))
    for k in range(NH_CHUNKS):
      cps.append(pltpu.async_copy(
          bd_hbm.at[didx_v.at[k]], bdbuf.at[pl.ds(k * CHUNK, CHUNK)], sem2))
      cps.append(pltpu.async_copy(
          ba_hbm.at[aidx_v.at[k]], babuf.at[pl.ds(k * CHUNK, CHUNK)], sem2))
    for cp in cps:
      cp.wait()
    pltpu.sync_copy(abuf, adrs_out.at[pl.ds(base, BH_PER_W)])
    pltpu.sync_copy(bdbuf, bd_out.at[pl.ds(base, BH_PER_W)])
    pltpu.sync_copy(babuf, ba_out.at[pl.ds(base, BH_PER_W)])

  return _sc_adr_body


_MESH = plsc.VectorSubcoreMesh(core_axis_name="c", subcore_axis_name="s")

_DRUG_FN = pl.kernel(
    _sc_drug_body,
    out_type=jax.ShapeDtypeStruct((B, FPT_DIM), jnp.float32),
    mesh=_MESH,
    scratch_types=[
        pltpu.VMEM((8, CHUNK), jnp.int32),
        pltpu.VMEM((CHUNK, FPT_DIM), jnp.float32),
        pltpu.VMEM((CHUNK, FPT_DIM), jnp.float32),
        pltpu.SemaphoreType.DMA,
    ],
    compiler_params=pltpu.CompilerParams(use_tc_tiling_on_sc=True))


def _make_adr_fn(half):
  return pl.kernel(
      _make_adr_body(half),
      out_type=(
          jax.ShapeDtypeStruct((BH, 2 * DIM), jnp.float32),
          jax.ShapeDtypeStruct((BH,), jnp.float32),
          jax.ShapeDtypeStruct((BH,), jnp.float32),
      ),
      mesh=_MESH,
      scratch_types=[
          pltpu.VMEM((8, CHUNK), jnp.int32),
          pltpu.VMEM((8, CHUNK), jnp.int32),
          pltpu.VMEM((8, CHUNK), jnp.int32),
          pltpu.VMEM((BH_PER_W, 2 * DIM), jnp.float32),
          pltpu.VMEM((BH_PER_W,), jnp.float32),
          pltpu.VMEM((BH_PER_W,), jnp.float32),
          pltpu.SemaphoreType.DMA,
          pltpu.SemaphoreType.DMA,
      ],
      compiler_params=pltpu.CompilerParams(use_tc_tiling_on_sc=True))


_ADR_FN = (_make_adr_fn(0), _make_adr_fn(1))


def _tc_score_body(drugs_ref, pairs_ref, aidx_ref, bd_ref, ba_ref, lw_ref,
                   lb_ref, out_ref):
  proj = lax.dot_general(drugs_ref[...], lw_ref[...],
                         (((1,), (1,)), ((), ())),
                         preferred_element_type=jnp.float32)
  proj = proj + lb_ref[...]
  pair = pairs_ref[...]
  s_lo = jnp.sum(proj * pair[:, :DIM], axis=1)
  s_hi = jnp.sum(proj * pair[:, DIM:], axis=1)
  s = jnp.where(aidx_ref[...] >= PAIR_OFF, s_hi, s_lo)
  out_ref[...] = s + bd_ref[...] + ba_ref[...]


def _tc_score(half, drugs_g, pairs_h, adr_idx, bd_h, ba_h, L_w, L_b):
  blk = 4096
  grid = (BH // blk,)
  hblk = half * (BH // blk)
  return pl.pallas_call(
      _tc_score_body,
      grid=grid,
      in_specs=[
          pl.BlockSpec((blk, FPT_DIM), lambda i: (i + hblk, 0)),
          pl.BlockSpec((blk, 2 * DIM), lambda i: (i, 0)),
          pl.BlockSpec((blk,), lambda i: (i + hblk,)),
          pl.BlockSpec((blk,), lambda i: (i,)),
          pl.BlockSpec((blk,), lambda i: (i,)),
          pl.BlockSpec((DIM, FPT_DIM), lambda i: (0, 0)),
          pl.BlockSpec((1, DIM), lambda i: (0, 0)),
      ],
      out_specs=pl.BlockSpec((blk,), lambda i: (i,)),
      out_shape=jax.ShapeDtypeStruct((BH,), jnp.float32),
  )(drugs_g, pairs_h, adr_idx, bd_h, ba_h, L_w, L_b.reshape(1, DIM))


def kernel(drug_idx, adr_idx, drug_embeddings, adr_embeddings, bias_d, bias_a,
           L_w, L_b):
  drug_idx = drug_idx.astype(jnp.int32)
  adr_idx = adr_idx.astype(jnp.int32)
  drugs_g = _DRUG_FN(drug_idx, drug_embeddings)
  bd_flat = bias_d[:, 0]
  ba_flat = bias_a[:, 0]
  adr_tab = _tc_transpose(adr_embeddings.T)
  pairs_0, bd_0, ba_0 = _ADR_FN[0](drug_idx, adr_idx, adr_tab, bd_flat,
                                   ba_flat)
  pairs_1, bd_1, ba_1 = _ADR_FN[1](drug_idx, adr_idx, adr_tab, bd_flat,
                                   ba_flat)
  s0 = _tc_score(0, drugs_g, pairs_0, adr_idx, bd_0, ba_0, L_w, L_b)
  s1 = _tc_score(1, drugs_g, pairs_1, adr_idx, bd_1, ba_1, L_w, L_b)
  return jnp.concatenate([s0, s1])

# --- scband reference (transcript-rebuilt; emitter-appended) ---
"""Pipeline reference for scband-logit-mf-66949950210497 (READ-ONLY COPY).

The authoritative reference and input builder live on the scoring server;
editing this copy changes nothing except your own understanding.
"""

import jax, jax.numpy as jnp
import numpy as np

N_DRUG = 100000
N_ADR = 100000
FPT_DIM = 256
DIM = 64
BATCH = 16384


def setup_inputs(seed: int = 0) -> dict:
    key = jax.random.key(seed)
    ks = jax.random.split(key, 8)
    drug_idx = jax.random.randint(ks[0], (BATCH,), 0, N_DRUG, dtype=jnp.int32)
    adr_idx = jax.random.randint(ks[1], (BATCH,), 0, N_ADR, dtype=jnp.int32)
    # learned parameters
    drug_embeddings = jax.random.uniform(ks[2], (N_DRUG, FPT_DIM), dtype=jnp.float32)  # fpts.float() (binary fingerprints, treated as learnable)
    xav_adr = float(np.sqrt(2.0 / (N_ADR + DIM)))
    adr_embeddings = jax.random.normal(ks[3], (N_ADR, DIM), dtype=jnp.float32) * xav_adr
    bias_d = jax.random.normal(ks[4], (N_DRUG, 1), dtype=jnp.float32) * float(np.sqrt(2.0 / (N_DRUG + 1)))
    bias_a = jax.random.normal(ks[5], (N_ADR, 1), dtype=jnp.float32) * float(np.sqrt(2.0 / (N_ADR + 1)))
    # nn.Linear(FPT_DIM, DIM): weight [DIM, FPT_DIM], bias [DIM]
    bound = 1.0 / float(np.sqrt(FPT_DIM))
    L_w = jax.random.uniform(ks[6], (DIM, FPT_DIM), dtype=jnp.float32, minval=-bound, maxval=bound)
    L_b = jax.random.uniform(ks[7], (DIM,), dtype=jnp.float32, minval=-bound, maxval=bound)
    return {
        'drug_idx': drug_idx,
        'adr_idx': adr_idx,
        'drug_embeddings': drug_embeddings,
        'adr_embeddings': adr_embeddings,
        'bias_d': bias_d,
        'bias_a': bias_a,
        'L_w': L_w,
        'L_b': L_b,
    }


def reference(drug_idx, adr_idx, drug_embeddings, adr_embeddings, bias_d, bias_a, L_w, L_b):
    drug_idx = drug_idx.astype(jnp.int32)
    adr_idx = adr_idx.astype(jnp.int32)
    drugs = jnp.take(drug_embeddings, drug_idx, axis=0)   # [B, FPT_DIM] gather
    adrs = jnp.take(adr_embeddings, adr_idx, axis=0)       # [B, DIM] gather
    bd = jnp.take(bias_d, drug_idx, axis=0)                 # [B, 1]
    ba = jnp.take(bias_a, adr_idx, axis=0)                  # [B, 1]
    drugs = drugs @ L_w.T + L_b                              # Linear(FPT_DIM -> DIM)
    scores = jnp.sum(drugs * adrs, axis=1, keepdims=True) + ba + bd
    return scores.reshape(-1)

if __name__ == "__main__":
    import jax
    _d = setup_inputs()
    print(jax.jit(kernel)(*tuple(_d.values())))

</pallas_src>

<mosaic_0001>
#map = affine_map<(d0, d1) -> (0)>
#map1 = affine_map<(d0, d1) -> (0, 0)>
module attributes {stable_mosaic.version = 14 : i64} {
  func.func @_sc_adr_body(%arg0: i32, %arg1: i32, %arg2: memref<16384xi32, #tpu.memory_space<hbm>>, %arg3: memref<16384xi32, #tpu.memory_space<hbm>>, %arg4: memref<51200x128xf32, #tpu.memory_space<hbm>>, %arg5: memref<100000xf32, #tpu.memory_space<hbm>>, %arg6: memref<100000xf32, #tpu.memory_space<hbm>>, %arg7: memref<8192x128xf32, #tpu.memory_space<hbm>>, %arg8: memref<8192xf32, #tpu.memory_space<hbm>>, %arg9: memref<8192xf32, #tpu.memory_space<hbm>>, %arg10: memref<8x128xi32, #tpu.memory_space<vmem>>, %arg11: memref<8x128xi32, #tpu.memory_space<vmem>>, %arg12: memref<8x128xi32, #tpu.memory_space<vmem>>, %arg13: memref<256x128xf32, #tpu.memory_space<vmem>>, %arg14: memref<256xf32, #tpu.memory_space<vmem>>, %arg15: memref<256xf32, #tpu.memory_space<vmem>>, %arg16: memref<!tpu.dma_semaphore, #tpu.memory_space<semaphore_mem>>, %arg17: memref<!tpu.dma_semaphore, #tpu.memory_space<semaphore_mem>>) attributes {dimension_semantics = [#tpu.dimension_semantics<core_parallel>, #tpu.dimension_semantics<subcore_parallel>], iteration_bounds = array<i64: 2, 16>, scalar_prefetch = 0 : i64, scratch_operands = 8 : i64, tpu.core_type = #tpu.core_type<sc_vector_subcore>, window_params = [{transform_indices = #map}, {transform_indices = #map}, {transform_indices = #map1}, {transform_indices = #map}, {transform_indices = #map}, {transform_indices = #map1}, {transform_indices = #map}, {transform_indices = #map}]} {
    %mul3A = arith.constant 2 : i32
    %mul3A_0 = arith.muli %arg1, %mul3A : i32
    %add3A = arith.addi %mul3A_0, %arg0 : i32
    %mul3A_1 = arith.constant 256 : i32
    %mul3A_2 = arith.muli %add3A, %mul3A_1 : i32
    %add3A_3 = arith.constant 0 : i32
    %add3A_4 = arith.addi %add3A_3, %mul3A_2 : i32
    %add3A_5 = arith.constant 0 : i32
    %add3A_6 = arith.addi %add3A_4, %add3A_5 : i32
    %run_scoped3A = arith.constant 0 : i32
    "tpu.region"() ({
      %run_scoped3A_401 = tpu.sem_alloc : memref<!tpu.dma_semaphore, #tpu.memory_space<semaphore_mem>>
      %dma_start3A_402 = arith.constant 0 : i32
      %dma_start3A_403 = tpu.memref_slice %arg10[%run_scoped3A, %dma_start3A_402] : memref<8x128xi32, #tpu.memory_space<vmem>> -> memref<1x128xi32, #tpu.memory_space<vmem>>
      %dma_start3A_404 = tpu.memref_squeeze %dma_start3A_403 : memref<1x128xi32, #tpu.memory_space<vmem>> -> memref<128xi32, #tpu.memory_space<vmem>>
      %dma_start3A_405 = tpu.memref_slice %arg2[%add3A_6] : memref<16384xi32, #tpu.memory_space<hbm>> -> memref<128xi32, #tpu.memory_space<hbm>>
      %dma_start3A_406 = arith.constant 0 : i32
      %dma_start3A_407 = tpu.memref_slice %arg10[%run_scoped3A, %dma_start3A_406] : memref<8x128xi32, #tpu.memory_space<vmem>> -> memref<1x128xi32, #tpu.memory_space<vmem>>
      %dma_start3A_408 = tpu.memref_squeeze %dma_start3A_407 : memref<1x128xi32, #tpu.memory_space<vmem>> -> memref<128xi32, #tpu.memory_space<vmem>>
      %dma_start3A_409 = tpu.memref_slice %arg2[%add3A_6] : memref<16384xi32, #tpu.memory_space<hbm>> -> memref<128xi32, #tpu.memory_space<hbm>>
      tpu.enqueue_dma source(%dma_start3A_409 : memref<128xi32, #tpu.memory_space<hbm>>) target(%dma_start3A_408 : memref<128xi32, #tpu.memory_space<vmem>>) target_semaphore(%run_scoped3A_401 : memref<!tpu.dma_semaphore, #tpu.memory_space<semaphore_mem>>)
      %dma_wait3A_410 = arith.constant 0 : i32
      %dma_wait3A_411 = tpu.memref_slice %arg10[%run_scoped3A, %dma_wait3A_410] : memref<8x128xi32, #tpu.memory_space<vmem>> -> memref<1x128xi32, #tpu.memory_space<vmem>>
      %dma_wait3A_412 = tpu.memref_squeeze %dma_wait3A_411 : memref<1x128xi32, #tpu.memory_space<vmem>> -> memref<128xi32, #tpu.memory_space<vmem>>
      %dma_wait3A_413 = tpu.memref_slice %arg2[%add3A_6] : memref<16384xi32, #tpu.memory_space<hbm>> -> memref<128xi32, #tpu.memory_space<hbm>>
      %dma_wait3A_414 = arith.constant 0 : i32
      %dma_wait3A_415 = tpu.memref_slice %arg10[%run_scoped3A, %dma_wait3A_414] : memref<8x128xi32, #tpu.memory_space<vmem>> -> memref<1x128xi32, #tpu.memory_space<vmem>>
      %dma_wait3A_416 = tpu.memref_squeeze %dma_wait3A_415 : memref<1x128xi32, #tpu.memory_space<vmem>> -> memref<128xi32, #tpu.memory_space<vmem>>
      %dma_wait3A_417 = tpu.memref_slice %arg2[%add3A_6] : memref<16384xi32, #tpu.memory_space<hbm>> -> memref<128xi32, #tpu.memory_space<hbm>>
      tpu.wait_dma2 semaphore(%run_scoped3A_401 : memref<!tpu.dma_semaphore, #tpu.memory_space<semaphore_mem>>) src(%dma_wait3A_417 : memref<128xi32, #tpu.memory_space<hbm>>) dst(%dma_wait3A_416 : memref<128xi32, #tpu.memory_space<vmem>>)
      tpu.yield
    }) : () -> ()
    %add3A_7 = arith.constant 0 : i32
    %add3A_8 = arith.addi %add3A_4, %add3A_7 : i32
    %run_scoped3A_9 = arith.constant 0 : i32
    "tpu.region"() ({
      %run_scoped3A_401 = tpu.sem_alloc : memref<!tpu.dma_semaphore, #tpu.memory_space<semaphore_mem>>
      %dma_start3A_402 = arith.constant 0 : i32
      %dma_start3A_403 = tpu.memref_slice %arg11[%run_scoped3A_9, %dma_start3A_402] : memref<8x128xi32, #tpu.memory_space<vmem>> -> memref<1x128xi32, #tpu.memory_space<vmem>>
      %dma_start3A_404 = tpu.memref_squeeze %dma_start3A_403 : memref<1x128xi32, #tpu.memory_space<vmem>> -> memref<128xi32, #tpu.memory_space<vmem>>
      %dma_start3A_405 = tpu.memref_slice %arg3[%add3A_8] : memref<16384xi32, #tpu.memory_space<hbm>> -> memref<128xi32, #tpu.memory_space<hbm>>
      %dma_start3A_406 = arith.constant 0 : i32
      %dma_start3A_407 = tpu.memref_slice %arg11[%run_scoped3A_9, %dma_start3A_406] : memref<8x128xi32, #tpu.memory_space<vmem>> -> memref<1x128xi32, #tpu.memory_space<vmem>>
      %dma_start3A_408 = tpu.memref_squeeze %dma_start3A_407 : memref<1x128xi32, #tpu.memory_space<vmem>> -> memref<128xi32, #tpu.memory_space<vmem>>
      %dma_start3A_409 = tpu.memref_slice %arg3[%add3A_8] : memref<16384xi32, #tpu.memory_space<hbm>> -> memref<128xi32, #tpu.memory_space<hbm>>
      tpu.enqueue_dma source(%dma_start3A_409 : memref<128xi32, #tpu.memory_space<hbm>>) target(%dma_start3A_408 : memref<128xi32, #tpu.memory_space<vmem>>) target_semaphore(%run_scoped3A_401 : memref<!tpu.dma_semaphore, #tpu.memory_space<semaphore_mem>>)
      %dma_wait3A_410 = arith.constant 0 : i32
      %dma_wait3A_411 = tpu.memref_slice %arg11[%run_scoped3A_9, %dma_wait3A_410] : memref<8x128xi32, #tpu.memory_space<vmem>> -> memref<1x128xi32, #tpu.memory_space<vmem>>
      %dma_wait3A_412 = tpu.memref_squeeze %dma_wait3A_411 : memref<1x128xi32, #tpu.memory_space<vmem>> -> memref<128xi32, #tpu.memory_space<vmem>>
      %dma_wait3A_413 = tpu.memref_slice %arg3[%add3A_8] : memref<16384xi32, #tpu.memory_space<hbm>> -> memref<128xi32, #tpu.memory_space<hbm>>
      %dma_wait3A_414 = arith.constant 0 : i32
      %dma_wait3A_415 = tpu.memref_slice %arg11[%run_scoped3A_9, %dma_wait3A_414] : memref<8x128xi32, #tpu.memory_space<vmem>> -> memref<1x128xi32, #tpu.memory_space<vmem>>
      %dma_wait3A_416 = tpu.memref_squeeze %dma_wait3A_415 : memref<1x128xi32, #tpu.memory_space<vmem>> -> memref<128xi32, #tpu.memory_space<vmem>>
      %dma_wait3A_417 = tpu.memref_slice %arg3[%add3A_8] : memref<16384xi32, #tpu.memory_space<hbm>> -> memref<128xi32, #tpu.memory_space<hbm>>
      tpu.wait_dma2 semaphore(%run_scoped3A_401 : memref<!tpu.dma_semaphore, #tpu.memory_space<semaphore_mem>>) src(%dma_wait3A_417 : memref<128xi32, #tpu.memory_space<hbm>>) dst(%dma_wait3A_416 : memref<128xi32, #tpu.memory_space<vmem>>)
      tpu.yield
    }) : () -> ()
    %add3A_10 = arith.constant 128 : i32
    %add3A_11 = arith.addi %add3A_4, %add3A_10 : i32
    %run_scoped3A_12 = arith.constant 1 : i32
    "tpu.region"() ({
      %run_scoped3A_401 = tpu.sem_alloc : memref<!tpu.dma_semaphore, #tpu.memory_space<semaphore_mem>>
      %dma_start3A_402 = arith.constant 0 : i32
      %dma_start3A_403 = tpu.memref_slice %arg10[%run_scoped3A_12, %dma_start3A_402] : memref<8x128xi32, #tpu.memory_space<vmem>> -> memref<1x128xi32, #tpu.memory_space<vmem>>
      %dma_start3A_404 = tpu.memref_squeeze %dma_start3A_403 : memref<1x128xi32, #tpu.memory_space<vmem>> -> memref<128xi32, #tpu.memory_space<vmem>>
      %dma_start3A_405 = tpu.memref_slice %arg2[%add3A_11] : memref<16384xi32, #tpu.memory_space<hbm>> -> memref<128xi32, #tpu.memory_space<hbm>>
      %dma_start3A_406 = arith.constant 0 : i32
      %dma_start3A_407 = tpu.memref_slice %arg10[%run_scoped3A_12, %dma_start3A_406] : memref<8x128xi32, #tpu.memory_space<vmem>> -> memref<1x128xi32, #tpu.memory_space<vmem>>
      %dma_start3A_408 = tpu.memref_squeeze %dma_start3A_407 : memref<1x128xi32, #tpu.memory_space<vmem>> -> memref<128xi32, #tpu.memory_space<vmem>>
      %dma_start3A_409 = tpu.memref_slice %arg2[%add3A_11] : memref<16384xi32, #tpu.memory_space<hbm>> -> memref<128xi32, #tpu.memory_space<hbm>>
      tpu.enqueue_dma source(%dma_start3A_409 : memref<128xi32, #tpu.memory_space<hbm>>) target(%dma_start3A_408 : memref<128xi32, #tpu.memory_space<vmem>>) target_semaphore(%run_scoped3A_401 : memref<!tpu.dma_semaphore, #tpu.memory_space<semaphore_mem>>)
      %dma_wait3A_410 = arith.constant 0 : i32
      %dma_wait3A_411 = tpu.memref_slice %arg10[%run_scoped3A_12, %dma_wait3A_410] : memref<8x128xi32, #tpu.memory_space<vmem>> -> memref<1x128xi32, #tpu.memory_space<vmem>>
      %dma_wait3A_412 = tpu.memref_squeeze %dma_wait3A_411 : memref<1x128xi32, #tpu.memory_space<vmem>> -> memref<128xi32, #tpu.memory_space<vmem>>
      %dma_wait3A_413 = tpu.memref_slice %arg2[%add3A_11] : memref<16384xi32, #tpu.memory_space<hbm>> -> memref<128xi32, #tpu.memory_space<hbm>>
      %dma_wait3A_414 = arith.constant 0 : i32
      %dma_wait3A_415 = tpu.memref_slice %arg10[%run_scoped3A_12, %dma_wait3A_414] : memref<8x128xi32, #tpu.memory_space<vmem>> -> memref<1x128xi32, #tpu.memory_space<vmem>>
      %dma_wait3A_416 = tpu.memref_squeeze %dma_wait3A_415 : memref<1x128xi32, #tpu.memory_space<vmem>> -> memref<128xi32, #tpu.memory_space<vmem>>
      %dma_wait3A_417 = tpu.memref_slice %arg2[%add3A_11] : memref<16384xi32, #tpu.memory_space<hbm>> -> memref<128xi32, #tpu.memory_space<hbm>>
      tpu.wait_dma2 semaphore(%run_scoped3A_401 : memref<!tpu.dma_semaphore, #tpu.memory_space<semaphore_mem>>) src(%dma_wait3A_417 : memref<128xi32, #tpu.memory_space<hbm>>) dst(%dma_wait3A_416 : memref<128xi32, #tpu.memory_space<vmem>>)
      tpu.yield
    }) : () -> ()
    %add3A_13 = arith.constant 128 : i32
    %add3A_14 = arith.addi %add3A_4, %add3A_13 : i32
    %run_scoped3A_15 = arith.constant 1 : i32
    "tpu.region"() ({
      %run_scoped3A_401 = tpu.sem_alloc : memref<!tpu.dma_semaphore, #tpu.memory_space<semaphore_mem>>
      %dma_start3A_402 = arith.constant 0 : i32
      %dma_start3A_403 = tpu.memref_slice %arg11[%run_scoped3A_15, %dma_start3A_402] : memref<8x128xi32, #tpu.memory_space<vmem>> -> memref<1x128xi32, #tpu.memory_space<vmem>>
      %dma_start3A_404 = tpu.memref_squeeze %dma_start3A_403 : memref<1x128xi32, #tpu.memory_space<vmem>> -> memref<128xi32, #tpu.memory_space<vmem>>
      %dma_start3A_405 = tpu.memref_slice %arg3[%add3A_14] : memref<16384xi32, #tpu.memory_space<hbm>> -> memref<128xi32, #tpu.memory_space<hbm>>
      %dma_start3A_406 = arith.constant 0 : i32
      %dma_start3A_407 = tpu.memref_slice %arg11[%run_scoped3A_15, %dma_start3A_406] : memref<8x128xi32, #tpu.memory_space<vmem>> -> memref<1x128xi32, #tpu.memory_space<vmem>>
      %dma_start3A_408 = tpu.memref_squeeze %dma_start3A_407 : memref<1x128xi32, #tpu.memory_space<vmem>> -> memref<128xi32, #tpu.memory_space<vmem>>
      %dma_start3A_409 = tpu.memref_slice %arg3[%add3A_14] : memref<16384xi32, #tpu.memory_space<hbm>> -> memref<128xi32, #tpu.memory_space<hbm>>
      tpu.enqueue_dma source(%dma_start3A_409 : memref<128xi32, #tpu.memory_space<hbm>>) target(%dma_start3A_408 : memref<128xi32, #tpu.memory_space<vmem>>) target_semaphore(%run_scoped3A_401 : memref<!tpu.dma_semaphore, #tpu.memory_space<semaphore_mem>>)
      %dma_wait3A_410 = arith.constant 0 : i32
      %dma_wait3A_411 = tpu.memref_slice %arg11[%run_scoped3A_15, %dma_wait3A_410] : memref<8x128xi32, #tpu.memory_space<vmem>> -> memref<1x128xi32, #tpu.memory_space<vmem>>
      %dma_wait3A_412 = tpu.memref_squeeze %dma_wait3A_411 : memref<1x128xi32, #tpu.memory_space<vmem>> -> memref<128xi32, #tpu.memory_space<vmem>>
      %dma_wait3A_413 = tpu.memref_slice %arg3[%add3A_14] : memref<16384xi32, #tpu.memory_space<hbm>> -> memref<128xi32, #tpu.memory_space<hbm>>
      %dma_wait3A_414 = arith.constant 0 : i32
      %dma_wait3A_415 = tpu.memref_slice %arg11[%run_scoped3A_15, %dma_wait3A_414] : memref<8x128xi32, #tpu.memory_space<vmem>> -> memref<1x128xi32, #tpu.memory_space<vmem>>
      %dma_wait3A_416 = tpu.memref_squeeze %dma_wait3A_415 : memref<1x128xi32, #tpu.memory_space<vmem>> -> memref<128xi32, #tpu.memory_space<vmem>>
      %dma_wait3A_417 = tpu.memref_slice %arg3[%add3A_14] : memref<16384xi32, #tpu.memory_space<hbm>> -> memref<128xi32, #tpu.memory_space<hbm>>
      tpu.wait_dma2 semaphore(%run_scoped3A_401 : memref<!tpu.dma_semaphore, #tpu.memory_space<semaphore_mem>>) src(%dma_wait3A_417 : memref<128xi32, #tpu.memory_space<hbm>>) dst(%dma_wait3A_416 : memref<128xi32, #tpu.memory_space<vmem>>)
      tpu.yield
    }) : () -> ()
    %get3A = arith.constant 0 : i32
    %get3A_16 = arith.index_cast %get3A : i32 to index
    %get3A_17 = arith.constant 0 : index
    %get3A_18 = tpu.vector_load %arg11[%get3A_16, %get3A_17] {strides = array<i32>} : memref<8x128xi32, #tpu.memory_space<vmem>>, vector<1x16xi32>,
    %get3A_19 = vector.shape_cast %get3A_18 : vector<1x16xi32> to vector<16xi32>
    %ge3A = arith.constant 51200 : i32
    %ge3A_20 = vector.broadcast %ge3A : i32 to vector<16xi32>
    %ge3A_21 = arith.cmpi sge, %get3A_19, %ge3A_20 : vector<16xi32>
    %sub3A = arith.constant 51200 : i32
    %sub3A_22 = vector.broadcast %sub3A : i32 to vector<16xi32>
    %sub3A_23 = arith.subi %get3A_19, %sub3A_22 : vector<16xi32>
    %select_n3A = arith.select %ge3A_21, %sub3A_23, %get3A_19 : vector<16xi1>, vector<16xi32>
    %swap3A = arith.constant 0 : i32
    %swap3A_24 = arith.index_cast %swap3A : i32 to index
    %swap3A_25 = arith.constant 0 : index
    %swap3A_26 = tpu.vector_load %arg12[%swap3A_24, %swap3A_25] {strides = array<i32>} : memref<8x128xi32, #tpu.memory_space<vmem>>, vector<1x16xi32>,
    %swap3A_27 = vector.shape_cast %swap3A_26 : vector<1x16xi32> to vector<16xi32>
    %swap3A_28 = vector.shape_cast %select_n3A : vector<16xi32> to vector<1x16xi32>
    tpu.vector_store %arg12[%swap3A_24, %swap3A_25], %swap3A_28 {strides = array<i32>} : memref<8x128xi32, #tpu.memory_space<vmem>>, vector<1x16xi32>,
    %get3A_29 = arith.constant 0 : i32
    %get3A_30 = arith.index_cast %get3A_29 : i32 to index
    %get3A_31 = arith.constant 16 : index
    %get3A_32 = tpu.vector_load %arg11[%get3A_30, %get3A_31] {strides = array<i32>} : memref<8x128xi32, #tpu.memory_space<vmem>>, vector<1x16xi32>,
    %get3A_33 = vector.shape_cast %get3A_32 : vector<1x16xi32> to vector<16xi32>
    %ge3A_34 = arith.constant 51200 : i32
    %ge3A_35 = vector.broadcast %ge3A_34 : i32 to vector<16xi32>
    %ge3A_36 = arith.cmpi sge, %get3A_33, %ge3A_35 : vector<16xi32>
    %sub3A_37 = arith.constant 51200 : i32
    %sub3A_38 = vector.broadcast %sub3A_37 : i32 to vector<16xi32>
    %sub3A_39 = arith.subi %get3A_33, %sub3A_38 : vector<16xi32>
    %select_n3A_40 = arith.select %ge3A_36, %sub3A_39, %get3A_33 : vector<16xi1>, vector<16xi32>
    %swap3A_41 = arith.constant 0 : i32
    %swap3A_42 = arith.index_cast %swap3A_41 : i32 to index
    %swap3A_43 = arith.constant 16 : index
    %swap3A_44 = tpu.vector_load %arg12[%swap3A_42, %swap3A_43] {strides = array<i32>} : memref<8x128xi32, #tpu.memory_space<vmem>>, vector<1x16xi32>,
    %swap3A_45 = vector.shape_cast %swap3A_44 : vector<1x16xi32> to vector<16xi32>
    %swap3A_46 = vector.shape_cast %select_n3A_40 : vector<16xi32> to vector<1x16xi32>
    tpu.vector_store %arg12[%swap3A_42, %swap3A_43], %swap3A_46 {strides = array<i32>} : memref<8x128xi32, #tpu.memory_space<vmem>>, vector<1x16xi32>,
    %get3A_47 = arith.constant 0 : i32
    %get3A_48 = arith.index_cast %get3A_47 : i32 to index
    %get3A_49 = arith.constant 32 : index
    %get3A_50 = tpu.vector_load %arg11[%get3A_48, %get3A_49] {strides = array<i32>} : memref<8x128xi32, #tpu.memory_space<vmem>>, vector<1x16xi32>,
    %get3A_51 = vector.shape_cast %get3A_50 : vector<1x16xi32> to vector<16xi32>
    %ge3A_52 = arith.constant 51200 : i32
    %ge3A_53 = vector.broadcast %ge3A_52 : i32 to vector<16xi32>
    %ge3A_54 = arith.cmpi sge, %get3A_51, %ge3A_53 : vector<16xi32>
    %sub3A_55 = arith.constant 51200 : i32
    %sub3A_56 = vector.broadcast %sub3A_55 : i32 to vector<16xi32>
    %sub3A_57 = arith.subi %get3A_51, %sub3A_56 : vector<16xi32>
    %select_n3A_58 = arith.select %ge3A_54, %sub3A_57, %get3A_51 : vector<16xi1>, vector<16xi32>
    %swap3A_59 = arith.constant 0 : i32
    %swap3A_60 = arith.index_cast %swap3A_59 : i32 to index
    %swap3A_61 = arith.constant 32 : index
    %swap3A_62 = tpu.vector_load %arg12[%swap3A_60, %swap3A_61] {strides = array<i32>} : memref<8x128xi32, #tpu.memory_space<vmem>>, vector<1x16xi32>,
    %swap3A_63 = vector.shape_cast %swap3A_62 : vector<1x16xi32> to vector<16xi32>
    %swap3A_64 = vector.shape_cast %select_n3A_58 : vector<16xi32> to vector<1x16xi32>
    tpu.vector_store %arg12[%swap3A_60, %swap3A_61], %swap3A_64 {strides = array<i32>} : memref<8x128xi32, #tpu.memory_space<vmem>>, vector<1x16xi32>,
    %get3A_65 = arith.constant 0 : i32
    %get3A_66 = arith.index_cast %get3A_65 : i32 to index
    %get3A_67 = arith.constant 48 : index
    %get3A_68 = tpu.vector_load %arg11[%get3A_66, %get3A_67] {strides = array<i32>} : memref<8x128xi32, #tpu.memory_space<vmem>>, vector<1x16xi32>,
    %get3A_69 = vector.shape_cast %get3A_68 : vector<1x16xi32> to vector<16xi32>
    %ge3A_70 = arith.constant 51200 : i32
    %ge3A_71 = vector.broadcast %ge3A_70 : i32 to vector<16xi32>
    %ge3A_72 = arith.cmpi sge, %get3A_69, %ge3A_71 : vector<16xi32>
    %sub3A_73 = arith.constant 51200 : i32
    %sub3A_74 = vector.broadcast %sub3A_73 : i32 to vector<16xi32>
    %sub3A_75 = arith.subi %get3A_69, %sub3A_74 : vector<16xi32>
    %select_n3A_76 = arith.select %ge3A_72, %sub3A_75, %get3A_69 : vector<16xi1>, vector<16xi32>
    %swap3A_77 = arith.constant 0 : i32
    %swap3A_78 = arith.index_cast %swap3A_77 : i32 to index
    %swap3A_79 = arith.constant 48 : index
    %swap3A_80 = tpu.vector_load %arg12[%swap3A_78, %swap3A_79] {strides = array<i32>} : memref<8x128xi32, #tpu.memory_space<vmem>>, vector<1x16xi32>,
    %swap3A_81 = vector.shape_cast %swap3A_80 : vector<1x16xi32> to vector<16xi32>
    %swap3A_82 = vector.shape_cast %select_n3A_76 : vector<16xi32> to vector<1x16xi32>
    tpu.vector_store %arg12[%swap3A_78, %swap3A_79], %swap3A_82 {strides = array<i32>} : memref<8x128xi32, #tpu.memory_space<vmem>>, vector<1x16xi32>,
    %get3A_83 = arith.constant 0 : i32
    %get3A_84 = arith.index_cast %get3A_83 : i32 to index
    %get3A_85 = arith.constant 64 : index
    %get3A_86 = tpu.vector_load %arg11[%get3A_84, %get3A_85] {strides = array<i32>} : memref<8x128xi32, #tpu.memory_space<vmem>>, vector<1x16xi32>,
    %get3A_87 = vector.shape_cast %get3A_86 : vector<1x16xi32> to vector<16xi32>
    %ge3A_88 = arith.constant 51200 : i32
    %ge3A_89 = vector.broadcast %ge3A_88 : i32 to vector<16xi32>
    %ge3A_90 = arith.cmpi sge, %get3A_87, %ge3A_89 : vector<16xi32>
    %sub3A_91 = arith.constant 51200 : i32
    %sub3A_92 = vector.broadcast %sub3A_91 : i32 to vector<16xi32>
    %sub3A_93 = arith.subi %get3A_87, %sub3A_92 : vector<16xi32>
    %select_n3A_94 = arith.select %ge3A_90, %sub3A_93, %get3A_87 : vector<16xi1>, vector<16xi32>
    %swap3A_95 = arith.constant 0 : i32
    %swap3A_96 = arith.index_cast %swap3A_95 : i32 to index
    %swap3A_97 = arith.constant 64 : index
    %swap3A_98 = tpu.vector_load %arg12[%swap3A_96, %swap3A_97] {strides = array<i32>} : memref<8x128xi32, #tpu.memory_space<vmem>>, vector<1x16xi32>,
    %swap3A_99 = vector.shape_cast %swap3A_98 : vector<1x16xi32> to vector<16xi32>
    %swap3A_100 = vector.shape_cast %select_n3A_94 : vector<16xi32> to vector<1x16xi32>
    tpu.vector_store %arg12[%swap3A_96, %swap3A_97], %swap3A_100 {strides = array<i32>} : memref<8x128xi32, #tpu.memory_space<vmem>>, vector<1x16xi32>,
    %get3A_101 = arith.constant 0 : i32
    %get3A_102 = arith.index_cast %get3A_101 : i32 to index
    %get3A_103 = arith.constant 80 : index
    %get3A_104 = tpu.vector_load %arg11[%get3A_102, %get3A_103] {strides = array<i32>} : memref<8x128xi32, #tpu.memory_space<vmem>>, vector<1x16xi32>,
    %get3A_105 = vector.shape_cast %get3A_104 : vector<1x16xi32> to vector<16xi32>
    %ge3A_106 = arith.constant 51200 : i32
    %ge3A_107 = vector.broadcast %ge3A_106 : i32 to vector<16xi32>
    %ge3A_108 = arith.cmpi sge, %get3A_105, %ge3A_107 : vector<16xi32>
    %sub3A_109 = arith.constant 51200 : i32
    %sub3A_110 = vector.broadcast %sub3A_109 : i32 to vector<16xi32>
    %sub3A_111 = arith.subi %get3A_105, %sub3A_110 : vector<16xi32>
    %select_n3A_112 = arith.select %ge3A_108, %sub3A_111, %get3A_105 : vector<16xi1>, vector<16xi32>
    %swap3A_113 = arith.constant 0 : i32
    %swap3A_114 = arith.index_cast %swap3A_113 : i32 to index
    %swap3A_115 = arith.constant 80 : index
    %swap3A_116 = tpu.vector_load %arg12[%swap3A_114, %swap3A_115] {strides = array<i32>} : memref<8x128xi32, #tpu.memory_space<vmem>>, vector<1x16xi32>,
    %swap3A_117 = vector.shape_cast %swap3A_116 : vector<1x16xi32> to vector<16xi32>
    %swap3A_118 = vector.shape_cast %select_n3A_112 : vector<16xi32> to vector<1x16xi32>
    tpu.vector_store %arg12[%swap3A_114, %swap3A_115], %swap3A_118 {strides = array<i32>} : memref<8x128xi32, #tpu.memory_space<vmem>>, vector<1x16xi32>,
    %get3A_119 = arith.constant 0 : i32
    %get3A_120 = arith.index_cast %get3A_119 : i32 to index
    %get3A_121 = arith.constant 96 : index
    %get3A_122 = tpu.vector_load %arg11[%get3A_120, %get3A_121] {strides = array<i32>} : memref<8x128xi32, #tpu.memory_space<vmem>>, vector<1x16xi32>,
    %get3A_123 = vector.shape_cast %get3A_122 : vector<1x16xi32> to vector<16xi32>
    %ge3A_124 = arith.constant 51200 : i32
    %ge3A_125 = vector.broadcast %ge3A_124 : i32 to vector<16xi32>
    %ge3A_126 = arith.cmpi sge, %get3A_123, %ge3A_125 : vector<16xi32>
    %sub3A_127 = arith.constant 51200 : i32
    %sub3A_128 = vector.broadcast %sub3A_127 : i32 to vector<16xi32>
    %sub3A_129 = arith.subi %get3A_123, %sub3A_128 : vector<16xi32>
    %select_n3A_130 = arith.select %ge3A_126, %sub3A_129, %get3A_123 : vector<16xi1>, vector<16xi32>
    %swap3A_131 = arith.constant 0 : i32
    %swap3A_132 = arith.index_cast %swap3A_131 : i32 to index
    %swap3A_133 = arith.constant 96 : index
    %swap3A_134 = tpu.vector_load %arg12[%swap3A_132, %swap3A_133] {strides = array<i32>} : memref<8x128xi32, #tpu.memory_space<vmem>>, vector<1x16xi32>,
    %swap3A_135 = vector.shape_cast %swap3A_134 : vector<1x16xi32> to vector<16xi32>
    %swap3A_136 = vector.shape_cast %select_n3A_130 : vector<16xi32> to vector<1x16xi32>
    tpu.vector_store %arg12[%swap3A_132, %swap3A_133], %swap3A_136 {strides = array<i32>} : memref<8x128xi32, #tpu.memory_space<vmem>>, vector<1x16xi32>,
    %get3A_137 = arith.constant 0 : i32
    %get3A_138 = arith.index_cast %get3A_137 : i32 to index
    %get3A_139 = arith.constant 112 : index
    %get3A_140 = tpu.vector_load %arg11[%get3A_138, %get3A_139] {strides = array<i32>} : memref<8x128xi32, #tpu.memory_space<vmem>>, vector<1x16xi32>,
    %get3A_141 = vector.shape_cast %get3A_140 : vector<1x16xi32> to vector<16xi32>
    %ge3A_142 = arith.constant 51200 : i32
    %ge3A_143 = vector.broadcast %ge3A_142 : i32 to vector<16xi32>
    %ge3A_144 = arith.cmpi sge, %get3A_141, %ge3A_143 : vector<16xi32>
    %sub3A_145 = arith.constant 51200 : i32
    %sub3A_146 = vector.broadcast %sub3A_145 : i32 to vector<16xi32>
    %sub3A_147 = arith.subi %get3A_141, %sub3A_146 : vector<16xi32>
    %select_n3A_148 = arith.select %ge3A_144, %sub3A_147, %get3A_141 : vector<16xi1>, vector<16xi32>
    %swap3A_149 = arith.constant 0 : i32
    %swap3A_150 = arith.index_cast %swap3A_149 : i32 to index
    %swap3A_151 = arith.constant 112 : index
    %swap3A_152 = tpu.vector_load %arg12[%swap3A_150, %swap3A_151] {strides = array<i32>} : memref<8x128xi32, #tpu.memory_space<vmem>>, vector<1x16xi32>,
    %swap3A_153 = vector.shape_cast %swap3A_152 : vector<1x16xi32> to vector<16xi32>
    %swap3A_154 = vector.shape_cast %select_n3A_148 : vector<16xi32> to vector<1x16xi32>
    tpu.vector_store %arg12[%swap3A_150, %swap3A_151], %swap3A_154 {strides = array<i32>} : memref<8x128xi32, #tpu.memory_space<vmem>>, vector<1x16xi32>,
    %get3A_155 = arith.constant 1 : i32
    %get3A_156 = arith.index_cast %get3A_155 : i32 to index
    %get3A_157 = arith.constant 0 : index
    %get3A_158 = tpu.vector_load %arg11[%get3A_156, %get3A_157] {strides = array<i32>} : memref<8x128xi32, #tpu.memory_space<vmem>>, vector<1x16xi32>,
    %get3A_159 = vector.shape_cast %get3A_158 : vector<1x16xi32> to vector<16xi32>
    %ge3A_160 = arith.constant 51200 : i32
    %ge3A_161 = vector.broadcast %ge3A_160 : i32 to vector<16xi32>
    %ge3A_162 = arith.cmpi sge, %get3A_159, %ge3A_161 : vector<16xi32>
    %sub3A_163 = arith.constant 51200 : i32
    %sub3A_164 = vector.broadcast %sub3A_163 : i32 to vector<16xi32>
    %sub3A_165 = arith.subi %get3A_159, %sub3A_164 : vector<16xi32>
    %select_n3A_166 = arith.select %ge3A_162, %sub3A_165, %get3A_159 : vector<16xi1>, vector<16xi32>
    %swap3A_167 = arith.constant 1 : i32
    %swap3A_168 = arith.index_cast %swap3A_167 : i32 to index
    %swap3A_169 = arith.constant 0 : index
    %swap3A_170 = tpu.vector_load %arg12[%swap3A_168, %swap3A_169] {strides = array<i32>} : memref<8x128xi32, #tpu.memory_space<vmem>>, vector<1x16xi32>,
    %swap3A_171 = vector.shape_cast %swap3A_170 : vector<1x16xi32> to vector<16xi32>
    %swap3A_172 = vector.shape_cast %select_n3A_166 : vector<16xi32> to vector<1x16xi32>
    tpu.vector_store %arg12[%swap3A_168, %swap3A_169], %swap3A_172 {strides = array<i32>} : memref<8x128xi32, #tpu.memory_space<vmem>>, vector<1x16xi32>,
    %get3A_173 = arith.constant 1 : i32
    %get3A_174 = arith.index_cast %get3A_173 : i32 to index
    %get3A_175 = arith.constant 16 : index
    %get3A_176 = tpu.vector_load %arg11[%get3A_174, %get3A_175] {strides = array<i32>} : memref<8x128xi32, #tpu.memory_space<vmem>>, vector<1x16xi32>,
    %get3A_177 = vector.shape_cast %get3A_176 : vector<1x16xi32> to vector<16xi32>
    %ge3A_178 = arith.constant 51200 : i32
    %ge3A_179 = vector.broadcast %ge3A_178 : i32 to vector<16xi32>
    %ge3A_180 = arith.cmpi sge, %get3A_177, %ge3A_179 : vector<16xi32>
    %sub3A_181 = arith.constant 51200 : i32
    %sub3A_182 = vector.broadcast %sub3A_181 : i32 to vector<16xi32>
    %sub3A_183 = arith.subi %get3A_177, %sub3A_182 : vector<16xi32>
    %select_n3A_184 = arith.select %ge3A_180, %sub3A_183, %get3A_177 : vector<16xi1>, vector<16xi32>
    %swap3A_185 = arith.constant 1 : i32
    %swap3A_186 = arith.index_cast %swap3A_185 : i32 to index
    %swap3A_187 = arith.constant 16 : index
    %swap3A_188 = tpu.vector_load %arg12[%swap3A_186, %swap3A_187] {strides = array<i32>} : memref<8x128xi32, #tpu.memory_space<vmem>>, vector<1x16xi32>,
    %swap3A_189 = vector.shape_cast %swap3A_188 : vector<1x16xi32> to vector<16xi32>
    %swap3A_190 = vector.shape_cast %select_n3A_184 : vector<16xi32> to vector<1x16xi32>
    tpu.vector_store %arg12[%swap3A_186, %swap3A_187], %swap3A_190 {strides = array<i32>} : memref<8x128xi32, #tpu.memory_space<vmem>>, vector<1x16xi32>,
    %get3A_191 = arith.constant 1 : i32
    %get3A_192 = arith.index_cast %get3A_191 : i32 to index
    %get3A_193 = arith.constant 32 : index
    %get3A_194 = tpu.vector_load %arg11[%get3A_192, %get3A_193] {strides = array<i32>} : memref<8x128xi32, #tpu.memory_space<vmem>>, vector<1x16xi32>,
    %get3A_195 = vector.shape_cast %get3A_194 : vector<1x16xi32> to vector<16xi32>
    %ge3A_196 = arith.constant 51200 : i32
    %ge3A_197 = vector.broadcast %ge3A_196 : i32 to vector<16xi32>
    %ge3A_198 = arith.cmpi sge, %get3A_195, %ge3A_197 : vector<16xi32>
    %sub3A_199 = arith.constant 51200 : i32
    %sub3A_200 = vector.broadcast %sub3A_199 : i32 to vector<16xi32>
    %sub3A_201 = arith.subi %get3A_195, %sub3A_200 : vector<16xi32>
    %select_n3A_202 = arith.select %ge3A_198, %sub3A_201, %get3A_195 : vector<16xi1>, vector<16xi32>
    %swap3A_203 = arith.constant 1 : i32
    %swap3A_204 = arith.index_cast %swap3A_203 : i32 to index
    %swap3A_205 = arith.constant 32 : index
    %swap3A_206 = tpu.vector_load %arg12[%swap3A_204, %swap3A_205] {strides = array<i32>} : memref<8x128xi32, #tpu.memory_space<vmem>>, vector<1x16xi32>,
    %swap3A_207 = vector.shape_cast %swap3A_206 : vector<1x16xi32> to vector<16xi32>
    %swap3A_208 = vector.shape_cast %select_n3A_202 : vector<16xi32> to vector<1x16xi32>
    tpu.vector_store %arg12[%swap3A_204, %swap3A_205], %swap3A_208 {strides = array<i32>} : memref<8x128xi32, #tpu.memory_space<vmem>>, vector<1x16xi32>,
    %get3A_209 = arith.constant 1 : i32
    %get3A_210 = arith.index_cast %get3A_209 : i32 to index
    %get3A_211 = arith.constant 48 : index
    %get3A_212 = tpu.vector_load %arg11[%get3A_210, %get3A_211] {strides = array<i32>} : memref<8x128xi32, #tpu.memory_space<vmem>>, vector<1x16xi32>,
    %get3A_213 = vector.shape_cast %get3A_212 : vector<1x16xi32> to vector<16xi32>
    %ge3A_214 = arith.constant 51200 : i32
    %ge3A_215 = vector.broadcast %ge3A_214 : i32 to vector<16xi32>
    %ge3A_216 = arith.cmpi sge, %get3A_213, %ge3A_215 : vector<16xi32>
    %sub3A_217 = arith.constant 51200 : i32
    %sub3A_218 = vector.broadcast %sub3A_217 : i32 to vector<16xi32>
    %sub3A_219 = arith.subi %get3A_213, %sub3A_218 : vector<16xi32>
    %select_n3A_220 = arith.select %ge3A_216, %sub3A_219, %get3A_213 : vector<16xi1>, vector<16xi32>
    %swap3A_221 = arith.constant 1 : i32
    %swap3A_222 = arith.index_cast %swap3A_221 : i32 to index
    %swap3A_223 = arith.constant 48 : index
    %swap3A_224 = tpu.vector_load %arg12[%swap3A_222, %swap3A_223] {strides = array<i32>} : memref<8x128xi32, #tpu.memory_space<vmem>>, vector<1x16xi32>,
    %swap3A_225 = vector.shape_cast %swap3A_224 : vector<1x16xi32> to vector<16xi32>
    %swap3A_226 = vector.shape_cast %select_n3A_220 : vector<16xi32> to vector<1x16xi32>
    tpu.vector_store %arg12[%swap3A_222, %swap3A_223], %swap3A_226 {strides = array<i32>} : memref<8x128xi32, #tpu.memory_space<vmem>>, vector<1x16xi32>,
    %get3A_227 = arith.constant 1 : i32
    %get3A_228 = arith.index_cast %get3A_227 : i32 to index
    %get3A_229 = arith.constant 64 : index
    %get3A_230 = tpu.vector_load %arg11[%get3A_228, %get3A_229] {strides = array<i32>} : memref<8x128xi32, #tpu.memory_space<vmem>>, vector<1x16xi32>,
    %get3A_231 = vector.shape_cast %get3A_230 : vector<1x16xi32> to vector<16xi32>
    %ge3A_232 = arith.constant 51200 : i32
    %ge3A_233 = vector.broadcast %ge3A_232 : i32 to vector<16xi32>
    %ge3A_234 = arith.cmpi sge, %get3A_231, %ge3A_233 : vector<16xi32>
    %sub3A_235 = arith.constant 51200 : i32
    %sub3A_236 = vector.broadcast %sub3A_235 : i32 to vector<16xi32>
    %sub3A_237 = arith.subi %get3A_231, %sub3A_236 : vector<16xi32>
    %select_n3A_238 = arith.select %ge3A_234, %sub3A_237, %get3A_231 : vector<16xi1>, vector<16xi32>
    %swap3A_239 = arith.constant 1 : i32
    %swap3A_240 = arith.index_cast %swap3A_239 : i32 to index
    %swap3A_241 = arith.constant 64 : index
    %swap3A_242 = tpu.vector_load %arg12[%swap3A_240, %swap3A_241] {strides = array<i32>} : memref<8x128xi32, #tpu.memory_space<vmem>>, vector<1x16xi32>,
    %swap3A_243 = vector.shape_cast %swap3A_242 : vector<1x16xi32> to vector<16xi32>
    %swap3A_244 = vector.shape_cast %select_n3A_238 : vector<16xi32> to vector<1x16xi32>
    tpu.vector_store %arg12[%swap3A_240, %swap3A_241], %swap3A_244 {strides = array<i32>} : memref<8x128xi32, #tpu.memory_space<vmem>>, vector<1x16xi32>,
    %get3A_245 = arith.constant 1 : i32
    %get3A_246 = arith.index_cast %get3A_245 : i32 to index
    %get3A_247 = arith.constant 80 : index
    %get3A_248 = tpu.vector_load %arg11[%get3A_246, %get3A_247] {strides = array<i32>} : memref<8x128xi32, #tpu.memory_space<vmem>>, vector<1x16xi32>,
    %get3A_249 = vector.shape_cast %get3A_248 : vector<1x16xi32> to vector<16xi32>
    %ge3A_250 = arith.constant 51200 : i32
    %ge3A_251 = vector.broadcast %ge3A_250 : i32 to vector<16xi32>
    %ge3A_252 = arith.cmpi sge, %get3A_249, %ge3A_251 : vector<16xi32>
    %sub3A_253 = arith.constant 51200 : i32
    %sub3A_254 = vector.broadcast %sub3A_253 : i32 to vector<16xi32>
    %sub3A_255 = arith.subi %get3A_249, %sub3A_254 : vector<16xi32>
    %select_n3A_256 = arith.select %ge3A_252, %sub3A_255, %get3A_249 : vector<16xi1>, vector<16xi32>
    %swap3A_257 = arith.constant 1 : i32
    %swap3A_258 = arith.index_cast %swap3A_257 : i32 to index
    %swap3A_259 = arith.constant 80 : index
    %swap3A_260 = tpu.vector_load %arg12[%swap3A_258, %swap3A_259] {strides = array<i32>} : memref<8x128xi32, #tpu.memory_space<vmem>>, vector<1x16xi32>,
    %swap3A_261 = vector.shape_cast %swap3A_260 : vector<1x16xi32> to vector<16xi32>
    %swap3A_262 = vector.shape_cast %select_n3A_256 : vector<16xi32> to vector<1x16xi32>
    tpu.vector_store %arg12[%swap3A_258, %swap3A_259], %swap3A_262 {strides = array<i32>} : memref<8x128xi32, #tpu.memory_space<vmem>>, vector<1x16xi32>,
    %get3A_263 = arith.constant 1 : i32
    %get3A_264 = arith.index_cast %get3A_263 : i32 to index
    %get3A_265 = arith.constant 96 : index
    %get3A_266 = tpu.vector_load %arg11[%get3A_264, %get3A_265] {strides = array<i32>} : memref<8x128xi32, #tpu.memory_space<vmem>>, vector<1x16xi32>,
    %get3A_267 = vector.shape_cast %get3A_266 : vector<1x16xi32> to vector<16xi32>
    %ge3A_268 = arith.constant 51200 : i32
    %ge3A_269 = vector.broadcast %ge3A_268 : i32 to vector<16xi32>
    %ge3A_270 = arith.cmpi sge, %get3A_267, %ge3A_269 : vector<16xi32>
    %sub3A_271 = arith.constant 51200 : i32
    %sub3A_272 = vector.broadcast %sub3A_271 : i32 to vector<16xi32>
    %sub3A_273 = arith.subi %get3A_267, %sub3A_272 : vector<16xi32>
    %select_n3A_274 = arith.select %ge3A_270, %sub3A_273, %get3A_267 : vector<16xi1>, vector<16xi32>
    %swap3A_275 = arith.constant 1 : i32
    %swap3A_276 = arith.index_cast %swap3A_275 : i32 to index
    %swap3A_277 = arith.constant 96 : index
    %swap3A_278 = tpu.vector_load %arg12[%swap3A_276, %swap3A_277] {strides = array<i32>} : memref<8x128xi32, #tpu.memory_space<vmem>>, vector<1x16xi32>,
    %swap3A_279 = vector.shape_cast %swap3A_278 : vector<1x16xi32> to vector<16xi32>
    %swap3A_280 = vector.shape_cast %select_n3A_274 : vector<16xi32> to vector<1x16xi32>
    tpu.vector_store %arg12[%swap3A_276, %swap3A_277], %swap3A_280 {strides = array<i32>} : memref<8x128xi32, #tpu.memory_space<vmem>>, vector<1x16xi32>,
    %get3A_281 = arith.constant 1 : i32
    %get3A_282 = arith.index_cast %get3A_281 : i32 to index
    %get3A_283 = arith.constant 112 : index
    %get3A_284 = tpu.vector_load %arg11[%get3A_282, %get3A_283] {strides = array<i32>} : memref<8x128xi32, #tpu.memory_space<vmem>>, vector<1x16xi32>,
    %get3A_285 = vector.shape_cast %get3A_284 : vector<1x16xi32> to vector<16xi32>
    %ge3A_286 = arith.constant 51200 : i32
    %ge3A_287 = vector.broadcast %ge3A_286 : i32 to vector<16xi32>
    %ge3A_288 = arith.cmpi sge, %get3A_285, %ge3A_287 : vector<16xi32>
    %sub3A_289 = arith.constant 51200 : i32
    %sub3A_290 = vector.broadcast %sub3A_289 : i32 to vector<16xi32>
    %sub3A_291 = arith.subi %get3A_285, %sub3A_290 : vector<16xi32>
    %select_n3A_292 = arith.select %ge3A_288, %sub3A_291, %get3A_285 : vector<16xi1>, vector<16xi32>
    %swap3A_293 = arith.constant 1 : i32
    %swap3A_294 = arith.index_cast %swap3A_293 : i32 to index
    %swap3A_295 = arith.constant 112 : index
    %swap3A_296 = tpu.vector_load %arg12[%swap3A_294, %swap3A_295] {strides = array<i32>} : memref<8x128xi32, #tpu.memory_space<vmem>>, vector<1x16xi32>,
    %swap3A_297 = vector.shape_cast %swap3A_296 : vector<1x16xi32> to vector<16xi32>
    %swap3A_298 = vector.shape_cast %select_n3A_292 : vector<16xi32> to vector<1x16xi32>
    tpu.vector_store %arg12[%swap3A_294, %swap3A_295], %swap3A_298 {strides = array<i32>} : memref<8x128xi32, #tpu.memory_space<vmem>>, vector<1x16xi32>,
    %dma_start3A = arith.constant 0 : i32
    %dma_start3A_299 = arith.constant 0 : i32
    %dma_start3A_300 = arith.constant 0 : i32
    %dma_start3A_301 = tpu.memref_slice %arg13[%dma_start3A_299, %dma_start3A_300] : memref<256x128xf32, #tpu.memory_space<vmem>> -> memref<128x128xf32, #tpu.memory_space<vmem>>
    %dma_start3A_302 = arith.constant 0 : i32
    %dma_start3A_303 = tpu.memref_slice %arg12[%dma_start3A, %dma_start3A_302] : memref<8x128xi32, #tpu.memory_space<vmem>> -> memref<1x128xi32, #tpu.memory_space<vmem>>
    %dma_start3A_304 = tpu.memref_squeeze %dma_start3A_303 : memref<1x128xi32, #tpu.memory_space<vmem>> -> memref<128xi32, #tpu.memory_space<vmem>>
    %dma_start3A_305 = arith.constant 0 : i32
    %dma_start3A_306 = arith.constant 0 : i32
    %dma_start3A_307 = tpu.memref_slice %arg4[%dma_start3A_305, %dma_start3A_306] : memref<51200x128xf32, #tpu.memory_space<hbm>> -> memref<51200x128xf32, #tpu.memory_space<hbm>>
    tpu.enqueue_indirect_dma source(%dma_start3A_307 : memref<51200x128xf32, #tpu.memory_space<hbm>>) target(%dma_start3A_301 : memref<128x128xf32, #tpu.memory_space<vmem>>) offsets(%dma_start3A_304 : memref<128xi32, #tpu.memory_space<vmem>>) semaphore(%arg16 : memref<!tpu.dma_semaphore, #tpu.memory_space<semaphore_mem>>)
    %dma_start3A_308 = arith.constant 1 : i32
    %dma_start3A_309 = arith.constant 128 : i32
    %dma_start3A_310 = arith.constant 0 : i32
    %dma_start3A_311 = tpu.memref_slice %arg13[%dma_start3A_309, %dma_start3A_310] : memref<256x128xf32, #tpu.memory_space<vmem>> -> memref<128x128xf32, #tpu.memory_space<vmem>>
    %dma_start3A_312 = arith.constant 0 : i32
    %dma_start3A_313 = tpu.memref_slice %arg12[%dma_start3A_308, %dma_start3A_312] : memref<8x128xi32, #tpu.memory_space<vmem>> -> memref<1x128xi32, #tpu.memory_space<vmem>>
    %dma_start3A_314 = tpu.memref_squeeze %dma_start3A_313 : memref<1x128xi32, #tpu.memory_space<vmem>> -> memref<128xi32, #tpu.memory_space<vmem>>
    %dma_start3A_315 = arith.constant 0 : i32
    %dma_start3A_316 = arith.constant 0 : i32
    %dma_start3A_317 = tpu.memref_slice %arg4[%dma_start3A_315, %dma_start3A_316] : memref<51200x128xf32, #tpu.memory_space<hbm>> -> memref<51200x128xf32, #tpu.memory_space<hbm>>
    tpu.enqueue_indirect_dma source(%dma_start3A_317 : memref<51200x128xf32, #tpu.memory_space<hbm>>) target(%dma_start3A_311 : memref<128x128xf32, #tpu.memory_space<vmem>>) offsets(%dma_start3A_314 : memref<128xi32, #tpu.memory_space<vmem>>) semaphore(%arg16 : memref<!tpu.dma_semaphore, #tpu.memory_space<semaphore_mem>>)
    %dma_start3A_318 = arith.constant 0 : i32
    %dma_start3A_319 = arith.constant 0 : i32
    %dma_start3A_320 = tpu.memref_slice %arg14[%dma_start3A_319] : memref<256xf32, #tpu.memory_space<vmem>> -> memref<128xf32, #tpu.memory_space<vmem>>
    %dma_start3A_321 = arith.constant 0 : i32
    %dma_start3A_322 = tpu.memref_slice %arg10[%dma_start3A_318, %dma_start3A_321] : memref<8x128xi32, #tpu.memory_space<vmem>> -> memref<1x128xi32, #tpu.memory_space<vmem>>
    %dma_start3A_323 = tpu.memref_squeeze %dma_start3A_322 : memref<1x128xi32, #tpu.memory_space<vmem>> -> memref<128xi32, #tpu.memory_space<vmem>>
    %dma_start3A_324 = arith.constant 0 : i32
    %dma_start3A_325 = tpu.memref_slice %arg5[%dma_start3A_324] : memref<100000xf32, #tpu.memory_space<hbm>> -> memref<100000xf32, #tpu.memory_space<hbm>>
    tpu.enqueue_indirect_dma source(%dma_start3A_325 : memref<100000xf32, #tpu.memory_space<hbm>>) target(%dma_start3A_320 : memref<128xf32, #tpu.memory_space<vmem>>) offsets(%dma_start3A_323 : memref<128xi32, #tpu.memory_space<vmem>>) semaphore(%arg17 : memref<!tpu.dma_semaphore, #tpu.memory_space<semaphore_mem>>)
    %dma_start3A_326 = arith.constant 0 : i32
    %dma_start3A_327 = arith.constant 0 : i32
    %dma_start3A_328 = tpu.memref_slice %arg15[%dma_start3A_327] : memref<256xf32, #tpu.memory_space<vmem>> -> memref<128xf32, #tpu.memory_space<vmem>>
    %dma_start3A_329 = arith.constant 0 : i32
    %dma_start3A_330 = tpu.memref_slice %arg11[%dma_start3A_326, %dma_start3A_329] : memref<8x128xi32, #tpu.memory_space<vmem>> -> memref<1x128xi32, #tpu.memory_space<vmem>>
    %dma_start3A_331 = tpu.memref_squeeze %dma_start3A_330 : memref<1x128xi32, #tpu.memory_space<vmem>> -> memref<128xi32, #tpu.memory_space<vmem>>
    %dma_start3A_332 = arith.constant 0 : i32
    %dma_start3A_333 = tpu.memref_slice %arg6[%dma_start3A_332] : memref<100000xf32, #tpu.memory_space<hbm>> -> memref<100000xf32, #tpu.memory_space<hbm>>
    tpu.enqueue_indirect_dma source(%dma_start3A_333 : memref<100000xf32, #tpu.memory_space<hbm>>) target(%dma_start3A_328 : memref<128xf32, #tpu.memory_space<vmem>>) offsets(%dma_start3A_331 : memref<128xi32, #tpu.memory_space<vmem>>) semaphore(%arg17 : memref<!tpu.dma_semaphore, #tpu.memory_space<semaphore_mem>>)
    %dma_start3A_334 = arith.constant 1 : i32
    %dma_start3A_335 = arith.constant 128 : i32
    %dma_start3A_336 = tpu.memref_slice %arg14[%dma_start3A_335] : memref<256xf32, #tpu.memory_space<vmem>> -> memref<128xf32, #tpu.memory_space<vmem>>
    %dma_start3A_337 = arith.constant 0 : i32
    %dma_start3A_338 = tpu.memref_slice %arg10[%dma_start3A_334, %dma_start3A_337] : memref<8x128xi32, #tpu.memory_space<vmem>> -> memref<1x128xi32, #tpu.memory_space<vmem>>
    %dma_start3A_339 = tpu.memref_squeeze %dma_start3A_338 : memref<1x128xi32, #tpu.memory_space<vmem>> -> memref<128xi32, #tpu.memory_space<vmem>>
    %dma_start3A_340 = arith.constant 0 : i32
    %dma_start3A_341 = tpu.memref_slice %arg5[%dma_start3A_340] : memref<100000xf32, #tpu.memory_space<hbm>> -> memref<100000xf32, #tpu.memory_space<hbm>>
    tpu.enqueue_indirect_dma source(%dma_start3A_341 : memref<100000xf32, #tpu.memory_space<hbm>>) target(%dma_start3A_336 : memref<128xf32, #tpu.memory_space<vmem>>) offsets(%dma_start3A_339 : memref<128xi32, #tpu.memory_space<vmem>>) semaphore(%arg17 : memref<!tpu.dma_semaphore, #tpu.memory_space<semaphore_mem>>)
    %dma_start3A_342 = arith.constant 1 : i32
    %dma_start3A_343 = arith.constant 128 : i32
    %dma_start3A_344 = tpu.memref_slice %arg15[%dma_start3A_343] : memref<256xf32, #tpu.memory_space<vmem>> -> memref<128xf32, #tpu.memory_space<vmem>>
    %dma_start3A_345 = arith.constant 0 : i32
    %dma_start3A_346 = tpu.memref_slice %arg11[%dma_start3A_342, %dma_start3A_345] : memref<8x128xi32, #tpu.memory_space<vmem>> -> memref<1x128xi32, #tpu.memory_space<vmem>>
    %dma_start3A_347 = tpu.memref_squeeze %dma_start3A_346 : memref<1x128xi32, #tpu.memory_space<vmem>> -> memref<128xi32, #tpu.memory_space<vmem>>
    %dma_start3A_348 = arith.constant 0 : i32
    %dma_start3A_349 = tpu.memref_slice %arg6[%dma_start3A_348] : memref<100000xf32, #tpu.memory_space<hbm>> -> memref<100000xf32, #tpu.memory_space<hbm>>
    tpu.enqueue_indirect_dma source(%dma_start3A_349 : memref<100000xf32, #tpu.memory_space<hbm>>) target(%dma_start3A_344 : memref<128xf32, #tpu.memory_space<vmem>>) offsets(%dma_start3A_347 : memref<128xi32, #tpu.memory_space<vmem>>) semaphore(%arg17 : memref<!tpu.dma_semaphore, #tpu.memory_space<semaphore_mem>>)
    %dma_wait3A = arith.constant 0 : i32
    %dma_wait3A_350 = arith.constant 0 : i32
    %dma_wait3A_351 = arith.constant 0 : i32
    %dma_wait3A_352 = tpu.memref_slice %arg13[%dma_wait3A_350, %dma_wait3A_351] : memref<256x128xf32, #tpu.memory_space<vmem>> -> memref<128x128xf32, #tpu.memory_space<vmem>>
    %dma_wait3A_353 = arith.constant 0 : i32
    %dma_wait3A_354 = tpu.memref_slice %arg12[%dma_wait3A, %dma_wait3A_353] : memref<8x128xi32, #tpu.memory_space<vmem>> -> memref<1x128xi32, #tpu.memory_space<vmem>>
    %dma_wait3A_355 = tpu.memref_squeeze %dma_wait3A_354 : memref<1x128xi32, #tpu.memory_space<vmem>> -> memref<128xi32, #tpu.memory_space<vmem>>
    %dma_wait3A_356 = arith.constant 0 : i32
    %dma_wait3A_357 = arith.constant 0 : i32
    %dma_wait3A_358 = tpu.memref_slice %arg4[%dma_wait3A_356, %dma_wait3A_357] : memref<51200x128xf32, #tpu.memory_space<hbm>> -> memref<51200x128xf32, #tpu.memory_space<hbm>>
    tpu.wait_indirect_dma semaphore(%arg16 : memref<!tpu.dma_semaphore, #tpu.memory_space<semaphore_mem>>) src(%dma_wait3A_358 : memref<51200x128xf32, #tpu.memory_space<hbm>>) dst(%dma_wait3A_352 : memref<128x128xf32, #tpu.memory_space<vmem>>)
    %dma_wait3A_359 = arith.constant 1 : i32
    %dma_wait3A_360 = arith.constant 128 : i32
    %dma_wait3A_361 = arith.constant 0 : i32
    %dma_wait3A_362 = tpu.memref_slice %arg13[%dma_wait3A_360, %dma_wait3A_361] : memref<256x128xf32, #tpu.memory_space<vmem>> -> memref<128x128xf32, #tpu.memory_space<vmem>>
    %dma_wait3A_363 = arith.constant 0 : i32
    %dma_wait3A_364 = tpu.memref_slice %arg12[%dma_wait3A_359, %dma_wait3A_363] : memref<8x128xi32, #tpu.memory_space<vmem>> -> memref<1x128xi32, #tpu.memory_space<vmem>>
    %dma_wait3A_365 = tpu.memref_squeeze %dma_wait3A_364 : memref<1x128xi32, #tpu.memory_space<vmem>> -> memref<128xi32, #tpu.memory_space<vmem>>
    %dma_wait3A_366 = arith.constant 0 : i32
    %dma_wait3A_367 = arith.constant 0 : i32
    %dma_wait3A_368 = tpu.memref_slice %arg4[%dma_wait3A_366, %dma_wait3A_367] : memref<51200x128xf32, #tpu.memory_space<hbm>> -> memref<51200x128xf32, #tpu.memory_space<hbm>>
    tpu.wait_indirect_dma semaphore(%arg16 : memref<!tpu.dma_semaphore, #tpu.memory_space<semaphore_mem>>) src(%dma_wait3A_368 : memref<51200x128xf32, #tpu.memory_space<hbm>>) dst(%dma_wait3A_362 : memref<128x128xf32, #tpu.memory_space<vmem>>)
    %dma_wait3A_369 = arith.constant 0 : i32
    %dma_wait3A_370 = arith.constant 0 : i32
    %dma_wait3A_371 = tpu.memref_slice %arg14[%dma_wait3A_370] : memref<256xf32, #tpu.memory_space<vmem>> -> memref<128xf32, #tpu.memory_space<vmem>>
    %dma_wait3A_372 = arith.constant 0 : i32
    %dma_wait3A_373 = tpu.memref_slice %arg10[%dma_wait3A_369, %dma_wait3A_372] : memref<8x128xi32, #tpu.memory_space<vmem>> -> memref<1x128xi32, #tpu.memory_space<vmem>>
    %dma_wait3A_374 = tpu.memref_squeeze %dma_wait3A_373 : memref<1x128xi32, #tpu.memory_space<vmem>> -> memref<128xi32, #tpu.memory_space<vmem>>
    %dma_wait3A_375 = arith.constant 0 : i32
    %dma_wait3A_376 = tpu.memref_slice %arg5[%dma_wait3A_375] : memref<100000xf32, #tpu.memory_space<hbm>> -> memref<100000xf32, #tpu.memory_space<hbm>>
    tpu.wait_indirect_dma semaphore(%arg17 : memref<!tpu.dma_semaphore, #tpu.memory_space<semaphore_mem>>) src(%dma_wait3A_376 : memref<100000xf32, #tpu.memory_space<hbm>>) dst(%dma_wait3A_371 : memref<128xf32, #tpu.memory_space<vmem>>)
    %dma_wait3A_377 = arith.constant 0 : i32
    %dma_wait3A_378 = arith.constant 0 : i32
    %dma_wait3A_379 = tpu.memref_slice %arg15[%dma_wait3A_378] : memref<256xf32, #tpu.memory_space<vmem>> -> memref<128xf32, #tpu.memory_space<vmem>>
    %dma_wait3A_380 = arith.constant 0 : i32
    %dma_wait3A_381 = tpu.memref_slice %arg11[%dma_wait3A_377, %dma_wait3A_380] : memref<8x128xi32, #tpu.memory_space<vmem>> -> memref<1x128xi32, #tpu.memory_space<vmem>>
    %dma_wait3A_382 = tpu.memref_squeeze %dma_wait3A_381 : memref<1x128xi32, #tpu.memory_space<vmem>> -> memref<128xi32, #tpu.memory_space<vmem>>
    %dma_wait3A_383 = arith.constant 0 : i32
    %dma_wait3A_384 = tpu.memref_slice %arg6[%dma_wait3A_383] : memref<100000xf32, #tpu.memory_space<hbm>> -> memref<100000xf32, #tpu.memory_space<hbm>>
    tpu.wait_indirect_dma semaphore(%arg17 : memref<!tpu.dma_semaphore, #tpu.memory_space<semaphore_mem>>) src(%dma_wait3A_384 : memref<100000xf32, #tpu.memory_space<hbm>>) dst(%dma_wait3A_379 : memref<128xf32, #tpu.memory_space<vmem>>)
    %dma_wait3A_385 = arith.constant 1 : i32
    %dma_wait3A_386 = arith.constant 128 : i32
    %dma_wait3A_387 = tpu.memref_slice %arg14[%dma_wait3A_386] : memref<256xf32, #tpu.memory_space<vmem>> -> memref<128xf32, #tpu.memory_space<vmem>>
    %dma_wait3A_388 = arith.constant 0 : i32
    %dma_wait3A_389 = tpu.memref_slice %arg10[%dma_wait3A_385, %dma_wait3A_388] : memref<8x128xi32, #tpu.memory_space<vmem>> -> memref<1x128xi32, #tpu.memory_space<vmem>>
    %dma_wait3A_390 = tpu.memref_squeeze %dma_wait3A_389 : memref<1x128xi32, #tpu.memory_space<vmem>> -> memref<128xi32, #tpu.memory_space<vmem>>
    %dma_wait3A_391 = arith.constant 0 : i32
    %dma_wait3A_392 = tpu.memref_slice %arg5[%dma_wait3A_391] : memref<100000xf32, #tpu.memory_space<hbm>> -> memref<100000xf32, #tpu.memory_space<hbm>>
    tpu.wait_indirect_dma semaphore(%arg17 : memref<!tpu.dma_semaphore, #tpu.memory_space<semaphore_mem>>) src(%dma_wait3A_392 : memref<100000xf32, #tpu.memory_space<hbm>>) dst(%dma_wait3A_387 : memref<128xf32, #tpu.memory_space<vmem>>)
    %dma_wait3A_393 = arith.constant 1 : i32
    %dma_wait3A_394 = arith.constant 128 : i32
    %dma_wait3A_395 = tpu.memref_slice %arg15[%dma_wait3A_394] : memref<256xf32, #tpu.memory_space<vmem>> -> memref<128xf32, #tpu.memory_space<vmem>>
    %dma_wait3A_396 = arith.constant 0 : i32
    %dma_wait3A_397 = tpu.memref_slice %arg11[%dma_wait3A_393, %dma_wait3A_396] : memref<8x128xi32, #tpu.memory_space<vmem>> -> memref<1x128xi32, #tpu.memory_space<vmem>>
    %dma_wait3A_398 = tpu.memref_squeeze %dma_wait3A_397 : memref<1x128xi32, #tpu.memory_space<vmem>> -> memref<128xi32, #tpu.memory_space<vmem>>
    %dma_wait3A_399 = arith.constant 0 : i32
    %dma_wait3A_400 = tpu.memref_slice %arg6[%dma_wait3A_399] : memref<100000xf32, #tpu.memory_space<hbm>> -> memref<100000xf32, #tpu.memory_space<hbm>>
    tpu.wait_indirect_dma semaphore(%arg17 : memref<!tpu.dma_semaphore, #tpu.memory_space<semaphore_mem>>) src(%dma_wait3A_400 : memref<100000xf32, #tpu.memory_space<hbm>>) dst(%dma_wait3A_395 : memref<128xf32, #tpu.memory_space<vmem>>)
    "tpu.region"() ({
      %run_scoped3A_401 = tpu.sem_alloc : memref<!tpu.dma_semaphore, #tpu.memory_space<semaphore_mem>>
      %dma_start3A_402 = arith.constant 0 : i32
      %dma_start3A_403 = tpu.memref_slice %arg7[%mul3A_2, %dma_start3A_402] : memref<8192x128xf32, #tpu.memory_space<hbm>> -> memref<256x128xf32, #tpu.memory_space<hbm>>
      %dma_start3A_404 = arith.constant 0 : i32
      %dma_start3A_405 = tpu.memref_slice %arg7[%mul3A_2, %dma_start3A_404] : memref<8192x128xf32, #tpu.memory_space<hbm>> -> memref<256x128xf32, #tpu.memory_space<hbm>>
      tpu.enqueue_dma source(%arg13 : memref<256x128xf32, #tpu.memory_space<vmem>>) target(%dma_start3A_405 : memref<256x128xf32, #tpu.memory_space<hbm>>) target_semaphore(%run_scoped3A_401 : memref<!tpu.dma_semaphore, #tpu.memory_space<semaphore_mem>>)
      %dma_wait3A_406 = arith.constant 0 : i32
      %dma_wait3A_407 = tpu.memref_slice %arg7[%mul3A_2, %dma_wait3A_406] : memref<8192x128xf32, #tpu.memory_space<hbm>> -> memref<256x128xf32, #tpu.memory_space<hbm>>
      %dma_wait3A_408 = arith.constant 0 : i32
      %dma_wait3A_409 = tpu.memref_slice %arg7[%mul3A_2, %dma_wait3A_408] : memref<8192x128xf32, #tpu.memory_space<hbm>> -> memref<256x128xf32, #tpu.memory_space<hbm>>
      tpu.wait_dma2 semaphore(%run_scoped3A_401 : memref<!tpu.dma_semaphore, #tpu.memory_space<semaphore_mem>>) src(%arg13 : memref<256x128xf32, #tpu.memory_space<vmem>>) dst(%dma_wait3A_409 : memref<256x128xf32, #tpu.memory_space<hbm>>)
      tpu.yield
    }) : () -> ()
    "tpu.region"() ({
      %run_scoped3A_401 = tpu.sem_alloc : memref<!tpu.dma_semaphore, #tpu.memory_space<semaphore_mem>>
      %dma_start3A_402 = tpu.memref_slice %arg8[%mul3A_2] : memref<8192xf32, #tpu.memory_space<hbm>> -> memref<256xf32, #tpu.memory_space<hbm>>
      %dma_start3A_403 = tpu.memref_slice %arg8[%mul3A_2] : memref<8192xf32, #tpu.memory_space<hbm>> -> memref<256xf32, #tpu.memory_space<hbm>>
      tpu.enqueue_dma source(%arg14 : memref<256xf32, #tpu.memory_space<vmem>>) target(%dma_start3A_403 : memref<256xf32, #tpu.memory_space<hbm>>) target_semaphore(%run_scoped3A_401 : memref<!tpu.dma_semaphore, #tpu.memory_space<semaphore_mem>>)
      %dma_wait3A_404 = tpu.memref_slice %arg8[%mul3A_2] : memref<8192xf32, #tpu.memory_space<hbm>> -> memref<256xf32, #tpu.memory_space<hbm>>
      %dma_wait3A_405 = tpu.memref_slice %arg8[%mul3A_2] : memref<8192xf32, #tpu.memory_space<hbm>> -> memref<256xf32, #tpu.memory_space<hbm>>
      tpu.wait_dma2 semaphore(%run_scoped3A_401 : memref<!tpu.dma_semaphore, #tpu.memory_space<semaphore_mem>>) src(%arg14 : memref<256xf32, #tpu.memory_space<vmem>>) dst(%dma_wait3A_405 : memref<256xf32, #tpu.memory_space<hbm>>)
      tpu.yield
    }) : () -> ()
    "tpu.region"() ({
      %run_scoped3A_401 = tpu.sem_alloc : memref<!tpu.dma_semaphore, #tpu.memory_space<semaphore_mem>>
      %dma_start3A_402 = tpu.memref_slice %arg9[%mul3A_2] : memref<8192xf32, #tpu.memory_space<hbm>> -> memref<256xf32, #tpu.memory_space<hbm>>
      %dma_start3A_403 = tpu.memref_slice %arg9[%mul3A_2] : memref<8192xf32, #tpu.memory_space<hbm>> -> memref<256xf32, #tpu.memory_space<hbm>>
      tpu.enqueue_dma source(%arg15 : memref<256xf32, #tpu.memory_space<vmem>>) target(%dma_start3A_403 : memref<256xf32, #tpu.memory_space<hbm>>) target_semaphore(%run_scoped3A_401 : memref<!tpu.dma_semaphore, #tpu.memory_space<semaphore_mem>>)
      %dma_wait3A_404 = tpu.memref_slice %arg9[%mul3A_2] : memref<8192xf32, #tpu.memory_space<hbm>> -> memref<256xf32, #tpu.memory_space<hbm>>
      %dma_wait3A_405 = tpu.memref_slice %arg9[%mul3A_2] : memref<8192xf32, #tpu.memory_space<hbm>> -> memref<256xf32, #tpu.memory_space<hbm>>
      tpu.wait_dma2 semaphore(%run_scoped3A_401 : memref<!tpu.dma_semaphore, #tpu.memory_space<semaphore_mem>>) src(%arg15 : memref<256xf32, #tpu.memory_space<vmem>>) dst(%dma_wait3A_405 : memref<256xf32, #tpu.memory_space<hbm>>)
      tpu.yield
    }) : () -> ()
    return
  }
}

#map = affine_map<(d0, d1) -> (0)>
#map1 = affine_map<(d0, d1) -> (0, 0)>
module attributes {stable_mosaic.version = 14 : i64} {
  func.func @_sc_adr_body(%arg0: i32, %arg1: i32, %arg2: memref<16384xi32, #tpu.memory_space<hbm>>, %arg3: memref<16384xi32, #tpu.memory_space<hbm>>, %arg4: memref<51200x128xf32, #tpu.memory_space<hbm>>, %arg5: memref<100000xf32, #tpu.memory_space<hbm>>, %arg6: memref<100000xf32, #tpu.memory_space<hbm>>, %arg7: memref<8192x128xf32, #tpu.memory_space<hbm>>, %arg8: memref<8192xf32, #tpu.memory_space<hbm>>, %arg9: memref<8192xf32, #tpu.memory_space<hbm>>, %arg10: memref<8x128xi32, #tpu.memory_space<vmem>>, %arg11: memref<8x128xi32, #tpu.memory_space<vmem>>, %arg12: memref<8x128xi32, #tpu.memory_space<vmem>>, %arg13: memref<256x128xf32, #tpu.memory_space<vmem>>, %arg14: memref<256xf32, #tpu.memory_space<vmem>>, %arg15: memref<256xf32, #tpu.memory_space<vmem>>, %arg16: memref<!tpu.dma_semaphore, #tpu.memory_space<semaphore_mem>>, %arg17: memref<!tpu.dma_semaphore, #tpu.memory_space<semaphore_mem>>) attributes {dimension_semantics = [#tpu.dimension_semantics<core_parallel>, #tpu.dimension_semantics<subcore_parallel>], iteration_bounds = array<i64: 2, 16>, scalar_prefetch = 0 : i64, scratch_operands = 8 : i64, tpu.core_type = #tpu.core_type<sc_vector_subcore>, window_params = [{transform_indices = #map}, {transform_indices = #map}, {transform_indices = #map1}, {transform_indices = #map}, {transform_indices = #map}, {transform_indices = #map1}, {transform_indices = #map}, {transform_indices = #map}]} {
    %mul3A = arith.constant 2 : i32
    %mul3A_0 = arith.muli %arg1, %mul3A : i32
    %add3A = arith.addi %mul3A_0, %arg0 : i32
    %mul3A_1 = arith.constant 256 : i32
    %mul3A_2 = arith.muli %add3A, %mul3A_1 : i32
    %add3A_3 = arith.constant 8192 : i32
    %add3A_4 = arith.addi %add3A_3, %mul3A_2 : i32
    %add3A_5 = arith.constant 0 : i32
    %add3A_6 = arith.addi %add3A_4, %add3A_5 : i32
    %run_scoped3A = arith.constant 0 : i32
    "tpu.region"() ({
      %run_scoped3A_401 = tpu.sem_alloc : memref<!tpu.dma_semaphore, #tpu.memory_space<semaphore_mem>>
      %dma_start3A_402 = arith.constant 0 : i32
      %dma_start3A_403 = tpu.memref_slice %arg10[%run_scoped3A, %dma_start3A_402] : memref<8x128xi32, #tpu.memory_space<vmem>> -> memref<1x128xi32, #tpu.memory_space<vmem>>
      %dma_start3A_404 = tpu.memref_squeeze %dma_start3A_403 : memref<1x128xi32, #tpu.memory_space<vmem>> -> memref<128xi32, #tpu.memory_space<vmem>>
      %dma_start3A_405 = tpu.memref_slice %arg2[%add3A_6] : memref<16384xi32, #tpu.memory_space<hbm>> -> memref<128xi32, #tpu.memory_space<hbm>>
      %dma_start3A_406 = arith.constant 0 : i32
      %dma_start3A_407 = tpu.memref_slice %arg10[%run_scoped3A, %dma_start3A_406] : memref<8x128xi32, #tpu.memory_space<vmem>> -> memref<1x128xi32, #tpu.memory_space<vmem>>
      %dma_start3A_408 = tpu.memref_squeeze %dma_start3A_407 : memref<1x128xi32, #tpu.memory_space<vmem>> -> memref<128xi32, #tpu.memory_space<vmem>>
      %dma_start3A_409 = tpu.memref_slice %arg2[%add3A_6] : memref<16384xi32, #tpu.memory_space<hbm>> -> memref<128xi32, #tpu.memory_space<hbm>>
      tpu.enqueue_dma source(%dma_start3A_409 : memref<128xi32, #tpu.memory_space<hbm>>) target(%dma_start3A_408 : memref<128xi32, #tpu.memory_space<vmem>>) target_semaphore(%run_scoped3A_401 : memref<!tpu.dma_semaphore, #tpu.memory_space<semaphore_mem>>)
      %dma_wait3A_410 = arith.constant 0 : i32
      %dma_wait3A_411 = tpu.memref_slice %arg10[%run_scoped3A, %dma_wait3A_410] : memref<8x128xi32, #tpu.memory_space<vmem>> -> memref<1x128xi32, #tpu.memory_space<vmem>>
      %dma_wait3A_412 = tpu.memref_squeeze %dma_wait3A_411 : memref<1x128xi32, #tpu.memory_space<vmem>> -> memref<128xi32, #tpu.memory_space<vmem>>
      %dma_wait3A_413 = tpu.memref_slice %arg2[%add3A_6] : memref<16384xi32, #tpu.memory_space<hbm>> -> memref<128xi32, #tpu.memory_space<hbm>>
      %dma_wait3A_414 = arith.constant 0 : i32
      %dma_wait3A_415 = tpu.memref_slice %arg10[%run_scoped3A, %dma_wait3A_414] : memref<8x128xi32, #tpu.memory_space<vmem>> -> memref<1x128xi32, #tpu.memory_space<vmem>>
      %dma_wait3A_416 = tpu.memref_squeeze %dma_wait3A_415 : memref<1x128xi32, #tpu.memory_space<vmem>> -> memref<128xi32, #tpu.memory_space<vmem>>
      %dma_wait3A_417 = tpu.memref_slice %arg2[%add3A_6] : memref<16384xi32, #tpu.memory_space<hbm>> -> memref<128xi32, #tpu.memory_space<hbm>>
      tpu.wait_dma2 semaphore(%run_scoped3A_401 : memref<!tpu.dma_semaphore, #tpu.memory_space<semaphore_mem>>) src(%dma_wait3A_417 : memref<128xi32, #tpu.memory_space<hbm>>) dst(%dma_wait3A_416 : memref<128xi32, #tpu.memory_space<vmem>>)
      tpu.yield
    }) : () -> ()
    %add3A_7 = arith.constant 0 : i32
    %add3A_8 = arith.addi %add3A_4, %add3A_7 : i32
    %run_scoped3A_9 = arith.constant 0 : i32
    "tpu.region"() ({
      %run_scoped3A_401 = tpu.sem_alloc : memref<!tpu.dma_semaphore, #tpu.memory_space<semaphore_mem>>
      %dma_start3A_402 = arith.constant 0 : i32
      %dma_start3A_403 = tpu.memref_slice %arg11[%run_scoped3A_9, %dma_start3A_402] : memref<8x128xi32, #tpu.memory_space<vmem>> -> memref<1x128xi32, #tpu.memory_space<vmem>>
      %dma_start3A_404 = tpu.memref_squeeze %dma_start3A_403 : memref<1x128xi32, #tpu.memory_space<vmem>> -> memref<128xi32, #tpu.memory_space<vmem>>
      %dma_start3A_405 = tpu.memref_slice %arg3[%add3A_8] : memref<16384xi32, #tpu.memory_space<hbm>> -> memref<128xi32, #tpu.memory_space<hbm>>
      %dma_start3A_406 = arith.constant 0 : i32
      %dma_start3A_407 = tpu.memref_slice %arg11[%run_scoped3A_9, %dma_start3A_406] : memref<8x128xi32, #tpu.memory_space<vmem>> -> memref<1x128xi32, #tpu.memory_space<vmem>>
      %dma_start3A_408 = tpu.memref_squeeze %dma_start3A_407 : memref<1x128xi32, #tpu.memory_space<vmem>> -> memref<128xi32, #tpu.memory_space<vmem>>
      %dma_start3A_409 = tpu.memref_slice %arg3[%add3A_8] : memref<16384xi32, #tpu.memory_space<hbm>> -> memref<128xi32, #tpu.memory_space<hbm>>
      tpu.enqueue_dma source(%dma_start3A_409 : memref<128xi32, #tpu.memory_space<hbm>>) target(%dma_start3A_408 : memref<128xi32, #tpu.memory_space<vmem>>) target_semaphore(%run_scoped3A_401 : memref<!tpu.dma_semaphore, #tpu.memory_space<semaphore_mem>>)
      %dma_wait3A_410 = arith.constant 0 : i32
      %dma_wait3A_411 = tpu.memref_slice %arg11[%run_scoped3A_9, %dma_wait3A_410] : memref<8x128xi32, #tpu.memory_space<vmem>> -> memref<1x128xi32, #tpu.memory_space<vmem>>
      %dma_wait3A_412 = tpu.memref_squeeze %dma_wait3A_411 : memref<1x128xi32, #tpu.memory_space<vmem>> -> memref<128xi32, #tpu.memory_space<vmem>>
      %dma_wait3A_413 = tpu.memref_slice %arg3[%add3A_8] : memref<16384xi32, #tpu.memory_space<hbm>> -> memref<128xi32, #tpu.memory_space<hbm>>
      %dma_wait3A_414 = arith.constant 0 : i32
      %dma_wait3A_415 = tpu.memref_slice %arg11[%run_scoped3A_9, %dma_wait3A_414] : memref<8x128xi32, #tpu.memory_space<vmem>> -> memref<1x128xi32, #tpu.memory_space<vmem>>
      %dma_wait3A_416 = tpu.memref_squeeze %dma_wait3A_415 : memref<1x128xi32, #tpu.memory_space<vmem>> -> memref<128xi32, #tpu.memory_space<vmem>>
      %dma_wait3A_417 = tpu.memref_slice %arg3[%add3A_8] : memref<16384xi32, #tpu.memory_space<hbm>> -> memref<128xi32, #tpu.memory_space<hbm>>
      tpu.wait_dma2 semaphore(%run_scoped3A_401 : memref<!tpu.dma_semaphore, #tpu.memory_space<semaphore_mem>>) src(%dma_wait3A_417 : memref<128xi32, #tpu.memory_space<hbm>>) dst(%dma_wait3A_416 : memref<128xi32, #tpu.memory_space<vmem>>)
      tpu.yield
    }) : () -> ()
    %add3A_10 = arith.constant 128 : i32
    %add3A_11 = arith.addi %add3A_4, %add3A_10 : i32
    %run_scoped3A_12 = arith.constant 1 : i32
    "tpu.region"() ({
      %run_scoped3A_401 = tpu.sem_alloc : memref<!tpu.dma_semaphore, #tpu.memory_space<semaphore_mem>>
      %dma_start3A_402 = arith.constant 0 : i32
      %dma_start3A_403 = tpu.memref_slice %arg10[%run_scoped3A_12, %dma_start3A_402] : memref<8x128xi32, #tpu.memory_space<vmem>> -> memref<1x128xi32, #tpu.memory_space<vmem>>
      %dma_start3A_404 = tpu.memref_squeeze %dma_start3A_403 : memref<1x128xi32, #tpu.memory_space<vmem>> -> memref<128xi32, #tpu.memory_space<vmem>>
      %dma_start3A_405 = tpu.memref_slice %arg2[%add3A_11] : memref<16384xi32, #tpu.memory_space<hbm>> -> memref<128xi32, #tpu.memory_space<hbm>>
      %dma_start3A_406 = arith.constant 0 : i32
      %dma_start3A_407 = tpu.memref_slice %arg10[%run_scoped3A_12, %dma_start3A_406] : memref<8x128xi32, #tpu.memory_space<vmem>> -> memref<1x128xi32, #tpu.memory_space<vmem>>
      %dma_start3A_408 = tpu.memref_squeeze %dma_start3A_407 : memref<1x128xi32, #tpu.memory_space<vmem>> -> memref<128xi32, #tpu.memory_space<vmem>>
      %dma_start3A_409 = tpu.memref_slice %arg2[%add3A_11] : memref<16384xi32, #tpu.memory_space<hbm>> -> memref<128xi32, #tpu.memory_space<hbm>>
      tpu.enqueue_dma source(%dma_start3A_409 : memref<128xi32, #tpu.memory_space<hbm>>) target(%dma_start3A_408 : memref<128xi32, #tpu.memory_space<vmem>>) target_semaphore(%run_scoped3A_401 : memref<!tpu.dma_semaphore, #tpu.memory_space<semaphore_mem>>)
      %dma_wait3A_410 = arith.constant 0 : i32
      %dma_wait3A_411 = tpu.memref_slice %arg10[%run_scoped3A_12, %dma_wait3A_410] : memref<8x128xi32, #tpu.memory_space<vmem>> -> memref<1x128xi32, #tpu.memory_space<vmem>>
      %dma_wait3A_412 = tpu.memref_squeeze %dma_wait3A_411 : memref<1x128xi32, #tpu.memory_space<vmem>> -> memref<128xi32, #tpu.memory_space<vmem>>
      %dma_wait3A_413 = tpu.memref_slice %arg2[%add3A_11] : memref<16384xi32, #tpu.memory_space<hbm>> -> memref<128xi32, #tpu.memory_space<hbm>>
      %dma_wait3A_414 = arith.constant 0 : i32
      %dma_wait3A_415 = tpu.memref_slice %arg10[%run_scoped3A_12, %dma_wait3A_414] : memref<8x128xi32, #tpu.memory_space<vmem>> -> memref<1x128xi32, #tpu.memory_space<vmem>>
      %dma_wait3A_416 = tpu.memref_squeeze %dma_wait3A_415 : memref<1x128xi32, #tpu.memory_space<vmem>> -> memref<128xi32, #tpu.memory_space<vmem>>
      %dma_wait3A_417 = tpu.memref_slice %arg2[%add3A_11] : memref<16384xi32, #tpu.memory_space<hbm>> -> memref<128xi32, #tpu.memory_space<hbm>>
      tpu.wait_dma2 semaphore(%run_scoped3A_401 : memref<!tpu.dma_semaphore, #tpu.memory_space<semaphore_mem>>) src(%dma_wait3A_417 : memref<128xi32, #tpu.memory_space<hbm>>) dst(%dma_wait3A_416 : memref<128xi32, #tpu.memory_space<vmem>>)
      tpu.yield
    }) : () -> ()
    %add3A_13 = arith.constant 128 : i32
    %add3A_14 = arith.addi %add3A_4, %add3A_13 : i32
    %run_scoped3A_15 = arith.constant 1 : i32
    "tpu.region"() ({
      %run_scoped3A_401 = tpu.sem_alloc : memref<!tpu.dma_semaphore, #tpu.memory_space<semaphore_mem>>
      %dma_start3A_402 = arith.constant 0 : i32
      %dma_start3A_403 = tpu.memref_slice %arg11[%run_scoped3A_15, %dma_start3A_402] : memref<8x128xi32, #tpu.memory_space<vmem>> -> memref<1x128xi32, #tpu.memory_space<vmem>>
      %dma_start3A_404 = tpu.memref_squeeze %dma_start3A_403 : memref<1x128xi32, #tpu.memory_space<vmem>> -> memref<128xi32, #tpu.memory_space<vmem>>
      %dma_start3A_405 = tpu.memref_slice %arg3[%add3A_14] : memref<16384xi32, #tpu.memory_space<hbm>> -> memref<128xi32, #tpu.memory_space<hbm>>
      %dma_start3A_406 = arith.constant 0 : i32
      %dma_start3A_407 = tpu.memref_slice %arg11[%run_scoped3A_15, %dma_start3A_406] : memref<8x128xi32, #tpu.memory_space<vmem>> -> memref<1x128xi32, #tpu.memory_space<vmem>>
      %dma_start3A_408 = tpu.memref_squeeze %dma_start3A_407 : memref<1x128xi32, #tpu.memory_space<vmem>> -> memref<128xi32, #tpu.memory_space<vmem>>
      %dma_start3A_409 = tpu.memref_slice %arg3[%add3A_14] : memref<16384xi32, #tpu.memory_space<hbm>> -> memref<128xi32, #tpu.memory_space<hbm>>
      tpu.enqueue_dma source(%dma_start3A_409 : memref<128xi32, #tpu.memory_space<hbm>>) target(%dma_start3A_408 : memref<128xi32, #tpu.memory_space<vmem>>) target_semaphore(%run_scoped3A_401 : memref<!tpu.dma_semaphore, #tpu.memory_space<semaphore_mem>>)
      %dma_wait3A_410 = arith.constant 0 : i32
      %dma_wait3A_411 = tpu.memref_slice %arg11[%run_scoped3A_15, %dma_wait3A_410] : memref<8x128xi32, #tpu.memory_space<vmem>> -> memref<1x128xi32, #tpu.memory_space<vmem>>
      %dma_wait3A_412 = tpu.memref_squeeze %dma_wait3A_411 : memref<1x128xi32, #tpu.memory_space<vmem>> -> memref<128xi32, #tpu.memory_space<vmem>>
      %dma_wait3A_413 = tpu.memref_slice %arg3[%add3A_14] : memref<16384xi32, #tpu.memory_space<hbm>> -> memref<128xi32, #tpu.memory_space<hbm>>
      %dma_wait3A_414 = arith.constant 0 : i32
      %dma_wait3A_415 = tpu.memref_slice %arg11[%run_scoped3A_15, %dma_wait3A_414] : memref<8x128xi32, #tpu.memory_space<vmem>> -> memref<1x128xi32, #tpu.memory_space<vmem>>
      %dma_wait3A_416 = tpu.memref_squeeze %dma_wait3A_415 : memref<1x128xi32, #tpu.memory_space<vmem>> -> memref<128xi32, #tpu.memory_space<vmem>>
      %dma_wait3A_417 = tpu.memref_slice %arg3[%add3A_14] : memref<16384xi32, #tpu.memory_space<hbm>> -> memref<128xi32, #tpu.memory_space<hbm>>
      tpu.wait_dma2 semaphore(%run_scoped3A_401 : memref<!tpu.dma_semaphore, #tpu.memory_space<semaphore_mem>>) src(%dma_wait3A_417 : memref<128xi32, #tpu.memory_space<hbm>>) dst(%dma_wait3A_416 : memref<128xi32, #tpu.memory_space<vmem>>)
      tpu.yield
    }) : () -> ()
    %get3A = arith.constant 0 : i32
    %get3A_16 = arith.index_cast %get3A : i32 to index
    %get3A_17 = arith.constant 0 : index
    %get3A_18 = tpu.vector_load %arg11[%get3A_16, %get3A_17] {strides = array<i32>} : memref<8x128xi32, #tpu.memory_space<vmem>>, vector<1x16xi32>,
    %get3A_19 = vector.shape_cast %get3A_18 : vector<1x16xi32> to vector<16xi32>
    %ge3A = arith.constant 51200 : i32
    %ge3A_20 = vector.broadcast %ge3A : i32 to vector<16xi32>
    %ge3A_21 = arith.cmpi sge, %get3A_19, %ge3A_20 : vector<16xi32>
    %sub3A = arith.constant 51200 : i32
    %sub3A_22 = vector.broadcast %sub3A : i32 to vector<16xi32>
    %sub3A_23 = arith.subi %get3A_19, %sub3A_22 : vector<16xi32>
    %select_n3A = arith.select %ge3A_21, %sub3A_23, %get3A_19 : vector<16xi1>, vector<16xi32>
    %swap3A = arith.constant 0 : i32
    %swap3A_24 = arith.index_cast %swap3A : i32 to index
    %swap3A_25 = arith.constant 0 : index
    %swap3A_26 = tpu.vector_load %arg12[%swap3A_24, %swap3A_25] {strides = array<i32>} : memref<8x128xi32, #tpu.memory_space<vmem>>, vector<1x16xi32>,
    %swap3A_27 = vector.shape_cast %swap3A_26 : vector<1x16xi32> to vector<16xi32>
    %swap3A_28 = vector.shape_cast %select_n3A : vector<16xi32> to vector<1x16xi32>
    tpu.vector_store %arg12[%swap3A_24, %swap3A_25], %swap3A_28 {strides = array<i32>} : memref<8x128xi32, #tpu.memory_space<vmem>>, vector<1x16xi32>,
    %get3A_29 = arith.constant 0 : i32
    %get3A_30 = arith.index_cast %get3A_29 : i32 to index
    %get3A_31 = arith.constant 16 : index
    %get3A_32 = tpu.vector_load %arg11[%get3A_30, %get3A_31] {strides = array<i32>} : memref<8x128xi32, #tpu.memory_space<vmem>>, vector<1x16xi32>,
    %get3A_33 = vector.shape_cast %get3A_32 : vector<1x16xi32> to vector<16xi32>
    %ge3A_34 = arith.constant 51200 : i32
    %ge3A_35 = vector.broadcast %ge3A_34 : i32 to vector<16xi32>
    %ge3A_36 = arith.cmpi sge, %get3A_33, %ge3A_35 : vector<16xi32>
    %sub3A_37 = arith.constant 51200 : i32
    %sub3A_38 = vector.broadcast %sub3A_37 : i32 to vector<16xi32>
    %sub3A_39 = arith.subi %get3A_33, %sub3A_38 : vector<16xi32>
    %select_n3A_40 = arith.select %ge3A_36, %sub3A_39, %get3A_33 : vector<16xi1>, vector<16xi32>
    %swap3A_41 = arith.constant 0 : i32
    %swap3A_42 = arith.index_cast %swap3A_41 : i32 to index
    %swap3A_43 = arith.constant 16 : index
    %swap3A_44 = tpu.vector_load %arg12[%swap3A_42, %swap3A_43] {strides = array<i32>} : memref<8x128xi32, #tpu.memory_space<vmem>>, vector<1x16xi32>,
    %swap3A_45 = vector.shape_cast %swap3A_44 : vector<1x16xi32> to vector<16xi32>
    %swap3A_46 = vector.shape_cast %select_n3A_40 : vector<16xi32> to vector<1x16xi32>
    tpu.vector_store %arg12[%swap3A_42, %swap3A_43], %swap3A_46 {strides = array<i32>} : memref<8x128xi32, #tpu.memory_space<vmem>>, vector<1x16xi32>,
    %get3A_47 = arith.constant 0 : i32
    %get3A_48 = arith.index_cast %get3A_47 : i32 to index
    %get3A_49 = arith.constant 32 : index
    %get3A_50 = tpu.vector_load %arg11[%get3A_48, %get3A_49] {strides = array<i32>} : memref<8x128xi32, #tpu.memory_space<vmem>>, vector<1x16xi32>,
    %get3A_51 = vector.shape_cast %get3A_50 : vector<1x16xi32> to vector<16xi32>
    %ge3A_52 = arith.constant 51200 : i32
    %ge3A_53 = vector.broadcast %ge3A_52 : i32 to vector<16xi32>
    %ge3A_54 = arith.cmpi sge, %get3A_51, %ge3A_53 : vector<16xi32>
    %sub3A_55 = arith.constant 51200 : i32
    %sub3A_56 = vector.broadcast %sub3A_55 : i32 to vector<16xi32>
    %sub3A_57 = arith.subi %get3A_51, %sub3A_56 : vector<16xi32>
    %select_n3A_58 = arith.select %ge3A_54, %sub3A_57, %get3A_51 : vector<16xi1>, vector<16xi32>
    %swap3A_59 = arith.constant 0 : i32
    %swap3A_60 = arith.index_cast %swap3A_59 : i32 to index
    %swap3A_61 = arith.constant 32 : index
    %swap3A_62 = tpu.vector_load %arg12[%swap3A_60, %swap3A_61] {strides = array<i32>} : memref<8x128xi32, #tpu.memory_space<vmem>>, vector<1x16xi32>,
    %swap3A_63 = vector.shape_cast %swap3A_62 : vector<1x16xi32> to vector<16xi32>
    %swap3A_64 = vector.shape_cast %select_n3A_58 : vector<16xi32> to vector<1x16xi32>
    tpu.vector_store %arg12[%swap3A_60, %swap3A_61], %swap3A_64 {strides = array<i32>} : memref<8x128xi32, #tpu.memory_space<vmem>>, vector<1x16xi32>,
    %get3A_65 = arith.constant 0 : i32
    %get3A_66 = arith.index_cast %get3A_65 : i32 to index
    %get3A_67 = arith.constant 48 : index
    %get3A_68 = tpu.vector_load %arg11[%get3A_66, %get3A_67] {strides = array<i32>} : memref<8x128xi32, #tpu.memory_space<vmem>>, vector<1x16xi32>,
    %get3A_69 = vector.shape_cast %get3A_68 : vector<1x16xi32> to vector<16xi32>
    %ge3A_70 = arith.constant 51200 : i32
    %ge3A_71 = vector.broadcast %ge3A_70 : i32 to vector<16xi32>
    %ge3A_72 = arith.cmpi sge, %get3A_69, %ge3A_71 : vector<16xi32>
    %sub3A_73 = arith.constant 51200 : i32
    %sub3A_74 = vector.broadcast %sub3A_73 : i32 to vector<16xi32>
    %sub3A_75 = arith.subi %get3A_69, %sub3A_74 : vector<16xi32>
    %select_n3A_76 = arith.select %ge3A_72, %sub3A_75, %get3A_69 : vector<16xi1>, vector<16xi32>
    %swap3A_77 = arith.constant 0 : i32
    %swap3A_78 = arith.index_cast %swap3A_77 : i32 to index
    %swap3A_79 = arith.constant 48 : index
    %swap3A_80 = tpu.vector_load %arg12[%swap3A_78, %swap3A_79] {strides = array<i32>} : memref<8x128xi32, #tpu.memory_space<vmem>>, vector<1x16xi32>,
    %swap3A_81 = vector.shape_cast %swap3A_80 : vector<1x16xi32> to vector<16xi32>
    %swap3A_82 = vector.shape_cast %select_n3A_76 : vector<16xi32> to vector<1x16xi32>
    tpu.vector_store %arg12[%swap3A_78, %swap3A_79], %swap3A_82 {strides = array<i32>} : memref<8x128xi32, #tpu.memory_space<vmem>>, vector<1x16xi32>,
    %get3A_83 = arith.constant 0 : i32
    %get3A_84 = arith.index_cast %get3A_83 : i32 to index
    %get3A_85 = arith.constant 64 : index
    %get3A_86 = tpu.vector_load %arg11[%get3A_84, %get3A_85] {strides = array<i32>} : memref<8x128xi32, #tpu.memory_space<vmem>>, vector<1x16xi32>,
    %get3A_87 = vector.shape_cast %get3A_86 : vector<1x16xi32> to vector<16xi32>
    %ge3A_88 = arith.constant 51200 : i32
    %ge3A_89 = vector.broadcast %ge3A_88 : i32 to vector<16xi32>
    %ge3A_90 = arith.cmpi sge, %get3A_87, %ge3A_89 : vector<16xi32>
    %sub3A_91 = arith.constant 51200 : i32
    %sub3A_92 = vector.broadcast %sub3A_91 : i32 to vector<16xi32>
    %sub3A_93 = arith.subi %get3A_87, %sub3A_92 : vector<16xi32>
    %select_n3A_94 = arith.select %ge3A_90, %sub3A_93, %get3A_87 : vector<16xi1>, vector<16xi32>
    %swap3A_95 = arith.constant 0 : i32
    %swap3A_96 = arith.index_cast %swap3A_95 : i32 to index
    %swap3A_97 = arith.constant 64 : index
    %swap3A_98 = tpu.vector_load %arg12[%swap3A_96, %swap3A_97] {strides = array<i32>} : memref<8x128xi32, #tpu.memory_space<vmem>>, vector<1x16xi32>,
    %swap3A_99 = vector.shape_cast %swap3A_98 : vector<1x16xi32> to vector<16xi32>
    %swap3A_100 = vector.shape_cast %select_n3A_94 : vector<16xi32> to vector<1x16xi32>
    tpu.vector_store %arg12[%swap3A_96, %swap3A_97], %swap3A_100 {strides = array<i32>} : memref<8x128xi32, #tpu.memory_space<vmem>>, vector<1x16xi32>,
    %get3A_101 = arith.constant 0 : i32
    %get3A_102 = arith.index_cast %get3A_101 : i32 to index
    %get3A_103 = arith.constant 80 : index
    %get3A_104 = tpu.vector_load %arg11[%get3A_102, %get3A_103] {strides = array<i32>} : memref<8x128xi32, #tpu.memory_space<vmem>>, vector<1x16xi32>,
    %get3A_105 = vector.shape_cast %get3A_104 : vector<1x16xi32> to vector<16xi32>
    %ge3A_106 = arith.constant 51200 : i32
    %ge3A_107 = vector.broadcast %ge3A_106 : i32 to vector<16xi32>
    %ge3A_108 = arith.cmpi sge, %get3A_105, %ge3A_107 : vector<16xi32>
    %sub3A_109 = arith.constant 51200 : i32
    %sub3A_110 = vector.broadcast %sub3A_109 : i32 to vector<16xi32>
    %sub3A_111 = arith.subi %get3A_105, %sub3A_110 : vector<16xi32>
    %select_n3A_112 = arith.select %ge3A_108, %sub3A_111, %get3A_105 : vector<16xi1>, vector<16xi32>
    %swap3A_113 = arith.constant 0 : i32
    %swap3A_114 = arith.index_cast %swap3A_113 : i32 to index
    %swap3A_115 = arith.constant 80 : index
    %swap3A_116 = tpu.vector_load %arg12[%swap3A_114, %swap3A_115] {strides = array<i32>} : memref<8x128xi32, #tpu.memory_space<vmem>>, vector<1x16xi32>,
    %swap3A_117 = vector.shape_cast %swap3A_116 : vector<1x16xi32> to vector<16xi32>
    %swap3A_118 = vector.shape_cast %select_n3A_112 : vector<16xi32> to vector<1x16xi32>
    tpu.vector_store %arg12[%swap3A_114, %swap3A_115], %swap3A_118 {strides = array<i32>} : memref<8x128xi32, #tpu.memory_space<vmem>>, vector<1x16xi32>,
    %get3A_119 = arith.constant 0 : i32
    %get3A_120 = arith.index_cast %get3A_119 : i32 to index
    %get3A_121 = arith.constant 96 : index
    %get3A_122 = tpu.vector_load %arg11[%get3A_120, %get3A_121] {strides = array<i32>} : memref<8x128xi32, #tpu.memory_space<vmem>>, vector<1x16xi32>,
    %get3A_123 = vector.shape_cast %get3A_122 : vector<1x16xi32> to vector<16xi32>
    %ge3A_124 = arith.constant 51200 : i32
    %ge3A_125 = vector.broadcast %ge3A_124 : i32 to vector<16xi32>
    %ge3A_126 = arith.cmpi sge, %get3A_123, %ge3A_125 : vector<16xi32>
    %sub3A_127 = arith.constant 51200 : i32
    %sub3A_128 = vector.broadcast %sub3A_127 : i32 to vector<16xi32>
    %sub3A_129 = arith.subi %get3A_123, %sub3A_128 : vector<16xi32>
    %select_n3A_130 = arith.select %ge3A_126, %sub3A_129, %get3A_123 : vector<16xi1>, vector<16xi32>
    %swap3A_131 = arith.constant 0 : i32
    %swap3A_132 = arith.index_cast %swap3A_131 : i32 to index
    %swap3A_133 = arith.constant 96 : index
    %swap3A_134 = tpu.vector_load %arg12[%swap3A_132, %swap3A_133] {strides = array<i32>} : memref<8x128xi32, #tpu.memory_space<vmem>>, vector<1x16xi32>,
    %swap3A_135 = vector.shape_cast %swap3A_134 : vector<1x16xi32> to vector<16xi32>
    %swap3A_136 = vector.shape_cast %select_n3A_130 : vector<16xi32> to vector<1x16xi32>
    tpu.vector_store %arg12[%swap3A_132, %swap3A_133], %swap3A_136 {strides = array<i32>} : memref<8x128xi32, #tpu.memory_space<vmem>>, vector<1x16xi32>,
    %get3A_137 = arith.constant 0 : i32
    %get3A_138 = arith.index_cast %get3A_137 : i32 to index
    %get3A_139 = arith.constant 112 : index
    %get3A_140 = tpu.vector_load %arg11[%get3A_138, %get3A_139] {strides = array<i32>} : memref<8x128xi32, #tpu.memory_space<vmem>>, vector<1x16xi32>,
    %get3A_141 = vector.shape_cast %get3A_140 : vector<1x16xi32> to vector<16xi32>
    %ge3A_142 = arith.constant 51200 : i32
    %ge3A_143 = vector.broadcast %ge3A_142 : i32 to vector<16xi32>
    %ge3A_144 = arith.cmpi sge, %get3A_141, %ge3A_143 : vector<16xi32>
    %sub3A_145 = arith.constant 51200 : i32
    %sub3A_146 = vector.broadcast %sub3A_145 : i32 to vector<16xi32>
    %sub3A_147 = arith.subi %get3A_141, %sub3A_146 : vector<16xi32>
    %select_n3A_148 = arith.select %ge3A_144, %sub3A_147, %get3A_141 : vector<16xi1>, vector<16xi32>
    %swap3A_149 = arith.constant 0 : i32
    %swap3A_150 = arith.index_cast %swap3A_149 : i32 to index
    %swap3A_151 = arith.constant 112 : index
    %swap3A_152 = tpu.vector_load %arg12[%swap3A_150, %swap3A_151] {strides = array<i32>} : memref<8x128xi32, #tpu.memory_space<vmem>>, vector<1x16xi32>,
    %swap3A_153 = vector.shape_cast %swap3A_152 : vector<1x16xi32> to vector<16xi32>
    %swap3A_154 = vector.shape_cast %select_n3A_148 : vector<16xi32> to vector<1x16xi32>
    tpu.vector_store %arg12[%swap3A_150, %swap3A_151], %swap3A_154 {strides = array<i32>} : memref<8x128xi32, #tpu.memory_space<vmem>>, vector<1x16xi32>,
    %get3A_155 = arith.constant 1 : i32
    %get3A_156 = arith.index_cast %get3A_155 : i32 to index
    %get3A_157 = arith.constant 0 : index
    %get3A_158 = tpu.vector_load %arg11[%get3A_156, %get3A_157] {strides = array<i32>} : memref<8x128xi32, #tpu.memory_space<vmem>>, vector<1x16xi32>,
    %get3A_159 = vector.shape_cast %get3A_158 : vector<1x16xi32> to vector<16xi32>
    %ge3A_160 = arith.constant 51200 : i32
    %ge3A_161 = vector.broadcast %ge3A_160 : i32 to vector<16xi32>
    %ge3A_162 = arith.cmpi sge, %get3A_159, %ge3A_161 : vector<16xi32>
    %sub3A_163 = arith.constant 51200 : i32
    %sub3A_164 = vector.broadcast %sub3A_163 : i32 to vector<16xi32>
    %sub3A_165 = arith.subi %get3A_159, %sub3A_164 : vector<16xi32>
    %select_n3A_166 = arith.select %ge3A_162, %sub3A_165, %get3A_159 : vector<16xi1>, vector<16xi32>
    %swap3A_167 = arith.constant 1 : i32
    %swap3A_168 = arith.index_cast %swap3A_167 : i32 to index
    %swap3A_169 = arith.constant 0 : index
    %swap3A_170 = tpu.vector_load %arg12[%swap3A_168, %swap3A_169] {strides = array<i32>} : memref<8x128xi32, #tpu.memory_space<vmem>>, vector<1x16xi32>,
    %swap3A_171 = vector.shape_cast %swap3A_170 : vector<1x16xi32> to vector<16xi32>
    %swap3A_172 = vector.shape_cast %select_n3A_166 : vector<16xi32> to vector<1x16xi32>
    tpu.vector_store %arg12[%swap3A_168, %swap3A_169], %swap3A_172 {strides = array<i32>} : memref<8x128xi32, #tpu.memory_space<vmem>>, vector<1x16xi32>,
    %get3A_173 = arith.constant 1 : i32
    %get3A_174 = arith.index_cast %get3A_173 : i32 to index
    %get3A_175 = arith.constant 16 : index
    %get3A_176 = tpu.vector_load %arg11[%get3A_174, %get3A_175] {strides = array<i32>} : memref<8x128xi32, #tpu.memory_space<vmem>>, vector<1x16xi32>,
    %get3A_177 = vector.shape_cast %get3A_176 : vector<1x16xi32> to vector<16xi32>
    %ge3A_178 = arith.constant 51200 : i32
    %ge3A_179 = vector.broadcast %ge3A_178 : i32 to vector<16xi32>
    %ge3A_180 = arith.cmpi sge, %get3A_177, %ge3A_179 : vector<16xi32>
    %sub3A_181 = arith.constant 51200 : i32
    %sub3A_182 = vector.broadcast %sub3A_181 : i32 to vector<16xi32>
    %sub3A_183 = arith.subi %get3A_177, %sub3A_182 : vector<16xi32>
    %select_n3A_184 = arith.select %ge3A_180, %sub3A_183, %get3A_177 : vector<16xi1>, vector<16xi32>
    %swap3A_185 = arith.constant 1 : i32
    %swap3A_186 = arith.index_cast %swap3A_185 : i32 to index
    %swap3A_187 = arith.constant 16 : index
    %swap3A_188 = tpu.vector_load %arg12[%swap3A_186, %swap3A_187] {strides = array<i32>} : memref<8x128xi32, #tpu.memory_space<vmem>>, vector<1x16xi32>,
    %swap3A_189 = vector.shape_cast %swap3A_188 : vector<1x16xi32> to vector<16xi32>
    %swap3A_190 = vector.shape_cast %select_n3A_184 : vector<16xi32> to vector<1x16xi32>
    tpu.vector_store %arg12[%swap3A_186, %swap3A_187], %swap3A_190 {strides = array<i32>} : memref<8x128xi32, #tpu.memory_space<vmem>>, vector<1x16xi32>,
    %get3A_191 = arith.constant 1 : i32
    %get3A_192 = arith.index_cast %get3A_191 : i32 to index
    %get3A_193 = arith.constant 32 : index
    %get3A_194 = tpu.vector_load %arg11[%get3A_192, %get3A_193] {strides = array<i32>} : memref<8x128xi32, #tpu.memory_space<vmem>>, vector<1x16xi32>,
    %get3A_195 = vector.shape_cast %get3A_194 : vector<1x16xi32> to vector<16xi32>
    %ge3A_196 = arith.constant 51200 : i32
    %ge3A_197 = vector.broadcast %ge3A_196 : i32 to vector<16xi32>
    %ge3A_198 = arith.cmpi sge, %get3A_195, %ge3A_197 : vector<16xi32>
    %sub3A_199 = arith.constant 51200 : i32
    %sub3A_200 = vector.broadcast %sub3A_199 : i32 to vector<16xi32>
    %sub3A_201 = arith.subi %get3A_195, %sub3A_200 : vector<16xi32>
    %select_n3A_202 = arith.select %ge3A_198, %sub3A_201, %get3A_195 : vector<16xi1>, vector<16xi32>
    %swap3A_203 = arith.constant 1 : i32
    %swap3A_204 = arith.index_cast %swap3A_203 : i32 to index
    %swap3A_205 = arith.constant 32 : index
    %swap3A_206 = tpu.vector_load %arg12[%swap3A_204, %swap3A_205] {strides = array<i32>} : memref<8x128xi32, #tpu.memory_space<vmem>>, vector<1x16xi32>,
    %swap3A_207 = vector.shape_cast %swap3A_206 : vector<1x16xi32> to vector<16xi32>
    %swap3A_208 = vector.shape_cast %select_n3A_202 : vector<16xi32> to vector<1x16xi32>
    tpu.vector_store %arg12[%swap3A_204, %swap3A_205], %swap3A_208 {strides = array<i32>} : memref<8x128xi32, #tpu.memory_space<vmem>>, vector<1x16xi32>,
    %get3A_209 = arith.constant 1 : i32
    %get3A_210 = arith.index_cast %get3A_209 : i32 to index
    %get3A_211 = arith.constant 48 : index
    %get3A_212 = tpu.vector_load %arg11[%get3A_210, %get3A_211] {strides = array<i32>} : memref<8x128xi32, #tpu.memory_space<vmem>>, vector<1x16xi32>,
    %get3A_213 = vector.shape_cast %get3A_212 : vector<1x16xi32> to vector<16xi32>
    %ge3A_214 = arith.constant 51200 : i32
    %ge3A_215 = vector.broadcast %ge3A_214 : i32 to vector<16xi32>
    %ge3A_216 = arith.cmpi sge, %get3A_213, %ge3A_215 : vector<16xi32>
    %sub3A_217 = arith.constant 51200 : i32
    %sub3A_218 = vector.broadcast %sub3A_217 : i32 to vector<16xi32>
    %sub3A_219 = arith.subi %get3A_213, %sub3A_218 : vector<16xi32>
    %select_n3A_220 = arith.select %ge3A_216, %sub3A_219, %get3A_213 : vector<16xi1>, vector<16xi32>
    %swap3A_221 = arith.constant 1 : i32
    %swap3A_222 = arith.index_cast %swap3A_221 : i32 to index
    %swap3A_223 = arith.constant 48 : index
    %swap3A_224 = tpu.vector_load %arg12[%swap3A_222, %swap3A_223] {strides = array<i32>} : memref<8x128xi32, #tpu.memory_space<vmem>>, vector<1x16xi32>,
    %swap3A_225 = vector.shape_cast %swap3A_224 : vector<1x16xi32> to vector<16xi32>
    %swap3A_226 = vector.shape_cast %select_n3A_220 : vector<16xi32> to vector<1x16xi32>
    tpu.vector_store %arg12[%swap3A_222, %swap3A_223], %swap3A_226 {strides = array<i32>} : memref<8x128xi32, #tpu.memory_space<vmem>>, vector<1x16xi32>,
    %get3A_227 = arith.constant 1 : i32
    %get3A_228 = arith.index_cast %get3A_227 : i32 to index
    %get3A_229 = arith.constant 64 : index
    %get3A_230 = tpu.vector_load %arg11[%get3A_228, %get3A_229] {strides = array<i32>} : memref<8x128xi32, #tpu.memory_space<vmem>>, vector<1x16xi32>,
    %get3A_231 = vector.shape_cast %get3A_230 : vector<1x16xi32> to vector<16xi32>
    %ge3A_232 = arith.constant 51200 : i32
    %ge3A_233 = vector.broadcast %ge3A_232 : i32 to vector<16xi32>
    %ge3A_234 = arith.cmpi sge, %get3A_231, %ge3A_233 : vector<16xi32>
    %sub3A_235 = arith.constant 51200 : i32
    %sub3A_236 = vector.broadcast %sub3A_235 : i32 to vector<16xi32>
    %sub3A_237 = arith.subi %get3A_231, %sub3A_236 : vector<16xi32>
    %select_n3A_238 = arith.select %ge3A_234, %sub3A_237, %get3A_231 : vector<16xi1>, vector<16xi32>
    %swap3A_239 = arith.constant 1 : i32
    %swap3A_240 = arith.index_cast %swap3A_239 : i32 to index
    %swap3A_241 = arith.constant 64 : index
    %swap3A_242 = tpu.vector_load %arg12[%swap3A_240, %swap3A_241] {strides = array<i32>} : memref<8x128xi32, #tpu.memory_space<vmem>>, vector<1x16xi32>,
    %swap3A_243 = vector.shape_cast %swap3A_242 : vector<1x16xi32> to vector<16xi32>
    %swap3A_244 = vector.shape_cast %select_n3A_238 : vector<16xi32> to vector<1x16xi32>
    tpu.vector_store %arg12[%swap3A_240, %swap3A_241], %swap3A_244 {strides = array<i32>} : memref<8x128xi32, #tpu.memory_space<vmem>>, vector<1x16xi32>,
    %get3A_245 = arith.constant 1 : i32
    %get3A_246 = arith.index_cast %get3A_245 : i32 to index
    %get3A_247 = arith.constant 80 : index
    %get3A_248 = tpu.vector_load %arg11[%get3A_246, %get3A_247] {strides = array<i32>} : memref<8x128xi32, #tpu.memory_space<vmem>>, vector<1x16xi32>,
    %get3A_249 = vector.shape_cast %get3A_248 : vector<1x16xi32> to vector<16xi32>
    %ge3A_250 = arith.constant 51200 : i32
    %ge3A_251 = vector.broadcast %ge3A_250 : i32 to vector<16xi32>
    %ge3A_252 = arith.cmpi sge, %get3A_249, %ge3A_251 : vector<16xi32>
    %sub3A_253 = arith.constant 51200 : i32
    %sub3A_254 = vector.broadcast %sub3A_253 : i32 to vector<16xi32>
    %sub3A_255 = arith.subi %get3A_249, %sub3A_254 : vector<16xi32>
    %select_n3A_256 = arith.select %ge3A_252, %sub3A_255, %get3A_249 : vector<16xi1>, vector<16xi32>
    %swap3A_257 = arith.constant 1 : i32
    %swap3A_258 = arith.index_cast %swap3A_257 : i32 to index
    %swap3A_259 = arith.constant 80 : index
    %swap3A_260 = tpu.vector_load %arg12[%swap3A_258, %swap3A_259] {strides = array<i32>} : memref<8x128xi32, #tpu.memory_space<vmem>>, vector<1x16xi32>,
    %swap3A_261 = vector.shape_cast %swap3A_260 : vector<1x16xi32> to vector<16xi32>
    %swap3A_262 = vector.shape_cast %select_n3A_256 : vector<16xi32> to vector<1x16xi32>
    tpu.vector_store %arg12[%swap3A_258, %swap3A_259], %swap3A_262 {strides = array<i32>} : memref<8x128xi32, #tpu.memory_space<vmem>>, vector<1x16xi32>,
    %get3A_263 = arith.constant 1 : i32
    %get3A_264 = arith.index_cast %get3A_263 : i32 to index
    %get3A_265 = arith.constant 96 : index
    %get3A_266 = tpu.vector_load %arg11[%get3A_264, %get3A_265] {strides = array<i32>} : memref<8x128xi32, #tpu.memory_space<vmem>>, vector<1x16xi32>,
    %get3A_267 = vector.shape_cast %get3A_266 : vector<1x16xi32> to vector<16xi32>
    %ge3A_268 = arith.constant 51200 : i32
    %ge3A_269 = vector.broadcast %ge3A_268 : i32 to vector<16xi32>
    %ge3A_270 = arith.cmpi sge, %get3A_267, %ge3A_269 : vector<16xi32>
    %sub3A_271 = arith.constant 51200 : i32
    %sub3A_272 = vector.broadcast %sub3A_271 : i32 to vector<16xi32>
    %sub3A_273 = arith.subi %get3A_267, %sub3A_272 : vector<16xi32>
    %select_n3A_274 = arith.select %ge3A_270, %sub3A_273, %get3A_267 : vector<16xi1>, vector<16xi32>
    %swap3A_275 = arith.constant 1 : i32
    %swap3A_276 = arith.index_cast %swap3A_275 : i32 to index
    %swap3A_277 = arith.constant 96 : index
    %swap3A_278 = tpu.vector_load %arg12[%swap3A_276, %swap3A_277] {strides = array<i32>} : memref<8x128xi32, #tpu.memory_space<vmem>>, vector<1x16xi32>,
    %swap3A_279 = vector.shape_cast %swap3A_278 : vector<1x16xi32> to vector<16xi32>
    %swap3A_280 = vector.shape_cast %select_n3A_274 : vector<16xi32> to vector<1x16xi32>
    tpu.vector_store %arg12[%swap3A_276, %swap3A_277], %swap3A_280 {strides = array<i32>} : memref<8x128xi32, #tpu.memory_space<vmem>>, vector<1x16xi32>,
    %get3A_281 = arith.constant 1 : i32
    %get3A_282 = arith.index_cast %get3A_281 : i32 to index
    %get3A_283 = arith.constant 112 : index
    %get3A_284 = tpu.vector_load %arg11[%get3A_282, %get3A_283] {strides = array<i32>} : memref<8x128xi32, #tpu.memory_space<vmem>>, vector<1x16xi32>,
    %get3A_285 = vector.shape_cast %get3A_284 : vector<1x16xi32> to vector<16xi32>
    %ge3A_286 = arith.constant 51200 : i32
    %ge3A_287 = vector.broadcast %ge3A_286 : i32 to vector<16xi32>
    %ge3A_288 = arith.cmpi sge, %get3A_285, %ge3A_287 : vector<16xi32>
    %sub3A_289 = arith.constant 51200 : i32
    %sub3A_290 = vector.broadcast %sub3A_289 : i32 to vector<16xi32>
    %sub3A_291 = arith.subi %get3A_285, %sub3A_290 : vector<16xi32>
    %select_n3A_292 = arith.select %ge3A_288, %sub3A_291, %get3A_285 : vector<16xi1>, vector<16xi32>
    %swap3A_293 = arith.constant 1 : i32
    %swap3A_294 = arith.index_cast %swap3A_293 : i32 to index
    %swap3A_295 = arith.constant 112 : index
    %swap3A_296 = tpu.vector_load %arg12[%swap3A_294, %swap3A_295] {strides = array<i32>} : memref<8x128xi32, #tpu.memory_space<vmem>>, vector<1x16xi32>,
    %swap3A_297 = vector.shape_cast %swap3A_296 : vector<1x16xi32> to vector<16xi32>
    %swap3A_298 = vector.shape_cast %select_n3A_292 : vector<16xi32> to vector<1x16xi32>
    tpu.vector_store %arg12[%swap3A_294, %swap3A_295], %swap3A_298 {strides = array<i32>} : memref<8x128xi32, #tpu.memory_space<vmem>>, vector<1x16xi32>,
    %dma_start3A = arith.constant 0 : i32
    %dma_start3A_299 = arith.constant 0 : i32
    %dma_start3A_300 = arith.constant 0 : i32
    %dma_start3A_301 = tpu.memref_slice %arg13[%dma_start3A_299, %dma_start3A_300] : memref<256x128xf32, #tpu.memory_space<vmem>> -> memref<128x128xf32, #tpu.memory_space<vmem>>
    %dma_start3A_302 = arith.constant 0 : i32
    %dma_start3A_303 = tpu.memref_slice %arg12[%dma_start3A, %dma_start3A_302] : memref<8x128xi32, #tpu.memory_space<vmem>> -> memref<1x128xi32, #tpu.memory_space<vmem>>
    %dma_start3A_304 = tpu.memref_squeeze %dma_start3A_303 : memref<1x128xi32, #tpu.memory_space<vmem>> -> memref<128xi32, #tpu.memory_space<vmem>>
    %dma_start3A_305 = arith.constant 0 : i32
    %dma_start3A_306 = arith.constant 0 : i32
    %dma_start3A_307 = tpu.memref_slice %arg4[%dma_start3A_305, %dma_start3A_306] : memref<51200x128xf32, #tpu.memory_space<hbm>> -> memref<51200x128xf32, #tpu.memory_space<hbm>>
    tpu.enqueue_indirect_dma source(%dma_start3A_307 : memref<51200x128xf32, #tpu.memory_space<hbm>>) target(%dma_start3A_301 : memref<128x128xf32, #tpu.memory_space<vmem>>) offsets(%dma_start3A_304 : memref<128xi32, #tpu.memory_space<vmem>>) semaphore(%arg16 : memref<!tpu.dma_semaphore, #tpu.memory_space<semaphore_mem>>)
    %dma_start3A_308 = arith.constant 1 : i32
    %dma_start3A_309 = arith.constant 128 : i32
    %dma_start3A_310 = arith.constant 0 : i32
    %dma_start3A_311 = tpu.memref_slice %arg13[%dma_start3A_309, %dma_start3A_310] : memref<256x128xf32, #tpu.memory_space<vmem>> -> memref<128x128xf32, #tpu.memory_space<vmem>>
    %dma_start3A_312 = arith.constant 0 : i32
    %dma_start3A_313 = tpu.memref_slice %arg12[%dma_start3A_308, %dma_start3A_312] : memref<8x128xi32, #tpu.memory_space<vmem>> -> memref<1x128xi32, #tpu.memory_space<vmem>>
    %dma_start3A_314 = tpu.memref_squeeze %dma_start3A_313 : memref<1x128xi32, #tpu.memory_space<vmem>> -> memref<128xi32, #tpu.memory_space<vmem>>
    %dma_start3A_315 = arith.constant 0 : i32
    %dma_start3A_316 = arith.constant 0 : i32
    %dma_start3A_317 = tpu.memref_slice %arg4[%dma_start3A_315, %dma_start3A_316] : memref<51200x128xf32, #tpu.memory_space<hbm>> -> memref<51200x128xf32, #tpu.memory_space<hbm>>
    tpu.enqueue_indirect_dma source(%dma_start3A_317 : memref<51200x128xf32, #tpu.memory_space<hbm>>) target(%dma_start3A_311 : memref<128x128xf32, #tpu.memory_space<vmem>>) offsets(%dma_start3A_314 : memref<128xi32, #tpu.memory_space<vmem>>) semaphore(%arg16 : memref<!tpu.dma_semaphore, #tpu.memory_space<semaphore_mem>>)
    %dma_start3A_318 = arith.constant 0 : i32
    %dma_start3A_319 = arith.constant 0 : i32
    %dma_start3A_320 = tpu.memref_slice %arg14[%dma_start3A_319] : memref<256xf32, #tpu.memory_space<vmem>> -> memref<128xf32, #tpu.memory_space<vmem>>
    %dma_start3A_321 = arith.constant 0 : i32
    %dma_start3A_322 = tpu.memref_slice %arg10[%dma_start3A_318, %dma_start3A_321] : memref<8x128xi32, #tpu.memory_space<vmem>> -> memref<1x128xi32, #tpu.memory_space<vmem>>
    %dma_start3A_323 = tpu.memref_squeeze %dma_start3A_322 : memref<1x128xi32, #tpu.memory_space<vmem>> -> memref<128xi32, #tpu.memory_space<vmem>>
    %dma_start3A_324 = arith.constant 0 : i32
    %dma_start3A_325 = tpu.memref_slice %arg5[%dma_start3A_324] : memref<100000xf32, #tpu.memory_space<hbm>> -> memref<100000xf32, #tpu.memory_space<hbm>>
    tpu.enqueue_indirect_dma source(%dma_start3A_325 : memref<100000xf32, #tpu.memory_space<hbm>>) target(%dma_start3A_320 : memref<128xf32, #tpu.memory_space<vmem>>) offsets(%dma_start3A_323 : memref<128xi32, #tpu.memory_space<vmem>>) semaphore(%arg17 : memref<!tpu.dma_semaphore, #tpu.memory_space<semaphore_mem>>)
    %dma_start3A_326 = arith.constant 0 : i32
    %dma_start3A_327 = arith.constant 0 : i32
    %dma_start3A_328 = tpu.memref_slice %arg15[%dma_start3A_327] : memref<256xf32, #tpu.memory_space<vmem>> -> memref<128xf32, #tpu.memory_space<vmem>>
    %dma_start3A_329 = arith.constant 0 : i32
    %dma_start3A_330 = tpu.memref_slice %arg11[%dma_start3A_326, %dma_start3A_329] : memref<8x128xi32, #tpu.memory_space<vmem>> -> memref<1x128xi32, #tpu.memory_space<vmem>>
    %dma_start3A_331 = tpu.memref_squeeze %dma_start3A_330 : memref<1x128xi32, #tpu.memory_space<vmem>> -> memref<128xi32, #tpu.memory_space<vmem>>
    %dma_start3A_332 = arith.constant 0 : i32
    %dma_start3A_333 = tpu.memref_slice %arg6[%dma_start3A_332] : memref<100000xf32, #tpu.memory_space<hbm>> -> memref<100000xf32, #tpu.memory_space<hbm>>
    tpu.enqueue_indirect_dma source(%dma_start3A_333 : memref<100000xf32, #tpu.memory_space<hbm>>) target(%dma_start3A_328 : memref<128xf32, #tpu.memory_space<vmem>>) offsets(%dma_start3A_331 : memref<128xi32, #tpu.memory_space<vmem>>) semaphore(%arg17 : memref<!tpu.dma_semaphore, #tpu.memory_space<semaphore_mem>>)
    %dma_start3A_334 = arith.constant 1 : i32
    %dma_start3A_335 = arith.constant 128 : i32
    %dma_start3A_336 = tpu.memref_slice %arg14[%dma_start3A_335] : memref<256xf32, #tpu.memory_space<vmem>> -> memref<128xf32, #tpu.memory_space<vmem>>
    %dma_start3A_337 = arith.constant 0 : i32
    %dma_start3A_338 = tpu.memref_slice %arg10[%dma_start3A_334, %dma_start3A_337] : memref<8x128xi32, #tpu.memory_space<vmem>> -> memref<1x128xi32, #tpu.memory_space<vmem>>
    %dma_start3A_339 = tpu.memref_squeeze %dma_start3A_338 : memref<1x128xi32, #tpu.memory_space<vmem>> -> memref<128xi32, #tpu.memory_space<vmem>>
    %dma_start3A_340 = arith.constant 0 : i32
    %dma_start3A_341 = tpu.memref_slice %arg5[%dma_start3A_340] : memref<100000xf32, #tpu.memory_space<hbm>> -> memref<100000xf32, #tpu.memory_space<hbm>>
    tpu.enqueue_indirect_dma source(%dma_start3A_341 : memref<100000xf32, #tpu.memory_space<hbm>>) target(%dma_start3A_336 : memref<128xf32, #tpu.memory_space<vmem>>) offsets(%dma_start3A_339 : memref<128xi32, #tpu.memory_space<vmem>>) semaphore(%arg17 : memref<!tpu.dma_semaphore, #tpu.memory_space<semaphore_mem>>)
    %dma_start3A_342 = arith.constant 1 : i32
    %dma_start3A_343 = arith.constant 128 : i32
    %dma_start3A_344 = tpu.memref_slice %arg15[%dma_start3A_343] : memref<256xf32, #tpu.memory_space<vmem>> -> memref<128xf32, #tpu.memory_space<vmem>>
    %dma_start3A_345 = arith.constant 0 : i32
    %dma_start3A_346 = tpu.memref_slice %arg11[%dma_start3A_342, %dma_start3A_345] : memref<8x128xi32, #tpu.memory_space<vmem>> -> memref<1x128xi32, #tpu.memory_space<vmem>>
    %dma_start3A_347 = tpu.memref_squeeze %dma_start3A_346 : memref<1x128xi32, #tpu.memory_space<vmem>> -> memref<128xi32, #tpu.memory_space<vmem>>
    %dma_start3A_348 = arith.constant 0 : i32
    %dma_start3A_349 = tpu.memref_slice %arg6[%dma_start3A_348] : memref<100000xf32, #tpu.memory_space<hbm>> -> memref<100000xf32, #tpu.memory_space<hbm>>
    tpu.enqueue_indirect_dma source(%dma_start3A_349 : memref<100000xf32, #tpu.memory_space<hbm>>) target(%dma_start3A_344 : memref<128xf32, #tpu.memory_space<vmem>>) offsets(%dma_start3A_347 : memref<128xi32, #tpu.memory_space<vmem>>) semaphore(%arg17 : memref<!tpu.dma_semaphore, #tpu.memory_space<semaphore_mem>>)
    %dma_wait3A = arith.constant 0 : i32
    %dma_wait3A_350 = arith.constant 0 : i32
    %dma_wait3A_351 = arith.constant 0 : i32
    %dma_wait3A_352 = tpu.memref_slice %arg13[%dma_wait3A_350, %dma_wait3A_351] : memref<256x128xf32, #tpu.memory_space<vmem>> -> memref<128x128xf32, #tpu.memory_space<vmem>>
    %dma_wait3A_353 = arith.constant 0 : i32
    %dma_wait3A_354 = tpu.memref_slice %arg12[%dma_wait3A, %dma_wait3A_353] : memref<8x128xi32, #tpu.memory_space<vmem>> -> memref<1x128xi32, #tpu.memory_space<vmem>>
    %dma_wait3A_355 = tpu.memref_squeeze %dma_wait3A_354 : memref<1x128xi32, #tpu.memory_space<vmem>> -> memref<128xi32, #tpu.memory_space<vmem>>
    %dma_wait3A_356 = arith.constant 0 : i32
    %dma_wait3A_357 = arith.constant 0 : i32
    %dma_wait3A_358 = tpu.memref_slice %arg4[%dma_wait3A_356, %dma_wait3A_357] : memref<51200x128xf32, #tpu.memory_space<hbm>> -> memref<51200x128xf32, #tpu.memory_space<hbm>>
    tpu.wait_indirect_dma semaphore(%arg16 : memref<!tpu.dma_semaphore, #tpu.memory_space<semaphore_mem>>) src(%dma_wait3A_358 : memref<51200x128xf32, #tpu.memory_space<hbm>>) dst(%dma_wait3A_352 : memref<128x128xf32, #tpu.memory_space<vmem>>)
    %dma_wait3A_359 = arith.constant 1 : i32
    %dma_wait3A_360 = arith.constant 128 : i32
    %dma_wait3A_361 = arith.constant 0 : i32
    %dma_wait3A_362 = tpu.memref_slice %arg13[%dma_wait3A_360, %dma_wait3A_361] : memref<256x128xf32, #tpu.memory_space<vmem>> -> memref<128x128xf32, #tpu.memory_space<vmem>>
    %dma_wait3A_363 = arith.constant 0 : i32
    %dma_wait3A_364 = tpu.memref_slice %arg12[%dma_wait3A_359, %dma_wait3A_363] : memref<8x128xi32, #tpu.memory_space<vmem>> -> memref<1x128xi32, #tpu.memory_space<vmem>>
    %dma_wait3A_365 = tpu.memref_squeeze %dma_wait3A_364 : memref<1x128xi32, #tpu.memory_space<vmem>> -> memref<128xi32, #tpu.memory_space<vmem>>
    %dma_wait3A_366 = arith.constant 0 : i32
    %dma_wait3A_367 = arith.constant 0 : i32
    %dma_wait3A_368 = tpu.memref_slice %arg4[%dma_wait3A_366, %dma_wait3A_367] : memref<51200x128xf32, #tpu.memory_space<hbm>> -> memref<51200x128xf32, #tpu.memory_space<hbm>>
    tpu.wait_indirect_dma semaphore(%arg16 : memref<!tpu.dma_semaphore, #tpu.memory_space<semaphore_mem>>) src(%dma_wait3A_368 : memref<51200x128xf32, #tpu.memory_space<hbm>>) dst(%dma_wait3A_362 : memref<128x128xf32, #tpu.memory_space<vmem>>)
    %dma_wait3A_369 = arith.constant 0 : i32
    %dma_wait3A_370 = arith.constant 0 : i32
    %dma_wait3A_371 = tpu.memref_slice %arg14[%dma_wait3A_370] : memref<256xf32, #tpu.memory_space<vmem>> -> memref<128xf32, #tpu.memory_space<vmem>>
    %dma_wait3A_372 = arith.constant 0 : i32
    %dma_wait3A_373 = tpu.memref_slice %arg10[%dma_wait3A_369, %dma_wait3A_372] : memref<8x128xi32, #tpu.memory_space<vmem>> -> memref<1x128xi32, #tpu.memory_space<vmem>>
    %dma_wait3A_374 = tpu.memref_squeeze %dma_wait3A_373 : memref<1x128xi32, #tpu.memory_space<vmem>> -> memref<128xi32, #tpu.memory_space<vmem>>
    %dma_wait3A_375 = arith.constant 0 : i32
    %dma_wait3A_376 = tpu.memref_slice %arg5[%dma_wait3A_375] : memref<100000xf32, #tpu.memory_space<hbm>> -> memref<100000xf32, #tpu.memory_space<hbm>>
    tpu.wait_indirect_dma semaphore(%arg17 : memref<!tpu.dma_semaphore, #tpu.memory_space<semaphore_mem>>) src(%dma_wait3A_376 : memref<100000xf32, #tpu.memory_space<hbm>>) dst(%dma_wait3A_371 : memref<128xf32, #tpu.memory_space<vmem>>)
    %dma_wait3A_377 = arith.constant 0 : i32
    %dma_wait3A_378 = arith.constant 0 : i32
    %dma_wait3A_379 = tpu.memref_slice %arg15[%dma_wait3A_378] : memref<256xf32, #tpu.memory_space<vmem>> -> memref<128xf32, #tpu.memory_space<vmem>>
    %dma_wait3A_380 = arith.constant 0 : i32
    %dma_wait3A_381 = tpu.memref_slice %arg11[%dma_wait3A_377, %dma_wait3A_380] : memref<8x128xi32, #tpu.memory_space<vmem>> -> memref<1x128xi32, #tpu.memory_space<vmem>>
    %dma_wait3A_382 = tpu.memref_squeeze %dma_wait3A_381 : memref<1x128xi32, #tpu.memory_space<vmem>> -> memref<128xi32, #tpu.memory_space<vmem>>
    %dma_wait3A_383 = arith.constant 0 : i32
    %dma_wait3A_384 = tpu.memref_slice %arg6[%dma_wait3A_383] : memref<100000xf32, #tpu.memory_space<hbm>> -> memref<100000xf32, #tpu.memory_space<hbm>>
    tpu.wait_indirect_dma semaphore(%arg17 : memref<!tpu.dma_semaphore, #tpu.memory_space<semaphore_mem>>) src(%dma_wait3A_384 : memref<100000xf32, #tpu.memory_space<hbm>>) dst(%dma_wait3A_379 : memref<128xf32, #tpu.memory_space<vmem>>)
    %dma_wait3A_385 = arith.constant 1 : i32
    %dma_wait3A_386 = arith.constant 128 : i32
    %dma_wait3A_387 = tpu.memref_slice %arg14[%dma_wait3A_386] : memref<256xf32, #tpu.memory_space<vmem>> -> memref<128xf32, #tpu.memory_space<vmem>>
    %dma_wait3A_388 = arith.constant 0 : i32
    %dma_wait3A_389 = tpu.memref_slice %arg10[%dma_wait3A_385, %dma_wait3A_388] : memref<8x128xi32, #tpu.memory_space<vmem>> -> memref<1x128xi32, #tpu.memory_space<vmem>>
    %dma_wait3A_390 = tpu.memref_squeeze %dma_wait3A_389 : memref<1x128xi32, #tpu.memory_space<vmem>> -> memref<128xi32, #tpu.memory_space<vmem>>
    %dma_wait3A_391 = arith.constant 0 : i32
    %dma_wait3A_392 = tpu.memref_slice %arg5[%dma_wait3A_391] : memref<100000xf32, #tpu.memory_space<hbm>> -> memref<100000xf32, #tpu.memory_space<hbm>>
    tpu.wait_indirect_dma semaphore(%arg17 : memref<!tpu.dma_semaphore, #tpu.memory_space<semaphore_mem>>) src(%dma_wait3A_392 : memref<100000xf32, #tpu.memory_space<hbm>>) dst(%dma_wait3A_387 : memref<128xf32, #tpu.memory_space<vmem>>)
    %dma_wait3A_393 = arith.constant 1 : i32
    %dma_wait3A_394 = arith.constant 128 : i32
    %dma_wait3A_395 = tpu.memref_slice %arg15[%dma_wait3A_394] : memref<256xf32, #tpu.memory_space<vmem>> -> memref<128xf32, #tpu.memory_space<vmem>>
    %dma_wait3A_396 = arith.constant 0 : i32
    %dma_wait3A_397 = tpu.memref_slice %arg11[%dma_wait3A_393, %dma_wait3A_396] : memref<8x128xi32, #tpu.memory_space<vmem>> -> memref<1x128xi32, #tpu.memory_space<vmem>>
    %dma_wait3A_398 = tpu.memref_squeeze %dma_wait3A_397 : memref<1x128xi32, #tpu.memory_space<vmem>> -> memref<128xi32, #tpu.memory_space<vmem>>
    %dma_wait3A_399 = arith.constant 0 : i32
    %dma_wait3A_400 = tpu.memref_slice %arg6[%dma_wait3A_399] : memref<100000xf32, #tpu.memory_space<hbm>> -> memref<100000xf32, #tpu.memory_space<hbm>>
    tpu.wait_indirect_dma semaphore(%arg17 : memref<!tpu.dma_semaphore, #tpu.memory_space<semaphore_mem>>) src(%dma_wait3A_400 : memref<100000xf32, #tpu.memory_space<hbm>>) dst(%dma_wait3A_395 : memref<128xf32, #tpu.memory_space<vmem>>)
    "tpu.region"() ({
      %run_scoped3A_401 = tpu.sem_alloc : memref<!tpu.dma_semaphore, #tpu.memory_space<semaphore_mem>>
      %dma_start3A_402 = arith.constant 0 : i32
      %dma_start3A_403 = tpu.memref_slice %arg7[%mul3A_2, %dma_start3A_402] : memref<8192x128xf32, #tpu.memory_space<hbm>> -> memref<256x128xf32, #tpu.memory_space<hbm>>
      %dma_start3A_404 = arith.constant 0 : i32
      %dma_start3A_405 = tpu.memref_slice %arg7[%mul3A_2, %dma_start3A_404] : memref<8192x128xf32, #tpu.memory_space<hbm>> -> memref<256x128xf32, #tpu.memory_space<hbm>>
      tpu.enqueue_dma source(%arg13 : memref<256x128xf32, #tpu.memory_space<vmem>>) target(%dma_start3A_405 : memref<256x128xf32, #tpu.memory_space<hbm>>) target_semaphore(%run_scoped3A_401 : memref<!tpu.dma_semaphore, #tpu.memory_space<semaphore_mem>>)
      %dma_wait3A_406 = arith.constant 0 : i32
      %dma_wait3A_407 = tpu.memref_slice %arg7[%mul3A_2, %dma_wait3A_406] : memref<8192x128xf32, #tpu.memory_space<hbm>> -> memref<256x128xf32, #tpu.memory_space<hbm>>
      %dma_wait3A_408 = arith.constant 0 : i32
      %dma_wait3A_409 = tpu.memref_slice %arg7[%mul3A_2, %dma_wait3A_408] : memref<8192x128xf32, #tpu.memory_space<hbm>> -> memref<256x128xf32, #tpu.memory_space<hbm>>
      tpu.wait_dma2 semaphore(%run_scoped3A_401 : memref<!tpu.dma_semaphore, #tpu.memory_space<semaphore_mem>>) src(%arg13 : memref<256x128xf32, #tpu.memory_space<vmem>>) dst(%dma_wait3A_409 : memref<256x128xf32, #tpu.memory_space<hbm>>)
      tpu.yield
    }) : () -> ()
    "tpu.region"() ({
      %run_scoped3A_401 = tpu.sem_alloc : memref<!tpu.dma_semaphore, #tpu.memory_space<semaphore_mem>>
      %dma_start3A_402 = tpu.memref_slice %arg8[%mul3A_2] : memref<8192xf32, #tpu.memory_space<hbm>> -> memref<256xf32, #tpu.memory_space<hbm>>
      %dma_start3A_403 = tpu.memref_slice %arg8[%mul3A_2] : memref<8192xf32, #tpu.memory_space<hbm>> -> memref<256xf32, #tpu.memory_space<hbm>>
      tpu.enqueue_dma source(%arg14 : memref<256xf32, #tpu.memory_space<vmem>>) target(%dma_start3A_403 : memref<256xf32, #tpu.memory_space<hbm>>) target_semaphore(%run_scoped3A_401 : memref<!tpu.dma_semaphore, #tpu.memory_space<semaphore_mem>>)
      %dma_wait3A_404 = tpu.memref_slice %arg8[%mul3A_2] : memref<8192xf32, #tpu.memory_space<hbm>> -> memref<256xf32, #tpu.memory_space<hbm>>
      %dma_wait3A_405 = tpu.memref_slice %arg8[%mul3A_2] : memref<8192xf32, #tpu.memory_space<hbm>> -> memref<256xf32, #tpu.memory_space<hbm>>
      tpu.wait_dma2 semaphore(%run_scoped3A_401 : memref<!tpu.dma_semaphore, #tpu.memory_space<semaphore_mem>>) src(%arg14 : memref<256xf32, #tpu.memory_space<vmem>>) dst(%dma_wait3A_405 : memref<256xf32, #tpu.memory_space<hbm>>)
      tpu.yield
    }) : () -> ()
    "tpu.region"() ({
      %run_scoped3A_401 = tpu.sem_alloc : memref<!tpu.dma_semaphore, #tpu.memory_space<semaphore_mem>>
      %dma_start3A_402 = tpu.memref_slice %arg9[%mul3A_2] : memref<8192xf32, #tpu.memory_space<hbm>> -> memref<256xf32, #tpu.memory_space<hbm>>
      %dma_start3A_403 = tpu.memref_slice %arg9[%mul3A_2] : memref<8192xf32, #tpu.memory_space<hbm>> -> memref<256xf32, #tpu.memory_space<hbm>>
      tpu.enqueue_dma source(%arg15 : memref<256xf32, #tpu.memory_space<vmem>>) target(%dma_start3A_403 : memref<256xf32, #tpu.memory_space<hbm>>) target_semaphore(%run_scoped3A_401 : memref<!tpu.dma_semaphore, #tpu.memory_space<semaphore_mem>>)
      %dma_wait3A_404 = tpu.memref_slice %arg9[%mul3A_2] : memref<8192xf32, #tpu.memory_space<hbm>> -> memref<256xf32, #tpu.memory_space<hbm>>
      %dma_wait3A_405 = tpu.memref_slice %arg9[%mul3A_2] : memref<8192xf32, #tpu.memory_space<hbm>> -> memref<256xf32, #tpu.memory_space<hbm>>
      tpu.wait_dma2 semaphore(%run_scoped3A_401 : memref<!tpu.dma_semaphore, #tpu.memory_space<semaphore_mem>>) src(%arg15 : memref<256xf32, #tpu.memory_space<vmem>>) dst(%dma_wait3A_405 : memref<256xf32, #tpu.memory_space<hbm>>)
      tpu.yield
    }) : () -> ()
    return
  }
}

#map = affine_map<(d0, d1) -> (0)>
#map1 = affine_map<(d0, d1) -> (0, 0)>
module attributes {stable_mosaic.version = 14 : i64} {
  func.func @_sc_drug_body(%arg0: i32, %arg1: i32, %arg2: memref<16384xi32, #tpu.memory_space<hbm>>, %arg3: memref<100000x256xf32, #tpu.memory_space<hbm>>, %arg4: memref<16384x256xf32, #tpu.memory_space<hbm>>, %arg5: memref<8x128xi32, #tpu.memory_space<vmem>>, %arg6: memref<128x256xf32, #tpu.memory_space<vmem>>, %arg7: memref<128x256xf32, #tpu.memory_space<vmem>>, %arg8: memref<!tpu.dma_semaphore, #tpu.memory_space<semaphore_mem>>) attributes {dimension_semantics = [#tpu.dimension_semantics<core_parallel>, #tpu.dimension_semantics<subcore_parallel>], iteration_bounds = array<i64: 2, 16>, scalar_prefetch = 0 : i64, scratch_operands = 4 : i64, tpu.core_type = #tpu.core_type<sc_vector_subcore>, window_params = [{transform_indices = #map}, {transform_indices = #map1}, {transform_indices = #map1}]} {
    %mul3A = arith.constant 2 : i32
    %mul3A_0 = arith.muli %arg1, %mul3A : i32
    %add3A = arith.addi %mul3A_0, %arg0 : i32
    %mul3A_1 = arith.constant 512 : i32
    %mul3A_2 = arith.muli %add3A, %mul3A_1 : i32
    %add3A_3 = arith.constant 0 : i32
    %add3A_4 = arith.addi %mul3A_2, %add3A_3 : i32
    %run_scoped3A = arith.constant 0 : i32
    "tpu.region"() ({
      %run_scoped3A_76 = tpu.sem_alloc : memref<!tpu.dma_semaphore, #tpu.memory_space<semaphore_mem>>
      %dma_start3A_77 = arith.constant 0 : i32
      %dma_start3A_78 = tpu.memref_slice %arg5[%run_scoped3A, %dma_start3A_77] : memref<8x128xi32, #tpu.memory_space<vmem>> -> memref<1x128xi32, #tpu.memory_space<vmem>>
      %dma_start3A_79 = tpu.memref_squeeze %dma_start3A_78 : memref<1x128xi32, #tpu.memory_space<vmem>> -> memref<128xi32, #tpu.memory_space<vmem>>
      %dma_start3A_80 = tpu.memref_slice %arg2[%add3A_4] : memref<16384xi32, #tpu.memory_space<hbm>> -> memref<128xi32, #tpu.memory_space<hbm>>
      %dma_start3A_81 = arith.constant 0 : i32
      %dma_start3A_82 = tpu.memref_slice %arg5[%run_scoped3A, %dma_start3A_81] : memref<8x128xi32, #tpu.memory_space<vmem>> -> memref<1x128xi32, #tpu.memory_space<vmem>>
      %dma_start3A_83 = tpu.memref_squeeze %dma_start3A_82 : memref<1x128xi32, #tpu.memory_space<vmem>> -> memref<128xi32, #tpu.memory_space<vmem>>
      %dma_start3A_84 = tpu.memref_slice %arg2[%add3A_4] : memref<16384xi32, #tpu.memory_space<hbm>> -> memref<128xi32, #tpu.memory_space<hbm>>
      tpu.enqueue_dma source(%dma_start3A_84 : memref<128xi32, #tpu.memory_space<hbm>>) target(%dma_start3A_83 : memref<128xi32, #tpu.memory_space<vmem>>) target_semaphore(%run_scoped3A_76 : memref<!tpu.dma_semaphore, #tpu.memory_space<semaphore_mem>>)
      %dma_wait3A_85 = arith.constant 0 : i32
      %dma_wait3A_86 = tpu.memref_slice %arg5[%run_scoped3A, %dma_wait3A_85] : memref<8x128xi32, #tpu.memory_space<vmem>> -> memref<1x128xi32, #tpu.memory_space<vmem>>
      %dma_wait3A_87 = tpu.memref_squeeze %dma_wait3A_86 : memref<1x128xi32, #tpu.memory_space<vmem>> -> memref<128xi32, #tpu.memory_space<vmem>>
      %dma_wait3A_88 = tpu.memref_slice %arg2[%add3A_4] : memref<16384xi32, #tpu.memory_space<hbm>> -> memref<128xi32, #tpu.memory_space<hbm>>
      %dma_wait3A_89 = arith.constant 0 : i32
      %dma_wait3A_90 = tpu.memref_slice %arg5[%run_scoped3A, %dma_wait3A_89] : memref<8x128xi32, #tpu.memory_space<vmem>> -> memref<1x128xi32, #tpu.memory_space<vmem>>
      %dma_wait3A_91 = tpu.memref_squeeze %dma_wait3A_90 : memref<1x128xi32, #tpu.memory_space<vmem>> -> memref<128xi32, #tpu.memory_space<vmem>>
      %dma_wait3A_92 = tpu.memref_slice %arg2[%add3A_4] : memref<16384xi32, #tpu.memory_space<hbm>> -> memref<128xi32, #tpu.memory_space<hbm>>
      tpu.wait_dma2 semaphore(%run_scoped3A_76 : memref<!tpu.dma_semaphore, #tpu.memory_space<semaphore_mem>>) src(%dma_wait3A_92 : memref<128xi32, #tpu.memory_space<hbm>>) dst(%dma_wait3A_91 : memref<128xi32, #tpu.memory_space<vmem>>)
      tpu.yield
    }) : () -> ()
    %add3A_5 = arith.constant 128 : i32
    %add3A_6 = arith.addi %mul3A_2, %add3A_5 : i32
    %run_scoped3A_7 = arith.constant 1 : i32
    "tpu.region"() ({
      %run_scoped3A_76 = tpu.sem_alloc : memref<!tpu.dma_semaphore, #tpu.memory_space<semaphore_mem>>
      %dma_start3A_77 = arith.constant 0 : i32
      %dma_start3A_78 = tpu.memref_slice %arg5[%run_scoped3A_7, %dma_start3A_77] : memref<8x128xi32, #tpu.memory_space<vmem>> -> memref<1x128xi32, #tpu.memory_space<vmem>>
      %dma_start3A_79 = tpu.memref_squeeze %dma_start3A_78 : memref<1x128xi32, #tpu.memory_space<vmem>> -> memref<128xi32, #tpu.memory_space<vmem>>
      %dma_start3A_80 = tpu.memref_slice %arg2[%add3A_6] : memref<16384xi32, #tpu.memory_space<hbm>> -> memref<128xi32, #tpu.memory_space<hbm>>
      %dma_start3A_81 = arith.constant 0 : i32
      %dma_start3A_82 = tpu.memref_slice %arg5[%run_scoped3A_7, %dma_start3A_81] : memref<8x128xi32, #tpu.memory_space<vmem>> -> memref<1x128xi32, #tpu.memory_space<vmem>>
      %dma_start3A_83 = tpu.memref_squeeze %dma_start3A_82 : memref<1x128xi32, #tpu.memory_space<vmem>> -> memref<128xi32, #tpu.memory_space<vmem>>
      %dma_start3A_84 = tpu.memref_slice %arg2[%add3A_6] : memref<16384xi32, #tpu.memory_space<hbm>> -> memref<128xi32, #tpu.memory_space<hbm>>
      tpu.enqueue_dma source(%dma_start3A_84 : memref<128xi32, #tpu.memory_space<hbm>>) target(%dma_start3A_83 : memref<128xi32, #tpu.memory_space<vmem>>) target_semaphore(%run_scoped3A_76 : memref<!tpu.dma_semaphore, #tpu.memory_space<semaphore_mem>>)
      %dma_wait3A_85 = arith.constant 0 : i32
      %dma_wait3A_86 = tpu.memref_slice %arg5[%run_scoped3A_7, %dma_wait3A_85] : memref<8x128xi32, #tpu.memory_space<vmem>> -> memref<1x128xi32, #tpu.memory_space<vmem>>
      %dma_wait3A_87 = tpu.memref_squeeze %dma_wait3A_86 : memref<1x128xi32, #tpu.memory_space<vmem>> -> memref<128xi32, #tpu.memory_space<vmem>>
      %dma_wait3A_88 = tpu.memref_slice %arg2[%add3A_6] : memref<16384xi32, #tpu.memory_space<hbm>> -> memref<128xi32, #tpu.memory_space<hbm>>
      %dma_wait3A_89 = arith.constant 0 : i32
      %dma_wait3A_90 = tpu.memref_slice %arg5[%run_scoped3A_7, %dma_wait3A_89] : memref<8x128xi32, #tpu.memory_space<vmem>> -> memref<1x128xi32, #tpu.memory_space<vmem>>
      %dma_wait3A_91 = tpu.memref_squeeze %dma_wait3A_90 : memref<1x128xi32, #tpu.memory_space<vmem>> -> memref<128xi32, #tpu.memory_space<vmem>>
      %dma_wait3A_92 = tpu.memref_slice %arg2[%add3A_6] : memref<16384xi32, #tpu.memory_space<hbm>> -> memref<128xi32, #tpu.memory_space<hbm>>
      tpu.wait_dma2 semaphore(%run_scoped3A_76 : memref<!tpu.dma_semaphore, #tpu.memory_space<semaphore_mem>>) src(%dma_wait3A_92 : memref<128xi32, #tpu.memory_space<hbm>>) dst(%dma_wait3A_91 : memref<128xi32, #tpu.memory_space<vmem>>)
      tpu.yield
    }) : () -> ()
    %add3A_8 = arith.constant 256 : i32
    %add3A_9 = arith.addi %mul3A_2, %add3A_8 : i32
    %run_scoped3A_10 = arith.constant 2 : i32
    "tpu.region"() ({
      %run_scoped3A_76 = tpu.sem_alloc : memref<!tpu.dma_semaphore, #tpu.memory_space<semaphore_mem>>
      %dma_start3A_77 = arith.constant 0 : i32
      %dma_start3A_78 = tpu.memref_slice %arg5[%run_scoped3A_10, %dma_start3A_77] : memref<8x128xi32, #tpu.memory_space<vmem>> -> memref<1x128xi32, #tpu.memory_space<vmem>>
      %dma_start3A_79 = tpu.memref_squeeze %dma_start3A_78 : memref<1x128xi32, #tpu.memory_space<vmem>> -> memref<128xi32, #tpu.memory_space<vmem>>
      %dma_start3A_80 = tpu.memref_slice %arg2[%add3A_9] : memref<16384xi32, #tpu.memory_space<hbm>> -> memref<128xi32, #tpu.memory_space<hbm>>
      %dma_start3A_81 = arith.constant 0 : i32
      %dma_start3A_82 = tpu.memref_slice %arg5[%run_scoped3A_10, %dma_start3A_81] : memref<8x128xi32, #tpu.memory_space<vmem>> -> memref<1x128xi32, #tpu.memory_space<vmem>>
      %dma_start3A_83 = tpu.memref_squeeze %dma_start3A_82 : memref<1x128xi32, #tpu.memory_space<vmem>> -> memref<128xi32, #tpu.memory_space<vmem>>
      %dma_start3A_84 = tpu.memref_slice %arg2[%add3A_9] : memref<16384xi32, #tpu.memory_space<hbm>> -> memref<128xi32, #tpu.memory_space<hbm>>
      tpu.enqueue_dma source(%dma_start3A_84 : memref<128xi32, #tpu.memory_space<hbm>>) target(%dma_start3A_83 : memref<128xi32, #tpu.memory_space<vmem>>) target_semaphore(%run_scoped3A_76 : memref<!tpu.dma_semaphore, #tpu.memory_space<semaphore_mem>>)
      %dma_wait3A_85 = arith.constant 0 : i32
      %dma_wait3A_86 = tpu.memref_slice %arg5[%run_scoped3A_10, %dma_wait3A_85] : memref<8x128xi32, #tpu.memory_space<vmem>> -> memref<1x128xi32, #tpu.memory_space<vmem>>
      %dma_wait3A_87 = tpu.memref_squeeze %dma_wait3A_86 : memref<1x128xi32, #tpu.memory_space<vmem>> -> memref<128xi32, #tpu.memory_space<vmem>>
      %dma_wait3A_88 = tpu.memref_slice %arg2[%add3A_9] : memref<16384xi32, #tpu.memory_space<hbm>> -> memref<128xi32, #tpu.memory_space<hbm>>
      %dma_wait3A_89 = arith.constant 0 : i32
      %dma_wait3A_90 = tpu.memref_slice %arg5[%run_scoped3A_10, %dma_wait3A_89] : memref<8x128xi32, #tpu.memory_space<vmem>> -> memref<1x128xi32, #tpu.memory_space<vmem>>
      %dma_wait3A_91 = tpu.memref_squeeze %dma_wait3A_90 : memref<1x128xi32, #tpu.memory_space<vmem>> -> memref<128xi32, #tpu.memory_space<vmem>>
      %dma_wait3A_92 = tpu.memref_slice %arg2[%add3A_9] : memref<16384xi32, #tpu.memory_space<hbm>> -> memref<128xi32, #tpu.memory_space<hbm>>
      tpu.wait_dma2 semaphore(%run_scoped3A_76 : memref<!tpu.dma_semaphore, #tpu.memory_space<semaphore_mem>>) src(%dma_wait3A_92 : memref<128xi32, #tpu.memory_space<hbm>>) dst(%dma_wait3A_91 : memref<128xi32, #tpu.memory_space<vmem>>)
      tpu.yield
    }) : () -> ()
    %add3A_11 = arith.constant 384 : i32
    %add3A_12 = arith.addi %mul3A_2, %add3A_11 : i32
    %run_scoped3A_13 = arith.constant 3 : i32
    "tpu.region"() ({
      %run_scoped3A_76 = tpu.sem_alloc : memref<!tpu.dma_semaphore, #tpu.memory_space<semaphore_mem>>
      %dma_start3A_77 = arith.constant 0 : i32
      %dma_start3A_78 = tpu.memref_slice %arg5[%run_scoped3A_13, %dma_start3A_77] : memref<8x128xi32, #tpu.memory_space<vmem>> -> memref<1x128xi32, #tpu.memory_space<vmem>>
      %dma_start3A_79 = tpu.memref_squeeze %dma_start3A_78 : memref<1x128xi32, #tpu.memory_space<vmem>> -> memref<128xi32, #tpu.memory_space<vmem>>
      %dma_start3A_80 = tpu.memref_slice %arg2[%add3A_12] : memref<16384xi32, #tpu.memory_space<hbm>> -> memref<128xi32, #tpu.memory_space<hbm>>
      %dma_start3A_81 = arith.constant 0 : i32
      %dma_start3A_82 = tpu.memref_slice %arg5[%run_scoped3A_13, %dma_start3A_81] : memref<8x128xi32, #tpu.memory_space<vmem>> -> memref<1x128xi32, #tpu.memory_space<vmem>>
      %dma_start3A_83 = tpu.memref_squeeze %dma_start3A_82 : memref<1x128xi32, #tpu.memory_space<vmem>> -> memref<128xi32, #tpu.memory_space<vmem>>
      %dma_start3A_84 = tpu.memref_slice %arg2[%add3A_12] : memref<16384xi32, #tpu.memory_space<hbm>> -> memref<128xi32, #tpu.memory_space<hbm>>
      tpu.enqueue_dma source(%dma_start3A_84 : memref<128xi32, #tpu.memory_space<hbm>>) target(%dma_start3A_83 : memref<128xi32, #tpu.memory_space<vmem>>) target_semaphore(%run_scoped3A_76 : memref<!tpu.dma_semaphore, #tpu.memory_space<semaphore_mem>>)
      %dma_wait3A_85 = arith.constant 0 : i32
      %dma_wait3A_86 = tpu.memref_slice %arg5[%run_scoped3A_13, %dma_wait3A_85] : memref<8x128xi32, #tpu.memory_space<vmem>> -> memref<1x128xi32, #tpu.memory_space<vmem>>
      %dma_wait3A_87 = tpu.memref_squeeze %dma_wait3A_86 : memref<1x128xi32, #tpu.memory_space<vmem>> -> memref<128xi32, #tpu.memory_space<vmem>>
      %dma_wait3A_88 = tpu.memref_slice %arg2[%add3A_12] : memref<16384xi32, #tpu.memory_space<hbm>> -> memref<128xi32, #tpu.memory_space<hbm>>
      %dma_wait3A_89 = arith.constant 0 : i32
      %dma_wait3A_90 = tpu.memref_slice %arg5[%run_scoped3A_13, %dma_wait3A_89] : memref<8x128xi32, #tpu.memory_space<vmem>> -> memref<1x128xi32, #tpu.memory_space<vmem>>
      %dma_wait3A_91 = tpu.memref_squeeze %dma_wait3A_90 : memref<1x128xi32, #tpu.memory_space<vmem>> -> memref<128xi32, #tpu.memory_space<vmem>>
      %dma_wait3A_92 = tpu.memref_slice %arg2[%add3A_12] : memref<16384xi32, #tpu.memory_space<hbm>> -> memref<128xi32, #tpu.memory_space<hbm>>
      tpu.wait_dma2 semaphore(%run_scoped3A_76 : memref<!tpu.dma_semaphore, #tpu.memory_space<semaphore_mem>>) src(%dma_wait3A_92 : memref<128xi32, #tpu.memory_space<hbm>>) dst(%dma_wait3A_91 : memref<128xi32, #tpu.memory_space<vmem>>)
      tpu.yield
    }) : () -> ()
    %dma_start3A = arith.constant 0 : i32
    %dma_start3A_14 = arith.constant 0 : i32
    %dma_start3A_15 = tpu.memref_slice %arg5[%dma_start3A, %dma_start3A_14] : memref<8x128xi32, #tpu.memory_space<vmem>> -> memref<1x128xi32, #tpu.memory_space<vmem>>
    %dma_start3A_16 = tpu.memref_squeeze %dma_start3A_15 : memref<1x128xi32, #tpu.memory_space<vmem>> -> memref<128xi32, #tpu.memory_space<vmem>>
    %dma_start3A_17 = arith.constant 0 : i32
    %dma_start3A_18 = arith.constant 0 : i32
    %dma_start3A_19 = tpu.memref_slice %arg3[%dma_start3A_17, %dma_start3A_18] : memref<100000x256xf32, #tpu.memory_space<hbm>> -> memref<100000x256xf32, #tpu.memory_space<hbm>>
    tpu.enqueue_indirect_dma source(%dma_start3A_19 : memref<100000x256xf32, #tpu.memory_space<hbm>>) target(%arg6 : memref<128x256xf32, #tpu.memory_space<vmem>>) offsets(%dma_start3A_16 : memref<128xi32, #tpu.memory_space<vmem>>) semaphore(%arg8 : memref<!tpu.dma_semaphore, #tpu.memory_space<semaphore_mem>>)
    %dma_start3A_20 = arith.constant 1 : i32
    %dma_start3A_21 = arith.constant 0 : i32
    %dma_start3A_22 = tpu.memref_slice %arg5[%dma_start3A_20, %dma_start3A_21] : memref<8x128xi32, #tpu.memory_space<vmem>> -> memref<1x128xi32, #tpu.memory_space<vmem>>
    %dma_start3A_23 = tpu.memref_squeeze %dma_start3A_22 : memref<1x128xi32, #tpu.memory_space<vmem>> -> memref<128xi32, #tpu.memory_space<vmem>>
    %dma_start3A_24 = arith.constant 0 : i32
    %dma_start3A_25 = arith.constant 0 : i32
    %dma_start3A_26 = tpu.memref_slice %arg3[%dma_start3A_24, %dma_start3A_25] : memref<100000x256xf32, #tpu.memory_space<hbm>> -> memref<100000x256xf32, #tpu.memory_space<hbm>>
    tpu.enqueue_indirect_dma source(%dma_start3A_26 : memref<100000x256xf32, #tpu.memory_space<hbm>>) target(%arg7 : memref<128x256xf32, #tpu.memory_space<vmem>>) offsets(%dma_start3A_23 : memref<128xi32, #tpu.memory_space<vmem>>) semaphore(%arg8 : memref<!tpu.dma_semaphore, #tpu.memory_space<semaphore_mem>>)
    %dma_wait3A = arith.constant 0 : i32
    %dma_wait3A_27 = arith.constant 0 : i32
    %dma_wait3A_28 = tpu.memref_slice %arg5[%dma_wait3A, %dma_wait3A_27] : memref<8x128xi32, #tpu.memory_space<vmem>> -> memref<1x128xi32, #tpu.memory_space<vmem>>
    %dma_wait3A_29 = tpu.memref_squeeze %dma_wait3A_28 : memref<1x128xi32, #tpu.memory_space<vmem>> -> memref<128xi32, #tpu.memory_space<vmem>>
    %dma_wait3A_30 = arith.constant 0 : i32
    %dma_wait3A_31 = arith.constant 0 : i32
    %dma_wait3A_32 = tpu.memref_slice %arg3[%dma_wait3A_30, %dma_wait3A_31] : memref<100000x256xf32, #tpu.memory_space<hbm>> -> memref<100000x256xf32, #tpu.memory_space<hbm>>
    tpu.wait_indirect_dma semaphore(%arg8 : memref<!tpu.dma_semaphore, #tpu.memory_space<semaphore_mem>>) src(%dma_wait3A_32 : memref<100000x256xf32, #tpu.memory_space<hbm>>) dst(%arg6 : memref<128x256xf32, #tpu.memory_space<vmem>>)
    %add3A_33 = arith.constant 0 : i32
    %add3A_34 = arith.addi %mul3A_2, %add3A_33 : i32
    "tpu.region"() ({
      %run_scoped3A_76 = tpu.sem_alloc : memref<!tpu.dma_semaphore, #tpu.memory_space<semaphore_mem>>
      %dma_start3A_77 = arith.constant 0 : i32
      %dma_start3A_78 = tpu.memref_slice %arg4[%add3A_34, %dma_start3A_77] : memref<16384x256xf32, #tpu.memory_space<hbm>> -> memref<128x256xf32, #tpu.memory_space<hbm>>
      %dma_start3A_79 = arith.constant 0 : i32
      %dma_start3A_80 = tpu.memref_slice %arg4[%add3A_34, %dma_start3A_79] : memref<16384x256xf32, #tpu.memory_space<hbm>> -> memref<128x256xf32, #tpu.memory_space<hbm>>
      tpu.enqueue_dma source(%arg6 : memref<128x256xf32, #tpu.memory_space<vmem>>) target(%dma_start3A_80 : memref<128x256xf32, #tpu.memory_space<hbm>>) target_semaphore(%run_scoped3A_76 : memref<!tpu.dma_semaphore, #tpu.memory_space<semaphore_mem>>)
      %dma_wait3A_81 = arith.constant 0 : i32
      %dma_wait3A_82 = tpu.memref_slice %arg4[%add3A_34, %dma_wait3A_81] : memref<16384x256xf32, #tpu.memory_space<hbm>> -> memref<128x256xf32, #tpu.memory_space<hbm>>
      %dma_wait3A_83 = arith.constant 0 : i32
      %dma_wait3A_84 = tpu.memref_slice %arg4[%add3A_34, %dma_wait3A_83] : memref<16384x256xf32, #tpu.memory_space<hbm>> -> memref<128x256xf32, #tpu.memory_space<hbm>>
      tpu.wait_dma2 semaphore(%run_scoped3A_76 : memref<!tpu.dma_semaphore, #tpu.memory_space<semaphore_mem>>) src(%arg6 : memref<128x256xf32, #tpu.memory_space<vmem>>) dst(%dma_wait3A_84 : memref<128x256xf32, #tpu.memory_space<hbm>>)
      tpu.yield
    }) : () -> ()
    %dma_start3A_35 = arith.constant 2 : i32
    %dma_start3A_36 = arith.constant 0 : i32
    %dma_start3A_37 = tpu.memref_slice %arg5[%dma_start3A_35, %dma_start3A_36] : memref<8x128xi32, #tpu.memory_space<vmem>> -> memref<1x128xi32, #tpu.memory_space<vmem>>
    %dma_start3A_38 = tpu.memref_squeeze %dma_start3A_37 : memref<1x128xi32, #tpu.memory_space<vmem>> -> memref<128xi32, #tpu.memory_space<vmem>>
    %dma_start3A_39 = arith.constant 0 : i32
    %dma_start3A_40 = arith.constant 0 : i32
    %dma_start3A_41 = tpu.memref_slice %arg3[%dma_start3A_39, %dma_start3A_40] : memref<100000x256xf32, #tpu.memory_space<hbm>> -> memref<100000x256xf32, #tpu.memory_space<hbm>>
    tpu.enqueue_indirect_dma source(%dma_start3A_41 : memref<100000x256xf32, #tpu.memory_space<hbm>>) target(%arg6 : memref<128x256xf32, #tpu.memory_space<vmem>>) offsets(%dma_start3A_38 : memref<128xi32, #tpu.memory_space<vmem>>) semaphore(%arg8 : memref<!tpu.dma_semaphore, #tpu.memory_space<semaphore_mem>>)
    %dma_wait3A_42 = arith.constant 1 : i32
    %dma_wait3A_43 = arith.constant 0 : i32
    %dma_wait3A_44 = tpu.memref_slice %arg5[%dma_wait3A_42, %dma_wait3A_43] : memref<8x128xi32, #tpu.memory_space<vmem>> -> memref<1x128xi32, #tpu.memory_space<vmem>>
    %dma_wait3A_45 = tpu.memref_squeeze %dma_wait3A_44 : memref<1x128xi32, #tpu.memory_space<vmem>> -> memref<128xi32, #tpu.memory_space<vmem>>
    %dma_wait3A_46 = arith.constant 0 : i32
    %dma_wait3A_47 = arith.constant 0 : i32
    %dma_wait3A_48 = tpu.memref_slice %arg3[%dma_wait3A_46, %dma_wait3A_47] : memref<100000x256xf32, #tpu.memory_space<hbm>> -> memref<100000x256xf32, #tpu.memory_space<hbm>>
    tpu.wait_indirect_dma semaphore(%arg8 : memref<!tpu.dma_semaphore, #tpu.memory_space<semaphore_mem>>) src(%dma_wait3A_48 : memref<100000x256xf32, #tpu.memory_space<hbm>>) dst(%arg7 : memref<128x256xf32, #tpu.memory_space<vmem>>)
    %add3A_49 = arith.constant 128 : i32
    %add3A_50 = arith.addi %mul3A_2, %add3A_49 : i32
    "tpu.region"() ({
      %run_scoped3A_76 = tpu.sem_alloc : memref<!tpu.dma_semaphore, #tpu.memory_space<semaphore_mem>>
      %dma_start3A_77 = arith.constant 0 : i32
      %dma_start3A_78 = tpu.memref_slice %arg4[%add3A_50, %dma_start3A_77] : memref<16384x256xf32, #tpu.memory_space<hbm>> -> memref<128x256xf32, #tpu.memory_space<hbm>>
      %dma_start3A_79 = arith.constant 0 : i32
      %dma_start3A_80 = tpu.memref_slice %arg4[%add3A_50, %dma_start3A_79] : memref<16384x256xf32, #tpu.memory_space<hbm>> -> memref<128x256xf32, #tpu.memory_space<hbm>>
      tpu.enqueue_dma source(%arg7 : memref<128x256xf32, #tpu.memory_space<vmem>>) target(%dma_start3A_80 : memref<128x256xf32, #tpu.memory_space<hbm>>) target_semaphore(%run_scoped3A_76 : memref<!tpu.dma_semaphore, #tpu.memory_space<semaphore_mem>>)
      %dma_wait3A_81 = arith.constant 0 : i32
      %dma_wait3A_82 = tpu.memref_slice %arg4[%add3A_50, %dma_wait3A_81] : memref<16384x256xf32, #tpu.memory_space<hbm>> -> memref<128x256xf32, #tpu.memory_space<hbm>>
      %dma_wait3A_83 = arith.constant 0 : i32
      %dma_wait3A_84 = tpu.memref_slice %arg4[%add3A_50, %dma_wait3A_83] : memref<16384x256xf32, #tpu.memory_space<hbm>> -> memref<128x256xf32, #tpu.memory_space<hbm>>
      tpu.wait_dma2 semaphore(%run_scoped3A_76 : memref<!tpu.dma_semaphore, #tpu.memory_space<semaphore_mem>>) src(%arg7 : memref<128x256xf32, #tpu.memory_space<vmem>>) dst(%dma_wait3A_84 : memref<128x256xf32, #tpu.memory_space<hbm>>)
      tpu.yield
    }) : () -> ()
    %dma_start3A_51 = arith.constant 3 : i32
    %dma_start3A_52 = arith.constant 0 : i32
    %dma_start3A_53 = tpu.memref_slice %arg5[%dma_start3A_51, %dma_start3A_52] : memref<8x128xi32, #tpu.memory_space<vmem>> -> memref<1x128xi32, #tpu.memory_space<vmem>>
    %dma_start3A_54 = tpu.memref_squeeze %dma_start3A_53 : memref<1x128xi32, #tpu.memory_space<vmem>> -> memref<128xi32, #tpu.memory_space<vmem>>
    %dma_start3A_55 = arith.constant 0 : i32
    %dma_start3A_56 = arith.constant 0 : i32
    %dma_start3A_57 = tpu.memref_slice %arg3[%dma_start3A_55, %dma_start3A_56] : memref<100000x256xf32, #tpu.memory_space<hbm>> -> memref<100000x256xf32, #tpu.memory_space<hbm>>
    tpu.enqueue_indirect_dma source(%dma_start3A_57 : memref<100000x256xf32, #tpu.memory_space<hbm>>) target(%arg7 : memref<128x256xf32, #tpu.memory_space<vmem>>) offsets(%dma_start3A_54 : memref<128xi32, #tpu.memory_space<vmem>>) semaphore(%arg8 : memref<!tpu.dma_semaphore, #tpu.memory_space<semaphore_mem>>)
    %dma_wait3A_58 = arith.constant 2 : i32
    %dma_wait3A_59 = arith.constant 0 : i32
    %dma_wait3A_60 = tpu.memref_slice %arg5[%dma_wait3A_58, %dma_wait3A_59] : memref<8x128xi32, #tpu.memory_space<vmem>> -> memref<1x128xi32, #tpu.memory_space<vmem>>
    %dma_wait3A_61 = tpu.memref_squeeze %dma_wait3A_60 : memref<1x128xi32, #tpu.memory_space<vmem>> -> memref<128xi32, #tpu.memory_space<vmem>>
    %dma_wait3A_62 = arith.constant 0 : i32
    %dma_wait3A_63 = arith.constant 0 : i32
    %dma_wait3A_64 = tpu.memref_slice %arg3[%dma_wait3A_62, %dma_wait3A_63] : memref<100000x256xf32, #tpu.memory_space<hbm>> -> memref<100000x256xf32, #tpu.memory_space<hbm>>
    tpu.wait_indirect_dma semaphore(%arg8 : memref<!tpu.dma_semaphore, #tpu.memory_space<semaphore_mem>>) src(%dma_wait3A_64 : memref<100000x256xf32, #tpu.memory_space<hbm>>) dst(%arg6 : memref<128x256xf32, #tpu.memory_space<vmem>>)
    %add3A_65 = arith.constant 256 : i32
    %add3A_66 = arith.addi %mul3A_2, %add3A_65 : i32
    "tpu.region"() ({
      %run_scoped3A_76 = tpu.sem_alloc : memref<!tpu.dma_semaphore, #tpu.memory_space<semaphore_mem>>
      %dma_start3A_77 = arith.constant 0 : i32
      %dma_start3A_78 = tpu.memref_slice %arg4[%add3A_66, %dma_start3A_77] : memref<16384x256xf32, #tpu.memory_space<hbm>> -> memref<128x256xf32, #tpu.memory_space<hbm>>
      %dma_start3A_79 = arith.constant 0 : i32
      %dma_start3A_80 = tpu.memref_slice %arg4[%add3A_66, %dma_start3A_79] : memref<16384x256xf32, #tpu.memory_space<hbm>> -> memref<128x256xf32, #tpu.memory_space<hbm>>
      tpu.enqueue_dma source(%arg6 : memref<128x256xf32, #tpu.memory_space<vmem>>) target(%dma_start3A_80 : memref<128x256xf32, #tpu.memory_space<hbm>>) target_semaphore(%run_scoped3A_76 : memref<!tpu.dma_semaphore, #tpu.memory_space<semaphore_mem>>)
      %dma_wait3A_81 = arith.constant 0 : i32
      %dma_wait3A_82 = tpu.memref_slice %arg4[%add3A_66, %dma_wait3A_81] : memref<16384x256xf32, #tpu.memory_space<hbm>> -> memref<128x256xf32, #tpu.memory_space<hbm>>
      %dma_wait3A_83 = arith.constant 0 : i32
      %dma_wait3A_84 = tpu.memref_slice %arg4[%add3A_66, %dma_wait3A_83] : memref<16384x256xf32, #tpu.memory_space<hbm>> -> memref<128x256xf32, #tpu.memory_space<hbm>>
      tpu.wait_dma2 semaphore(%run_scoped3A_76 : memref<!tpu.dma_semaphore, #tpu.memory_space<semaphore_mem>>) src(%arg6 : memref<128x256xf32, #tpu.memory_space<vmem>>) dst(%dma_wait3A_84 : memref<128x256xf32, #tpu.memory_space<hbm>>)
      tpu.yield
    }) : () -> ()
    %dma_wait3A_67 = arith.constant 3 : i32
    %dma_wait3A_68 = arith.constant 0 : i32
    %dma_wait3A_69 = tpu.memref_slice %arg5[%dma_wait3A_67, %dma_wait3A_68] : memref<8x128xi32, #tpu.memory_space<vmem>> -> memref<1x128xi32, #tpu.memory_space<vmem>>
    %dma_wait3A_70 = tpu.memref_squeeze %dma_wait3A_69 : memref<1x128xi32, #tpu.memory_space<vmem>> -> memref<128xi32, #tpu.memory_space<vmem>>
    %dma_wait3A_71 = arith.constant 0 : i32
    %dma_wait3A_72 = arith.constant 0 : i32
    %dma_wait3A_73 = tpu.memref_slice %arg3[%dma_wait3A_71, %dma_wait3A_72] : memref<100000x256xf32, #tpu.memory_space<hbm>> -> memref<100000x256xf32, #tpu.memory_space<hbm>>
    tpu.wait_indirect_dma semaphore(%arg8 : memref<!tpu.dma_semaphore, #tpu.memory_space<semaphore_mem>>) src(%dma_wait3A_73 : memref<100000x256xf32, #tpu.memory_space<hbm>>) dst(%arg7 : memref<128x256xf32, #tpu.memory_space<vmem>>)
    %add3A_74 = arith.constant 384 : i32
    %add3A_75 = arith.addi %mul3A_2, %add3A_74 : i32
    "tpu.region"() ({
      %run_scoped3A_76 = tpu.sem_alloc : memref<!tpu.dma_semaphore, #tpu.memory_space<semaphore_mem>>
      %dma_start3A_77 = arith.constant 0 : i32
      %dma_start3A_78 = tpu.memref_slice %arg4[%add3A_75, %dma_start3A_77] : memref<16384x256xf32, #tpu.memory_space<hbm>> -> memref<128x256xf32, #tpu.memory_space<hbm>>
      %dma_start3A_79 = arith.constant 0 : i32
      %dma_start3A_80 = tpu.memref_slice %arg4[%add3A_75, %dma_start3A_79] : memref<16384x256xf32, #tpu.memory_space<hbm>> -> memref<128x256xf32, #tpu.memory_space<hbm>>
      tpu.enqueue_dma source(%arg7 : memref<128x256xf32, #tpu.memory_space<vmem>>) target(%dma_start3A_80 : memref<128x256xf32, #tpu.memory_space<hbm>>) target_semaphore(%run_scoped3A_76 : memref<!tpu.dma_semaphore, #tpu.memory_space<semaphore_mem>>)
      %dma_wait3A_81 = arith.constant 0 : i32
      %dma_wait3A_82 = tpu.memref_slice %arg4[%add3A_75, %dma_wait3A_81] : memref<16384x256xf32, #tpu.memory_space<hbm>> -> memref<128x256xf32, #tpu.memory_space<hbm>>
      %dma_wait3A_83 = arith.constant 0 : i32
      %dma_wait3A_84 = tpu.memref_slice %arg4[%add3A_75, %dma_wait3A_83] : memref<16384x256xf32, #tpu.memory_space<hbm>> -> memref<128x256xf32, #tpu.memory_space<hbm>>
      tpu.wait_dma2 semaphore(%run_scoped3A_76 : memref<!tpu.dma_semaphore, #tpu.memory_space<semaphore_mem>>) src(%arg7 : memref<128x256xf32, #tpu.memory_space<vmem>>) dst(%dma_wait3A_84 : memref<128x256xf32, #tpu.memory_space<hbm>>)
      tpu.yield
    }) : () -> ()
    return
  }
}

module attributes {stable_mosaic.version = 14 : i64} {
  func.func @_tc_score_body(%arg0: i32, %arg1: memref<4096x256xf32, #tpu.memory_space<vmem>>, %arg2: memref<4096x128xf32, #tpu.memory_space<vmem>>, %arg3: memref<4096xi32, #tpu.memory_space<vmem>>, %arg4: memref<4096xf32, #tpu.memory_space<vmem>>, %arg5: memref<4096xf32, #tpu.memory_space<vmem>>, %arg6: memref<64x256xf32, #tpu.memory_space<vmem>>, %arg7: memref<1x64xf32, #tpu.memory_space<vmem>>, %arg8: memref<4096xf32, #tpu.memory_space<vmem>>) attributes {dimension_semantics = [#tpu.dimension_semantics<arbitrary>], iteration_bounds = array<i64: 2>, scalar_prefetch = 0 : i64, scratch_operands = 0 : i64, tpu.core_type = #tpu.core_type<tc>, window_params = [{transform_indices = @transform_0, window_bounds = array<i64: 4096, 256>}, {transform_indices = @transform_1, window_bounds = array<i64: 4096, 128>}, {transform_indices = @transform_2, window_bounds = array<i64: 4096>}, {transform_indices = @transform_3, window_bounds = array<i64: 4096>}, {transform_indices = @transform_4, window_bounds = array<i64: 4096>}, {pipeline_mode = #tpu.pipeline_mode<synchronous>, transform_indices = @transform_5, window_bounds = array<i64: 64, 256>}, {pipeline_mode = #tpu.pipeline_mode<synchronous>, transform_indices = @transform_6, window_bounds = array<i64: 1, 64>}, {transform_indices = @transform_7, window_bounds = array<i64: 4096>}]} {
    %get3A = arith.constant 0 : index
    %get3A_0 = arith.constant 0 : index
    %get3A_1 = vector.load %arg1[%get3A, %get3A_0] : memref<4096x256xf32, #tpu.memory_space<vmem>>, vector<4096x256xf32>
    %get3A_2 = arith.constant 0 : index
    %get3A_3 = arith.constant 0 : index
    %get3A_4 = vector.load %arg6[%get3A_2, %get3A_3] : memref<64x256xf32, #tpu.memory_space<vmem>>, vector<64x256xf32>
    %dot_general3A = arith.constant dense<0.000000e+00> : vector<4096x64xf32>
    %dot_general3A_5 = tpu.matmul %get3A_1, %get3A_4, %dot_general3A {dimension_numbers = #tpu.dot_dimension_numbers<[1], [1], [0], [0], [0, 0, 1, 0], [], []>, transpose_lhs_hint = false} : vector<4096x256xf32>, vector<64x256xf32>, vector<4096x64xf32> -> vector<4096x64xf32>
    %get3A_6 = arith.constant 0 : index
    %get3A_7 = arith.constant 0 : index
    %get3A_8 = vector.load %arg7[%get3A_6, %get3A_7] : memref<1x64xf32, #tpu.memory_space<vmem>>, vector<1x64xf32>
    %add3A = vector.broadcast %get3A_8 : vector<1x64xf32> to vector<4096x64xf32>
    %add3A_9 = arith.addf %dot_general3A_5, %add3A : vector<4096x64xf32>
    %get3A_10 = arith.constant 0 : index
    %get3A_11 = arith.constant 0 : index
    %get3A_12 = vector.load %arg2[%get3A_10, %get3A_11] : memref<4096x128xf32, #tpu.memory_space<vmem>>, vector<4096x128xf32>
    %slice3A = vector.extract_strided_slice %get3A_12 {offsets = [0, 0], sizes = [4096, 64], strides = [1, 1]} : vector<4096x128xf32> to vector<4096x64xf32>
    %mul3A = arith.mulf %add3A_9, %slice3A : vector<4096x64xf32>
    %reduce_sum3A = arith.constant dense<0.000000e+00> : vector<4096xf32>
    %reduce_sum3A_13 = vector.multi_reduction <add>, %mul3A, %reduce_sum3A [1] : vector<4096x64xf32> to vector<4096xf32>
    %slice3A_14 = vector.extract_strided_slice %get3A_12 {offsets = [0, 64], sizes = [4096, 64], strides = [1, 1]} : vector<4096x128xf32> to vector<4096x64xf32>
    %mul3A_15 = arith.mulf %add3A_9, %slice3A_14 : vector<4096x64xf32>
    %reduce_sum3A_16 = arith.constant dense<0.000000e+00> : vector<4096xf32>
    %reduce_sum3A_17 = vector.multi_reduction <add>, %mul3A_15, %reduce_sum3A_16 [1] : vector<4096x64xf32> to vector<4096xf32>
    %get3A_18 = arith.constant 0 : index
    %get3A_19 = vector.load %arg3[%get3A_18] : memref<4096xi32, #tpu.memory_space<vmem>>, vector<4096xi32>
    %ge3A = arith.constant 51200 : i32
    %ge3A_20 = vector.broadcast %ge3A : i32 to vector<4096xi32>
    %ge3A_21 = arith.cmpi sge, %get3A_19, %ge3A_20 : vector<4096xi32>
    %select_n3A = arith.select %ge3A_21, %reduce_sum3A_17, %reduce_sum3A_13 : vector<4096xi1>, vector<4096xf32>
    %get3A_22 = arith.constant 0 : index
    %get3A_23 = vector.load %arg4[%get3A_22] : memref<4096xf32, #tpu.memory_space<vmem>>, vector<4096xf32>
    %add3A_24 = arith.addf %select_n3A, %get3A_23 : vector<4096xf32>
    %get3A_25 = arith.constant 0 : index
    %get3A_26 = vector.load %arg5[%get3A_25] : memref<4096xf32, #tpu.memory_space<vmem>>, vector<4096xf32>
    %add3A_27 = arith.addf %add3A_24, %get3A_26 : vector<4096xf32>
    %swap3A = arith.constant 0 : index
    %swap3A_28 = vector.load %arg8[%swap3A] : memref<4096xf32, #tpu.memory_space<vmem>>, vector<4096xf32>
    tpu.vector_store %arg8[%swap3A], %add3A_27 {strides = array<i32>} : memref<4096xf32, #tpu.memory_space<vmem>>, vector<4096xf32>,
    return
  }
  func.func @transform_0(%arg0: i32) -> (i32, i32) {
    %add3A = arith.constant 2 : i32
    %add3A_0 = arith.addi %arg0, %add3A : i32
    %c0_i32 = arith.constant 0 : i32
    %c0_i32_1 = arith.constant 0 : i32
    return %add3A_0, %c0_i32 : i32, i32
  }
  func.func @transform_1(%arg0: i32) -> (i32, i32) {
    %c0_i32 = arith.constant 0 : i32
    %c0_i32_0 = arith.constant 0 : i32
    return %arg0, %c0_i32 : i32, i32
  }
  func.func @transform_2(%arg0: i32) -> i32 {
    %add3A = arith.constant 2 : i32
    %add3A_0 = arith.addi %arg0, %add3A : i32
    %c0_i32 = arith.constant 0 : i32
    return %add3A_0 : i32
  }
  func.func @transform_3(%arg0: i32) -> i32 {
    %c0_i32 = arith.constant 0 : i32
    return %arg0 : i32
  }
  func.func @transform_4(%arg0: i32) -> i32 {
    %c0_i32 = arith.constant 0 : i32
    return %arg0 : i32
  }
  func.func @transform_5(%arg0: i32) -> (i32, i32) {
    %c0_i32 = arith.constant 0 : i32
    %c0_i32_0 = arith.constant 0 : i32
    %c0_i32_1 = arith.constant 0 : i32
    return %c0_i32, %c0_i32_0 : i32, i32
  }
  func.func @transform_6(%arg0: i32) -> (i32, i32) {
    %c0_i32 = arith.constant 0 : i32
    %c0_i32_0 = arith.constant 0 : i32
    %c0_i32_1 = arith.constant 0 : i32
    return %c0_i32, %c0_i32_0 : i32, i32
  }
  func.func @transform_7(%arg0: i32) -> i32 {
    %c0_i32 = arith.constant 0 : i32
    return %arg0 : i32
  }
}

module attributes {stable_mosaic.version = 14 : i64} {
  func.func @_tc_transpose_body(%arg0: i32, %arg1: memref<64x10240xf32, #tpu.memory_space<vmem>>, %arg2: memref<64x10240xf32, #tpu.memory_space<vmem>>, %arg3: memref<10240x128xf32, #tpu.memory_space<vmem>>) attributes {dimension_semantics = [#tpu.dimension_semantics<arbitrary>], iteration_bounds = array<i64: 5>, scalar_prefetch = 0 : i64, scratch_operands = 0 : i64, tpu.core_type = #tpu.core_type<tc>, window_params = [{transform_indices = @transform_0, window_bounds = array<i64: 64, 10240>}, {transform_indices = @transform_1, window_bounds = array<i64: 64, 10240>}, {transform_indices = @transform_2, window_bounds = array<i64: 10240, 128>}]} {
    %get3A = arith.constant 0 : index
    %get3A_0 = arith.constant 0 : index
    %get3A_1 = vector.load %arg1[%get3A, %get3A_0] : memref<64x10240xf32, #tpu.memory_space<vmem>>, vector<64x10240xf32>
    %transpose3A = tpu.transpose %get3A_1, [1, 0] : vector<64x10240xf32> -> vector<10240x64xf32>
    %swap3A = arith.constant 0 : index
    %swap3A_2 = arith.constant 0 : index
    %swap3A_3 = vector.load %arg3[%swap3A, %swap3A_2] : memref<10240x128xf32, #tpu.memory_space<vmem>>, vector<10240x64xf32>
    tpu.vector_store %arg3[%swap3A, %swap3A_2], %transpose3A {strides = array<i32>} : memref<10240x128xf32, #tpu.memory_space<vmem>>, vector<10240x64xf32>,
    %get3A_4 = arith.constant 0 : index
    %get3A_5 = arith.constant 0 : index
    %get3A_6 = vector.load %arg2[%get3A_4, %get3A_5] : memref<64x10240xf32, #tpu.memory_space<vmem>>, vector<64x10240xf32>
    %transpose3A_7 = tpu.transpose %get3A_6, [1, 0] : vector<64x10240xf32> -> vector<10240x64xf32>
    %swap3A_8 = arith.constant 0 : index
    %swap3A_9 = arith.constant 64 : index
    %swap3A_10 = vector.load %arg3[%swap3A_8, %swap3A_9] : memref<10240x128xf32, #tpu.memory_space<vmem>>, vector<10240x64xf32>
    tpu.vector_store %arg3[%swap3A_8, %swap3A_9], %transpose3A_7 {strides = array<i32>} : memref<10240x128xf32, #tpu.memory_space<vmem>>, vector<10240x64xf32>,
    return
  }
  func.func @transform_0(%arg0: i32) -> (i32, i32) {
    %c0_i32 = arith.constant 0 : i32
    %c0_i32_0 = arith.constant 0 : i32
    return %c0_i32, %arg0 : i32, i32
  }
  func.func @transform_1(%arg0: i32) -> (i32, i32) {
    %add3A = arith.constant 5 : i32
    %add3A_0 = arith.addi %arg0, %add3A : i32
    %min3A = arith.constant 9 : i32
    %min3A_1 = arith.minsi %add3A_0, %min3A : i32
    %c0_i32 = arith.constant 0 : i32
    %c0_i32_2 = arith.constant 0 : i32
    return %c0_i32, %min3A_1 : i32, i32
  }
  func.func @transform_2(%arg0: i32) -> (i32, i32) {
    %c0_i32 = arith.constant 0 : i32
    %c0_i32_0 = arith.constant 0 : i32
    return %arg0, %c0_i32 : i32, i32
  }
}

module attributes {stable_mosaic.version = 14 : i64} {
  func.func @_tc_score_body(%arg0: i32, %arg1: memref<4096x256xf32, #tpu.memory_space<vmem>>, %arg2: memref<4096x128xf32, #tpu.memory_space<vmem>>, %arg3: memref<4096xi32, #tpu.memory_space<vmem>>, %arg4: memref<4096xf32, #tpu.memory_space<vmem>>, %arg5: memref<4096xf32, #tpu.memory_space<vmem>>, %arg6: memref<64x256xf32, #tpu.memory_space<vmem>>, %arg7: memref<1x64xf32, #tpu.memory_space<vmem>>, %arg8: memref<4096xf32, #tpu.memory_space<vmem>>) attributes {dimension_semantics = [#tpu.dimension_semantics<arbitrary>], iteration_bounds = array<i64: 2>, scalar_prefetch = 0 : i64, scratch_operands = 0 : i64, tpu.core_type = #tpu.core_type<tc>, window_params = [{transform_indices = @transform_0, window_bounds = array<i64: 4096, 256>}, {transform_indices = @transform_1, window_bounds = array<i64: 4096, 128>}, {transform_indices = @transform_2, window_bounds = array<i64: 4096>}, {transform_indices = @transform_3, window_bounds = array<i64: 4096>}, {transform_indices = @transform_4, window_bounds = array<i64: 4096>}, {pipeline_mode = #tpu.pipeline_mode<synchronous>, transform_indices = @transform_5, window_bounds = array<i64: 64, 256>}, {pipeline_mode = #tpu.pipeline_mode<synchronous>, transform_indices = @transform_6, window_bounds = array<i64: 1, 64>}, {transform_indices = @transform_7, window_bounds = array<i64: 4096>}]} {
    %get3A = arith.constant 0 : index
    %get3A_0 = arith.constant 0 : index
    %get3A_1 = vector.load %arg1[%get3A, %get3A_0] : memref<4096x256xf32, #tpu.memory_space<vmem>>, vector<4096x256xf32>
    %get3A_2 = arith.constant 0 : index
    %get3A_3 = arith.constant 0 : index
    %get3A_4 = vector.load %arg6[%get3A_2, %get3A_3] : memref<64x256xf32, #tpu.memory_space<vmem>>, vector<64x256xf32>
    %dot_general3A = arith.constant dense<0.000000e+00> : vector<4096x64xf32>
    %dot_general3A_5 = tpu.matmul %get3A_1, %get3A_4, %dot_general3A {dimension_numbers = #tpu.dot_dimension_numbers<[1], [1], [0], [0], [0, 0, 1, 0], [], []>, transpose_lhs_hint = false} : vector<4096x256xf32>, vector<64x256xf32>, vector<4096x64xf32> -> vector<4096x64xf32>
    %get3A_6 = arith.constant 0 : index
    %get3A_7 = arith.constant 0 : index
    %get3A_8 = vector.load %arg7[%get3A_6, %get3A_7] : memref<1x64xf32, #tpu.memory_space<vmem>>, vector<1x64xf32>
    %add3A = vector.broadcast %get3A_8 : vector<1x64xf32> to vector<4096x64xf32>
    %add3A_9 = arith.addf %dot_general3A_5, %add3A : vector<4096x64xf32>
    %get3A_10 = arith.constant 0 : index
    %get3A_11 = arith.constant 0 : index
    %get3A_12 = vector.load %arg2[%get3A_10, %get3A_11] : memref<4096x128xf32, #tpu.memory_space<vmem>>, vector<4096x128xf32>
    %slice3A = vector.extract_strided_slice %get3A_12 {offsets = [0, 0], sizes = [4096, 64], strides = [1, 1]} : vector<4096x128xf32> to vector<4096x64xf32>
    %mul3A = arith.mulf %add3A_9, %slice3A : vector<4096x64xf32>
    %reduce_sum3A = arith.constant dense<0.000000e+00> : vector<4096xf32>
    %reduce_sum3A_13 = vector.multi_reduction <add>, %mul3A, %reduce_sum3A [1] : vector<4096x64xf32> to vector<4096xf32>
    %slice3A_14 = vector.extract_strided_slice %get3A_12 {offsets = [0, 64], sizes = [4096, 64], strides = [1, 1]} : vector<4096x128xf32> to vector<4096x64xf32>
    %mul3A_15 = arith.mulf %add3A_9, %slice3A_14 : vector<4096x64xf32>
    %reduce_sum3A_16 = arith.constant dense<0.000000e+00> : vector<4096xf32>
    %reduce_sum3A_17 = vector.multi_reduction <add>, %mul3A_15, %reduce_sum3A_16 [1] : vector<4096x64xf32> to vector<4096xf32>
    %get3A_18 = arith.constant 0 : index
    %get3A_19 = vector.load %arg3[%get3A_18] : memref<4096xi32, #tpu.memory_space<vmem>>, vector<4096xi32>
    %ge3A = arith.constant 51200 : i32
    %ge3A_20 = vector.broadcast %ge3A : i32 to vector<4096xi32>
    %ge3A_21 = arith.cmpi sge, %get3A_19, %ge3A_20 : vector<4096xi32>
    %select_n3A = arith.select %ge3A_21, %reduce_sum3A_17, %reduce_sum3A_13 : vector<4096xi1>, vector<4096xf32>
    %get3A_22 = arith.constant 0 : index
    %get3A_23 = vector.load %arg4[%get3A_22] : memref<4096xf32, #tpu.memory_space<vmem>>, vector<4096xf32>
    %add3A_24 = arith.addf %select_n3A, %get3A_23 : vector<4096xf32>
    %get3A_25 = arith.constant 0 : index
    %get3A_26 = vector.load %arg5[%get3A_25] : memref<4096xf32, #tpu.memory_space<vmem>>, vector<4096xf32>
    %add3A_27 = arith.addf %add3A_24, %get3A_26 : vector<4096xf32>
    %swap3A = arith.constant 0 : index
    %swap3A_28 = vector.load %arg8[%swap3A] : memref<4096xf32, #tpu.memory_space<vmem>>, vector<4096xf32>
    tpu.vector_store %arg8[%swap3A], %add3A_27 {strides = array<i32>} : memref<4096xf32, #tpu.memory_space<vmem>>, vector<4096xf32>,
    return
  }
  func.func @transform_0(%arg0: i32) -> (i32, i32) {
    %add3A = arith.constant 0 : i32
    %add3A_0 = arith.addi %arg0, %add3A : i32
    %c0_i32 = arith.constant 0 : i32
    %c0_i32_1 = arith.constant 0 : i32
    return %add3A_0, %c0_i32 : i32, i32
  }
  func.func @transform_1(%arg0: i32) -> (i32, i32) {
    %c0_i32 = arith.constant 0 : i32
    %c0_i32_0 = arith.constant 0 : i32
    return %arg0, %c0_i32 : i32, i32
  }
  func.func @transform_2(%arg0: i32) -> i32 {
    %add3A = arith.constant 0 : i32
    %add3A_0 = arith.addi %arg0, %add3A : i32
    %c0_i32 = arith.constant 0 : i32
    return %add3A_0 : i32
  }
  func.func @transform_3(%arg0: i32) -> i32 {
    %c0_i32 = arith.constant 0 : i32
    return %arg0 : i32
  }
  func.func @transform_4(%arg0: i32) -> i32 {
    %c0_i32 = arith.constant 0 : i32
    return %arg0 : i32
  }
  func.func @transform_5(%arg0: i32) -> (i32, i32) {
    %c0_i32 = arith.constant 0 : i32
    %c0_i32_0 = arith.constant 0 : i32
    %c0_i32_1 = arith.constant 0 : i32
    return %c0_i32, %c0_i32_0 : i32, i32
  }
  func.func @transform_6(%arg0: i32) -> (i32, i32) {
    %c0_i32 = arith.constant 0 : i32
    %c0_i32_0 = arith.constant 0 : i32
    %c0_i32_1 = arith.constant 0 : i32
    return %c0_i32, %c0_i32_0 : i32, i32
  }
  func.func @transform_7(%arg0: i32) -> i32 {
    %c0_i32 = arith.constant 0 : i32
    return %arg0 : i32
  }
}

</mosaic_0001>

<sc_bundles>
// kernel: kernel.11.cloned.1.call-start
scs
__scs_entry_jumppad:
0x0: {  	(pc) =	sbr.rel $0x88, $3  }
0x1: {  	(tag) =	ssettag $0x0;
	lr =	simm.s32 $0x1  }
0x2: {  	[smem:$0x3F99] =	sst lr;
	_ =	strace $0xD0000000  }
0x3: {  	_ = 	snop  }
0x4: {  	_ = 	snop  }
0x5: {  	_ = 	snop  }
0x6: {  	_ = 	snop  }
0x7: {  	_ = 	snop  }
__scs_overlays_trampoline_lowered:
0x8: {  	[smem:$0x3FA8] =	sst s0  }
0x9: {  	[smem:$0x3FA9] =	sst s1  }
0xa: {  	[smem:$0x3FAA] =	sst s2  }
0xb: {  	[smem:$0x3FAB] =	sst s3  }
0xc: {  	[smem:$0x3FAC] =	sst s4  }
0xd: {  	[smem:$0x3FAD] =	sst s5  }
0xe: {  	[smem:$0x3FAE] =	sst s6  }
0xf: {  	[smem:$0x3FAF] =	sst s7  }
0x10: {  	[smem:$0x3FB0] =	sst s8  }
0x11: {  	[smem:$0x3FB1] =	sst s9;
	s0 =	simm.s32 @!p0 $0x0  }
0x12: {  	s1 =	sld [smem:$0x3F97];
	s0 =	simm.s32 @p0 $0x1  }
0x13: {  	[smem:$0x3FB2] =	sst s0;
	s0 =	simm.s32 @!p1 $0x0  }
0x14: {  	s2 =	sld [smem:$0x3F96];
	s0 =	simm.s32 @p1 $0x1  }
0x15: {  	[smem:$0x3FB3] =	sst s0;
	s0 =	simm.s32 @!p2 $0x0  }
0x16: {  	s3 =	sld [smem:$0x3FDB];
	s0 =	simm.s32 @p2 $0x1  }
0x17: {  	s4 =	simm.s32 $0x1BF5;
	[smem:$0x3FB5] =	sst s0  }
0x18: {  	s0 =	sld [smem:$0x3F98];
	_ =	swait.ge [sflag:s4], $0x0  }
0x19: {  	s7 =	sld [smem:$0x3F99]  }
0x1a: {  	s8 =	sadd.s32 $0xFFFFE003, lr  }
0x1b: {  	s9 =	sadd.s32 $0xFFFFFEF7, lr;
	s5 =	simm.s32 $0xFFFFFFFF;
	p2 =	slt.u32 s8, $0xFFFFF086  }
0x1c: {  	p1 =	slt.u32 s9, $0xF7A;
	s5 =	simm.s32 @!p2 $0x0  }
0x1d: {  	s5 =	simm.s32 @p1 $0x1;
	p0 =	seq.s32 s7, s2  }
0x1e: {  	s7 =	smul.u32 @!p0 $0xF7A, s2;
	p2 =	seq.s32 @!p0 s5, $0x0  }
0x1f: {  	s9 =	smul.u32 $0xF7A, s1;
	s8 =	simm.s32 @!p0 $0x1BF5;
	p2 =	por !p2, p0  }
0x20: {  	[sflag:s8] =	ssyncset.s32 @!p0 $0xFFFFF086;
	s6 =	sadd.s32 @!p0 s3, s7;
	s7 =	simm.s32 @!p0 $0x108  }
0x21: {  	s3 =	sadd.s32 s3, s9;
	s6 =	sadd.s32 @!p0 $0x88, s6;
	s7 =	simm.s32 @p2 $0x1082  }
0x22: {  	[simem:s7], [sflag:s8] =	dma.local @!p0 [hbm:s6], $0xF7A  }
0x23: {  	s9 =	sor.u32 $0xD0000000, s2;
	s6 =	simm.s32 $0x108;
	_ =	swait.ge @!p0 [sflag:s8], $0x0  }
0x24: {  	s3 =	sadd.s32 $0x88, s3;
	s6 =	simm.s32 @!p1 $0x1082;
	[sflag:s4] =	ssyncset.s32 $0xFFFFF086  }
0x25: {  	[simem:s6], [sflag:s4] =	dma.local [hbm:s3], $0xF7A  }
0x26: {  	[smem:$0x3F99] =	sst s1;
	(tag) =	ssettag s2;
	_ =	strace s9  }
0x27: {  	s1 =	sld [smem:$0x3FA9]  }
0x28: {  	s2 =	sld [smem:$0x3FAA]  }
0x29: {  	s4 =	sld [smem:$0x3FAC]  }
0x2a: {  	p0 =	seq.s32 s5, $0x0;
	s5 =	sld [smem:$0x3FAD]  }
0x2b: {  	s6 =	sld [smem:$0x3FAE]  }
0x2c: {  	s7 =	sld [smem:$0x3FAF]  }
0x2d: {  	s3 =	simm.s32 $0x108;
	s8 =	sld [smem:$0x3FB0]  }
0x2e: {  	s3 =	simm.s32 @!p0 $0x1082;
	s9 =	sld [smem:$0x3FB1]  }
0x2f: {  	lr =	sadd.s32 s0, s3;
	s0 =	sld [smem:$0x3FA8]  }
0x30: {  	s3 =	sld [smem:$0x3FAB]  }
0x31: {  	[smem:$0x3FB4] =	sst s10  }
0x32: {  	s10 =	sld [smem:$0x3FB2];
	_ =	sdelay $0x3  }
0x33: {  	p0 =	seq.s32 s10, $0x1;
	s10 =	sld [smem:$0x3FB4];
	_ =	sdelay $0x3  }
0x34: {  	[smem:$0x3FB4] =	sst s10  }
0x35: {  	s10 =	sld [smem:$0x3FB3];
	_ =	sdelay $0x3  }
0x36: {  	p1 =	seq.s32 s10, $0x1;
	s10 =	sld [smem:$0x3FB4];
	_ =	sdelay $0x3  }
0x37: {  	[smem:$0x3FB4] =	sst s10  }
0x38: {  	s10 =	sld [smem:$0x3FB5]  }
0x39: {  	_ = 	snop;
	(pc) =	sbr.ind lr, $3  }
0x3a: {  	_ = 	snop  }
0x3b: {  	_ = 	snop  }
0x3c: {  	p2 =	seq.s32 s10, $0x1;
	s10 =	sld [smem:$0x3FB4]  }
0x3d: {  	_ =	shalt  }
0x3e: {  	_ =	shalt  }
0x3f: {  	_ =	shalt  }
0x40: {  	_ =	shalt  }
0x41: {  	_ =	shalt  }
0x42: {  	_ =	shalt  }
0x43: {  	_ =	shalt  }
0x44: {  	_ =	shalt  }
0x45: {  	_ =	shalt  }
0x46: {  	_ =	shalt  }
0x47: {  	_ =	shalt  }
0x48: {  	_ =	shalt  }
0x49: {  	_ =	shalt  }
0x4a: {  	_ =	shalt  }
0x4b: {  	_ =	shalt  }
0x4c: {  	_ =	shalt  }
0x4d: {  	_ =	shalt  }
0x4e: {  	_ =	shalt  }
0x4f: {  	_ =	shalt  }
0x50: {  	_ =	shalt  }
0x51: {  	_ =	shalt  }
0x52: {  	_ =	shalt  }
0x53: {  	_ =	shalt  }
0x54: {  	_ =	shalt  }
0x55: {  	_ =	shalt  }
0x56: {  	_ =	shalt  }
0x57: {  	_ =	shalt  }
0x58: {  	_ =	shalt  }
0x59: {  	_ =	shalt  }
0x5a: {  	_ =	shalt  }
0x5b: {  	_ =	shalt  }
0x5c: {  	_ =	shalt  }
0x5d: {  	_ =	shalt  }
0x5e: {  	_ =	shalt  }
0x5f: {  	_ =	shalt  }
0x60: {  	_ =	shalt  }
0x61: {  	_ =	shalt  }
0x62: {  	_ =	shalt  }
0x63: {  	_ =	shalt  }
0x64: {  	_ =	shalt  }
0x65: {  	_ =	shalt  }
0x66: {  	_ =	shalt  }
0x67: {  	_ =	shalt  }
0x68: {  	_ =	shalt  }
0x69: {  	_ =	shalt  }
0x6a: {  	_ =	shalt  }
0x6b: {  	_ =	shalt  }
0x6c: {  	_ =	shalt  }
0x6d: {  	_ =	shalt  }
0x6e: {  	_ =	shalt  }
0x6f: {  	_ =	shalt  }
0x70: {  	_ =	shalt  }
0x71: {  	_ =	shalt  }
0x72: {  	_ =	shalt  }
0x73: {  	_ =	shalt  }
0x74: {  	_ =	shalt  }
0x75: {  	_ =	shalt  }
0x76: {  	_ =	shalt  }
0x77: {  	_ =	shalt  }
0x78: {  	_ =	shalt  }
0x79: {  	_ =	shalt  }
0x7a: {  	_ =	shalt  }
0x7b: {  	_ =	shalt  }
0x7c: {  	_ =	shalt  }
0x7d: {  	_ =	shalt  }
0x7e: {  	_ =	shalt  }
0x7f: {  	_ =	shalt  }
0x80: {  	_ =	shalt  }
0x81: {  	_ =	shalt  }
0x82: {  	_ =	shalt  }
0x83: {  	_ =	shalt  }
0x84: {  	_ =	shalt  }
0x85: {  	_ =	shalt  }
0x86: {  	_ =	shalt  }
0x87: {  	_ =	shalt  }
.Lfunc_end0:
.L_simem_size_0:
called_computation.1_lowered:
.L_overlay_start_0:
0x88: {  	s2 =	sld [smem:$0x3FD9]  }
0x89: {  	s3 =	sld [smem:$0x3FFE];
	_ =	sdelay $0x1  }
0x8a: {  	s1 =	srdreg.scid  }
0x8b: {  	s0 =	sand.u32 $0x1, s1  }
0x8c: {  	s17 =	sshll.u32 s0, $0xA;
	s2 =	sadd.s32 s3, s2  }
0x8d: {  	s2 =	sadd.s32 s2, s17  }
0x8e: {  	[smem:$0x3FC0] =	sst s2  }
0x8f: {  	_ = 	snop  }
0x90: {  	s4 =	sld [smem:$0x3FC9]  }
0x91: {  	s5 =	sld [smem:$0x3FC8]  }
0x92: {  	s18 =	sld [smem:$0x3FD0];
	(tm) =	ssettm $0x1  }
0x93: {  	s19 =	sld [smem:$0x3FFB];
	_ =	sdelay $0x3  }
0x94: {  	_ =	strace s19  }
0x95: {  	s2 =	sld [smem:$0x3FFC];
	_ =	sdelay $0x3  }
0x96: {  	_ =	strace s2  }
0x97: {  	s2 =	sld [smem:$0x3FFD];
	_ =	sdelay $0x3  }
0x98: {  	_ =	strace s2  }
0x99: {  	_ =	strace $0x8FFFFFFF  }
0x9a: {  	s20 =	sld [smem:$0x3FDB];
	_ =	sdelay $0x1  }
0x9b: {  	s6 =	simm.s32 $_scs_section_size  }
0x9c: {  	s7 =	simm.s32 $_size__tile_overlayer_lowered;
	s8 =	simm.s32 $_tile_overlayer_lowered  }
0x9d: {  	s9 =	simm.s32 $0x1BFF;
	s21 =	sshll.u32 s8, $0x1;
	s6 =	sadd.s32 s6, s20  }
0x9e: {  	s22 =	simm.s32 $0x0;
	s7 =	sshll.u32 s7, $0x1;
	s8 =	sadd.s32 s21, s6  }
0x9f: {  	[timem:s22], [sflag:s9] =	dma.local [hbm:s8], s7  }
0xa0: {  	_ =	swait.ge [sflag:s9], s7  }
0xa1: {  	s7 =	ssub.s32 $0x0, s7;
	[sflag:s9] =	ssyncset.done $0x0  }
0xa2: {  	[sflag:s9] =	ssyncadd.s32 s7;
	_ =	sdelay $0x1  }
0xa3: {  	s23 =	simm.s32 $0x1B8B  }
0xa4: {  	_ =	swait.ge [sflag:s23], $0x1  }
0xa5: {  	[sflag:s23] =	ssyncset.done $0x0  }
0xa6: {  	[sflag:s23] =	ssyncadd.s32 $0xFFFFFFFF  }
0xa7: {  	s7 =	sld [smem:$0x0]  }
0xa8: {  	s8 =	sand.u32 $0xFFFFFFFE, s1  }
0xa9: {  	p0 =	sne.s32 s1, s8  }
0xaa: {  	s8 =	sshll.u32 @p0 s8, $0xE  }
0xab: {  	s8 =	sadd.s32 @p0 $0x11B8D, s8;
	s9 =	sshll.u32 @p0 s7, $0x11  }
0xac: {  	s8 =	sor.u32 @p0 s9, s8  }
0xad: {  	[sflag:s8] =	ssyncadd.remote.s32 @p0 $0x1;
	_ =	sdelay $0x1  }
0xae: {  	s8 =	simm.s32 @p0 $0x1B8D  }
0xaf: {  	_ =	swait.eq @p0 [sflag:s8], $0x1  }
0xb0: {  	[sflag:s8] =	ssyncadd.s32 @p0 $0xFFFFFFFF  }
0xb1: {  	s9 =	sshll.u32 @!p0 s1, $0xE  }
0xb2: {  	s9 =	sor.u32 @!p0 $0x4000, s9;
	s8 =	simm.s32 @!p0 $0x1B8D  }
0xb3: {  	s7 =	sshll.u32 @!p0 s7, $0x11;
	s9 =	sadd.s32 @!p0 $0x11B8D, s9;
	_ =	swait.eq @!p0 [sflag:s8], $0x1  }
0xb4: {  	s7 =	sor.u32 @!p0 s7, s9;
	[sflag:s8] =	ssyncadd.s32 @!p0 $0xFFFFFFFF  }
0xb5: {  	s25 =	simm.s32 $0x1B8E;
	s24 =	sld [smem:$0x3FFE];
	[sflag:s7] =	ssyncadd.remote.s32 @!p0 $0x1  }
0xb6: {  	s26 =	simm.s32 $execute0_lowered;
	[smem:$0x3FD2] =	sst s25  }
0xb7: {  	s8 =	sshll.u32 s26, $0x1;
	_ =	strace $0x8000004C;
	[dreg:$0x1] =	wrdreg $0xFFFFFFFF  }
0xb8: {  	s28 =	simm.s32 $_size_execute0_lowered;
	s6 =	sadd.s32 s6, s8;
	[dreg:$0x0] =	wrdreg $0x0  }
0xb9: {  	s8 =	sshll.u32 s28, $0x1;
	[dreg:$0x2] =	wrdreg s6  }
0xba: {  	[dreg:$0x3] =	wrdreg s8  }
0xbb: {  	[dreg:$0x4] =	wrdreg $0xC0  }
0xbc: {  	_ =	task [dreg:s22], $0x5FFFF  }
0xbd: {  	[dreg:$0x1] =	wrdreg $0xFFFFFFFF  }
0xbe: {  	[dreg:$0x0] =	wrdreg $0x60  }
0xbf: {  	[dreg:$0x2] =	wrdreg s4  }
0xc0: {  	[dreg:$0x3] =	wrdreg s5  }
0xc1: {  	[dreg:$0x4] =	wrdreg s24  }
0xc2: {  	[dreg:$0x5] =	wrdreg s18  }
0xc3: {  	[dreg:$0x6] =	wrdreg $0xA  }
0xc4: {  	_ =	task.clear_ibuf [dreg:s22], $0x7FFFF;
	_ =	strace $0x9000004C  }
0xc5: {  	s29 =	simm.s32 $0xA;
	_ =	strace $0x8000004E  }
0xc6: {  	_ =	swait.ge [sflag:s29], $0x1  }
0xc7: {  	[sflag:s29] =	ssyncadd.s32 $0xFFFFFFFF  }
0xc8: {  	_ =	strace $0x9000004E  }
0xc9: {  	_ =	sfence  }
0xca: {  	s30 =	sld [smem:$0x0];
	_ =	sdelay $0x2  }
0xcb: {  	s31 =	sshll.u32 s1, $0xD;
	s1 =	sshrl.u32 s1, $0x2  }
0xcc: {  	s4 =	sand.u32 $0x4000, s31;
	s1 =	sadd.s32 s1, s30  }
0xcd: {  	s0 =	sor.u32 s4, s0;
	s1 =	sshll.u32 s1, $0x11  }
0xce: {  	s0 =	sor.u32 s1, s0  }
0xcf: {  	s0 =	sadd.s32 $0x8F2B, s0  }
0xd0: {  	[sflag:s0] =	ssyncadd.remote.s32 $0x1  }
0xd1: {  	_ =	sfence.sel $0xFFFF  }
0xd2: {  	[dreg:$0x0] =	wrdreg $0xFFFFFFFF;
	(pc) =	sbr.abs _section_cstart, $3  }
0xd3: {  	[dreg:$0x1] =	wrdreg $0xFFFFFFFF  }
0xd4: {  	_ =	task.clear_ibuf [dreg:s22], $0x2FFFF;
	_ =	strace $0x9FFFFFFF  }
0xd5: {  	(tm) =	ssettm $0x7FFFFFFF  }
tec
execute0_lowered:
.L_overlay_start_1:
0x0: {  	(tag) =	ssettag $0x1  }
0x1: {  	s5 =	rddreg [dreg:$0x0]  }
0x2: {  	s6 =	rddreg [dreg:$0x1];
	s1 =	srdreg.scid  }
0x3: {  	s7 =	rddreg [dreg:$0x2];
	s0 =	stileid.u32;
	s8 =	sand.u32 $0x1, s1  }
0x4: {  	s13 =	rddreg [dreg:$0x3];
	s3 =	sshll.u32 s0, $0x9;
	s4 =	sshll.u32 s8, $0x8  }
0x5: {  	s2 =	simm.s32 $0x0;
	s1 =	rddreg [dreg:$0x4];
	s10 =	sor.u32 s4, s3  }
0x6: {  	[smem:$0x7FF] =	sst s2;
	s15 =	sshrl.u32 s10, $0x3  }
0x7: {  	_ =	strace $0x8000004D;
	s3 =	simm.s32 $0x3;
	s14 =	sadd.s32 s5, s15  }
0x8: {  	[tilespmem:s2], [sflag:$0x3] =	stream.linear.gather [hbm4b:s14+s2], $0x80, $0x38;
	[tilespmem:$0x8E00] =	vst v63  }
0x9: {  	_ =	swait.ge [sflag:s3], $0x80  }
0xa: {  	[sflag:s3] =	ssyncset.done $0x0  }
0xb: {  	s4 =	simm.s32 $0x400;
	s16 =	sadd.s32 s6, s15;
	[sflag:s3] =	ssyncadd.s32 $0xFFFFFF80  }
0xc: {  	[tilespmem:s4], [sflag:$0x3] =	stream.linear.gather [hbm4b:s16+s2], $0x80, $0x38;
	[tilespmem:$0x8E00] =	vst v63  }
0xd: {  	_ =	swait.ge [sflag:s3], $0x80  }
0xe: {  	s9 =	sor.u32 $0x10, s15;
	[sflag:s3] =	ssyncset.done $0x0  }
0xf: {  	s18 =	sadd.s32 s5, s9;
	s5 =	simm.s32 $0x80;
	[sflag:s3] =	ssyncadd.s32 $0xFFFFFF80  }
0x10: {  	[tilespmem:s5], [sflag:$0x3] =	stream.linear.gather [hbm4b:s18+s2], $0x80, $0x38;
	[tilespmem:$0x8E00] =	vst v63  }
0x11: {  	_ =	swait.ge [sflag:s3], $0x80  }
0x12: {  	[sflag:s3] =	ssyncset.done $0x0  }
0x13: {  	s20 =	sadd.s32 s6, s9;
	s6 =	simm.s32 $0x480;
	[sflag:s3] =	ssyncadd.s32 $0xFFFFFF80  }
0x14: {  	[tilespmem:s6], [sflag:$0x3] =	stream.linear.gather [hbm4b:s20+s2], $0x80, $0x38;
	[tilespmem:$0x8E00] =	vst v63  }
0x15: {  	_ =	swait.ge [sflag:s3], $0x80  }
0x16: {  	[sflag:s3] =	ssyncset.done $0x0  }
0x17: {  	[sflag:s3] =	ssyncadd.s32 $0xFFFFFF80  }
0x18: {  	v1 =	vld [tilespmem:$0x440]  }
0x19: {  	v3 =	vld [tilespmem:$0x4E0]  }
0x1a: {  	v2 =	vld [tilespmem:$0x430]  }
0x1b: {  	v4 =	vld [tilespmem:$0x420]  }
0x1c: {  	s17 =	ssub.s32 $0x2, s8;
	v5 =	vld [tilespmem:$0x410]  }
0x1d: {  	s31 =	sshrl.u32 s17, $0x1;
	v0 =	vld [tilespmem:$0x490]  }
0x1e: {  	s19 =	simm.s32 $0x800;
	s21 =	simm.s32 $0x880;
	s17 =	ssub.s32 s17, s31;
	v7 =	vld [tilespmem:$0x450];
	vm0 =	vgt.s32 v1, $0xC7FF;
	v6 =	vadd.s32 $0xFFFF3800, v1;
	vm1 =	vgt.s32 v3, $0xC7FF  }
0x1f: {  	s22 =	simm.s32 $0x4C00;
	s24 =	simm.s32 $0x8C80;
	s23 =	smax.u32 s17, $0x1;
	vm2 =	vgt.s32 v2, $0xC7FF;
	v8 =	vadd.s32 $0xFFFF3800, v2;
	v1 =	vsel vm0, v6, v1;
	v6 =	vld [tilespmem:$0x480]  }
0x20: {  	s25 =	simm.s32 $0x8D80;
	s11 =	sadd.s32 $0x85400, s7;
	p0 =	sne.s32 s23, $0x1;
	v9 =	vadd.s32 $0xFFFF3800, v4;
	v2 =	vsel vm2, v8, v2;
	v8 =	vadd.s32 $0xFFFF3800, v3;
	[tilespmem:$0x840] =	vst v1;
	v1 =	vld [tilespmem:$0x470]  }
.Ltmp0:
0x21: {  	s12 =	sshll.u32 s10, $0x4;
	s10 =	sadd.s32 $0x82200, s7;
	v10 =	vadd.s32 $0xFFFF3800, v5;
	vm2 =	vgt.s32 v4, $0xC7FF;
	[tilespmem:$0x830] =	vst v2;
	v2 =	vld [tilespmem:$0x460];
	v8 =	vsel vm1, v8, v3;
	(pc) =	sbr.rel @!p0 .LBB2_2-.Ltmp0, $4  }
0x22: {  	s12 =	sadd.s32 s12, s7;
	s17 =	simm.s32 $0x8C00;
	s9 =	sadd.s32 $0x88600, s7;
	vm0 =	vgt.s32 v0, $0xC7FF;
	v3 =	vld [tilespmem:$0x400];
	vm1 =	vgt.s32 v5, $0xC7FF;
	v4 =	vsel vm2, v9, v4;
	[tilespmem:$0x8E0] =	vst v8  }
0x23: {  	s26 =	simm.s32 $0x1;
	s13 =	sadd.s32 s13, s15;
	s8 =	sadd.s32 $0x170E00, s12;
	v5 =	vsel vm1, v10, v5;
	[tilespmem:$0x820] =	vst v4;
	vm1 =	vgt.s32 v7, $0xC7FF;
	v8 =	vadd.s32 $0xFFFF3800, v7;
	v4 =	vld [tilespmem:$0x4F0]  }
0x24: {  	s7 =	sadd.s32 s15, s7;
	s12 =	simm.s32 $0xC00;
	s15 =	simm.s32 $0x8D00;
	[tilespmem:$0x810] =	vst v5;
	v7 =	vsel vm1, v8, v7;
	v5 =	vld [tilespmem:$0x4B0];
	vm2 =	vgt.s32 v6, $0xC7FF;
	v8 =	vadd.s32 $0xFFFF3800, v6  }
0x25: {  	s28 =	sadd.s32 $0xFFFFFFFF, s23;
	s23 =	simm.s32 $0x2;
	s7 =	sadd.s32 $0x190E00, s7;
	[tilespmem:$0x850] =	vst v7;
	vm1 =	vgt.s32 v1, $0xC7FF;
	v7 =	vadd.s32 $0xFFFF3800, v1;
	v8 =	vsel vm2, v8, v6;
	v6 =	vld [tilespmem:$0x4A0]  }
.LBB2_1:
0x26: {  	p0 =	sne.s32 s28, $0x1;
	s28 =	sadd.s32 $0xFFFFFFFF, s28;
	vm2 =	vgt.s32 v2, $0xC7FF;
	v9 =	vadd.s32 $0xFFFF3800, v2;
	v1 =	vsel vm1, v7, v1;
	[tilespmem:$0x880] =	vst v8  }
0x27: {  	vm1 =	vgt.s32 v3, $0xC7FF;
	v7 =	vadd.s32 $0xFFFF3800, v3;
	v2 =	vsel vm2, v9, v2;
	[tilespmem:$0x870] =	vst v1;
	v1 =	vld [tilespmem:$0x4D0]  }
0x28: {  	v3 =	vsel vm1, v7, v3;
	[tilespmem:$0x860] =	vst v2;
	v2 =	vld [tilespmem:$0x4C0];
	vm1 =	vgt.s32 v4, $0xC7FF;
	v7 =	vadd.s32 $0xFFFF3800, v4  }
0x29: {  	[tilespmem:$0x800] =	vst v3;
	vm2 =	vgt.s32 v5, $0xC7FF;
	v3 =	vadd.s32 $0xFFFF3800, v5;
	v4 =	vsel vm1, v7, v4  }
0x2a: {  	vm1 =	vgt.s32 v6, $0xC7FF;
	v7 =	vadd.s32 $0xFFFF3800, v6;
	v3 =	vsel vm2, v3, v5;
	[tilespmem:$0x8F0] =	vst v4  }
0x2b: {  	v4 =	vadd.s32 $0xFFFF3800, v0;
	v5 =	vsel vm1, v7, v6;
	[tilespmem:$0x8B0] =	vst v3  }
0x2c: {  	v0 =	vsel vm0, v4, v0;
	[tilespmem:$0x8A0] =	vst v5;
	vm0 =	vgt.s32 v1, $0xC7FF;
	v3 =	vadd.s32 $0xFFFF3800, v1  }
0x2d: {  	[tilespmem:$0x890] =	vst v0;
	vm1 =	vgt.s32 v2, $0xC7FF;
	v0 =	vadd.s32 $0xFFFF3800, v2;
	v1 =	vsel vm0, v3, v1  }
0x2e: {  	v0 =	vsel vm1, v0, v2;
	[tilespmem:$0x8D0] =	vst v1  }
0x2f: {  	[tilespmem:$0x8C0] =	vst v0  }
0x30: {  	[tilespmem:s12], [sflag:$0x1] =	stream.indirect.gather [hbm4b:s9+s5], $0x80, s19, s5, $0xb8;
	[tilespmem:$0x8E00] =	vst v63  }
0x31: {  	_ = 	snop  }
0x32: {  	[tilespmem:s22], [sflag:$0x1] =	stream.indirect.gather [hbm4b:s9+s5], $0x80, s21, s5, $0xb8;
	[tilespmem:$0x8E00] =	vst v63  }
0x33: {  	_ = 	snop  }
0x34: {  	[tilespmem:s17], [sflag:$0x2] =	stream.indirect.gather [hbm4b:s10+s5], $0x1, s2, s5, $0xb8;
	[tilespmem:$0x8E00] =	vst v63  }
0x35: {  	_ = 	snop  }
0x36: {  	[tilespmem:s15], [sflag:$0x2] =	stream.indirect.gather [hbm4b:s11+s5], $0x1, s4, s5, $0xb8;
	[tilespmem:$0x8E00] =	vst v63  }
0x37: {  	_ = 	snop  }
0x38: {  	[tilespmem:s24], [sflag:$0x2] =	stream.indirect.gather [hbm4b:s10+s5], $0x1, s5, s5, $0xb8;
	[tilespmem:$0x8E00] =	vst v63  }
0x39: {  	_ = 	snop  }
0x3a: {  	[tilespmem:s25], [sflag:$0x2] =	stream.indirect.gather [hbm4b:s11+s5], $0x1, s6, s5, $0xb8;
	[tilespmem:$0x8E00] =	vst v63  }
0x3b: {  	_ =	swait.ge [sflag:s26], $0x4000  }
0x3c: {  	[sflag:s26] =	ssyncset.done $0x0  }
0x3d: {  	[sflag:s26] =	ssyncadd.s32 $0xFFFFC000  }
0x3e: {  	_ =	swait.ge [sflag:s26], $0x4000  }
0x3f: {  	[sflag:s26] =	ssyncset.done $0x0  }
0x40: {  	[sflag:s26] =	ssyncadd.s32 $0xFFFFC000  }
0x41: {  	_ =	swait.ge [sflag:s23], $0x80  }
0x42: {  	[sflag:s23] =	ssyncset.done $0x0  }
0x43: {  	[sflag:s23] =	ssyncadd.s32 $0xFFFFFF80  }
0x44: {  	_ =	swait.ge [sflag:s23], $0x80  }
0x45: {  	[sflag:s23] =	ssyncset.done $0x0  }
0x46: {  	[sflag:s23] =	ssyncadd.s32 $0xFFFFFF80  }
0x47: {  	_ =	swait.ge [sflag:s23], $0x80  }
0x48: {  	[sflag:s23] =	ssyncset.done $0x0  }
0x49: {  	[sflag:s23] =	ssyncadd.s32 $0xFFFFFF80  }
0x4a: {  	_ =	swait.ge [sflag:s23], $0x80  }
0x4b: {  	[sflag:s23] =	ssyncset.done $0x0  }
0x4c: {  	[sflag:s23] =	ssyncadd.s32 $0xFFFFFF80  }
0x4d: {  	[hbm4b:s8+s2] =	stream.linear.scatter [tilespmem:s12], [sflag:$0x3], $0x8000, $0x38;
	[tilespmem:$0x8E00] =	vst v63  }
0x4e: {  	_ =	swait.ge [sflag:s3], $0x8000  }
0x4f: {  	[sflag:s3] =	ssyncset.done $0x0  }
0x50: {  	[sflag:s3] =	ssyncadd.s32 $0xFFFF8000  }
0x51: {  	[hbm4b:s13+s2] =	stream.linear.scatter [tilespmem:s17], [sflag:$0x3], $0x100, $0x38;
	[tilespmem:$0x8E00] =	vst v63  }
0x52: {  	_ =	swait.ge [sflag:s3], $0x100  }
0x53: {  	[sflag:s3] =	ssyncset.done $0x0  }
0x54: {  	[sflag:s3] =	ssyncadd.s32 $0xFFFFFF00  }
0x55: {  	[hbm4b:s7+s2] =	stream.linear.scatter [tilespmem:s15], [sflag:$0x3], $0x100, $0x38;
	[tilespmem:$0x8E00] =	vst v63  }
0x56: {  	_ =	swait.ge [sflag:s3], $0x100  }
0x57: {  	[sflag:s3] =	ssyncset.done $0x0  }
0x58: {  	[sflag:s3] =	ssyncadd.s32 $0xFFFFFF00  }
0x59: {  	[tilespmem:s2], [sflag:$0x3] =	stream.linear.gather [hbm4b:s14+s2], $0x80, $0x38;
	[tilespmem:$0x8E00] =	vst v63  }
0x5a: {  	_ =	swait.ge [sflag:s3], $0x80  }
0x5b: {  	[sflag:s3] =	ssyncset.done $0x0  }
0x5c: {  	[sflag:s3] =	ssyncadd.s32 $0xFFFFFF80  }
0x5d: {  	[tilespmem:s4], [sflag:$0x3] =	stream.linear.gather [hbm4b:s16+s2], $0x80, $0x38;
	[tilespmem:$0x8E00] =	vst v63  }
0x5e: {  	_ =	swait.ge [sflag:s3], $0x80  }
0x5f: {  	[sflag:s3] =	ssyncset.done $0x0  }
0x60: {  	[sflag:s3] =	ssyncadd.s32 $0xFFFFFF80  }
0x61: {  	[tilespmem:s5], [sflag:$0x3] =	stream.linear.gather [hbm4b:s18+s2], $0x80, $0x38;
	[tilespmem:$0x8E00] =	vst v63  }
0x62: {  	_ =	swait.ge [sflag:s3], $0x80  }
0x63: {  	[sflag:s3] =	ssyncset.done $0x0  }
0x64: {  	[sflag:s3] =	ssyncadd.s32 $0xFFFFFF80  }
0x65: {  	[tilespmem:s6], [sflag:$0x3] =	stream.linear.gather [hbm4b:s20+s2], $0x80, $0x38;
	[tilespmem:$0x8E00] =	vst v63  }
0x66: {  	_ =	swait.ge [sflag:s3], $0x80  }
0x67: {  	[sflag:s3] =	ssyncset.done $0x0  }
0x68: {  	[sflag:s3] =	ssyncadd.s32 $0xFFFFFF80  }
0x69: {  	v1 =	vld [tilespmem:$0x440]  }
0x6a: {  	v3 =	vld [tilespmem:$0x4E0]  }
0x6b: {  	v2 =	vld [tilespmem:$0x430]  }
0x6c: {  	v0 =	vld [tilespmem:$0x490]  }
0x6d: {  	v4 =	vld [tilespmem:$0x420]  }
0x6e: {  	v5 =	vld [tilespmem:$0x410]  }
0x6f: {  	vm0 =	vgt.s32 v1, $0xC7FF;
	v6 =	vadd.s32 $0xFFFF3800, v1;
	v7 =	vld [tilespmem:$0x450];
	vm1 =	vgt.s32 v3, $0xC7FF  }
0x70: {  	v1 =	vsel vm0, v6, v1;
	vm2 =	vgt.s32 v2, $0xC7FF;
	v8 =	vadd.s32 $0xFFFF3800, v2;
	v6 =	vld [tilespmem:$0x480]  }
0x71: {  	v2 =	vsel vm2, v8, v2;
	[tilespmem:$0x840] =	vst v1;
	v1 =	vld [tilespmem:$0x470];
	vm0 =	vgt.s32 v0, $0xC7FF;
	v8 =	vadd.s32 $0xFFFF3800, v3  }
.Ltmp1:
0x72: {  	vm2 =	vgt.s32 v4, $0xC7FF;
	v9 =	vadd.s32 $0xFFFF3800, v4;
	[tilespmem:$0x830] =	vst v2;
	v2 =	vld [tilespmem:$0x460];
	v8 =	vsel vm1, v8, v3;
	(pc) =	sbr.rel @p0 .LBB2_1-.Ltmp1, $4  }
0x73: {  	v3 =	vld [tilespmem:$0x400];
	vm1 =	vgt.s32 v5, $0xC7FF;
	v10 =	vadd.s32 $0xFFFF3800, v5;
	v4 =	vsel vm2, v9, v4;
	[tilespmem:$0x8E0] =	vst v8  }
0x74: {  	v5 =	vsel vm1, v10, v5;
	[tilespmem:$0x820] =	vst v4;
	vm1 =	vgt.s32 v7, $0xC7FF;
	v8 =	vadd.s32 $0xFFFF3800, v7;
	v4 =	vld [tilespmem:$0x4F0]  }
0x75: {  	[tilespmem:$0x810] =	vst v5;
	v7 =	vsel vm1, v8, v7;
	vm2 =	vgt.s32 v6, $0xC7FF;
	v8 =	vadd.s32 $0xFFFF3800, v6;
	v5 =	vld [tilespmem:$0x4B0]  }
0x76: {  	[tilespmem:$0x850] =	vst v7;
	vm1 =	vgt.s32 v1, $0xC7FF;
	v7 =	vadd.s32 $0xFFFF3800, v1;
	v8 =	vsel vm2, v8, v6;
	v6 =	vld [tilespmem:$0x4A0]  }
.LBB2_2:
0x77: {  	vm2 =	vgt.s32 v2, $0xC7FF;
	v9 =	vadd.s32 $0xFFFF3800, v2;
	v1 =	vsel vm1, v7, v1;
	[tilespmem:$0x880] =	vst v8  }
0x78: {  	v55 =	vld [tilespmem:$0x4D0];
	v60 =	vadd.s32 $0xFFFF3800, v0;
	v2 =	vsel vm2, v9, v2;
	[tilespmem:$0x870] =	vst v1  }
0x79: {  	v56 =	vld [tilespmem:$0x4C0];
	vm10 =	vgt.s32 v3, $0xC7FF;
	v54 =	vadd.s32 $0xFFFF3800, v3;
	v0 =	vsel vm0, v60, v0;
	[tilespmem:$0x860] =	vst v2  }
0x7a: {  	v3 =	vsel vm10, v54, v3;
	vm11 =	vgt.s32 v4, $0xC7FF;
	v57 =	vadd.s32 $0xFFFF3800, v4;
	[tilespmem:$0x890] =	vst v0  }
0x7b: {  	[tilespmem:$0x800] =	vst v3;
	vm12 =	vgt.s32 v5, $0xC7FF;
	v58 =	vadd.s32 $0xFFFF3800, v5;
	v4 =	vsel vm11, v57, v4  }
0x7c: {  	vm13 =	vgt.s32 v6, $0xC7FF;
	v59 =	vadd.s32 $0xFFFF3800, v6;
	v3 =	vsel vm12, v58, v5;
	[tilespmem:$0x8F0] =	vst v4  }
0x7d: {  	v61 =	vsel vm13, v59, v6;
	[tilespmem:$0x8B0] =	vst v3;
	vm14 =	vgt.s32 v55, $0xC7FF;
	v62 =	vadd.s32 $0xFFFF3800, v55  }
0x7e: {  	vm15 =	vgt.s32 v56, $0xC7FF;
	v63 =	vadd.s32 $0xFFFF3800, v56;
	[tilespmem:$0x8A0] =	vst v61;
	v1 =	vsel vm14, v62, v55  }
0x7f: {  	v0 =	vsel vm15, v63, v56;
	[tilespmem:$0x8D0] =	vst v1  }
0x80: {  	[tilespmem:$0x8C0] =	vst v0  }
0x81: {  	[tilespmem:s12], [sflag:$0x1] =	stream.indirect.gather [hbm4b:s9+s5], $0x80, s19, s5, $0xb8;
	[tilespmem:$0x8E00] =	vst v63  }
0x82: {  	_ = 	snop  }
0x83: {  	[tilespmem:s22], [sflag:$0x1] =	stream.indirect.gather [hbm4b:s9+s5], $0x80, s21, s5, $0xb8;
	[tilespmem:$0x8E00] =	vst v63  }
0x84: {  	_ = 	snop  }
0x85: {  	[tilespmem:s17], [sflag:$0x2] =	stream.indirect.gather [hbm4b:s10+s5], $0x1, s2, s5, $0xb8;
	[tilespmem:$0x8E00] =	vst v63  }
0x86: {  	_ = 	snop  }
0x87: {  	[tilespmem:s15], [sflag:$0x2] =	stream.indirect.gather [hbm4b:s11+s5], $0x1, s4, s5, $0xb8;
	[tilespmem:$0x8E00] =	vst v63  }
0x88: {  	_ = 	snop  }
0x89: {  	[tilespmem:s24], [sflag:$0x2] =	stream.indirect.gather [hbm4b:s10+s5], $0x1, s5, s5, $0xb8;
	[tilespmem:$0x8E00] =	vst v63  }
0x8a: {  	_ = 	snop  }
0x8b: {  	[tilespmem:s25], [sflag:$0x2] =	stream.indirect.gather [hbm4b:s11+s5], $0x1, s6, s5, $0xb8;
	[tilespmem:$0x8E00] =	vst v63  }
0x8c: {  	_ =	swait.ge [sflag:s26], $0x4000  }
0x8d: {  	[sflag:s26] =	ssyncset.done $0x0  }
0x8e: {  	[sflag:s26] =	ssyncadd.s32 $0xFFFFC000  }
0x8f: {  	_ =	swait.ge [sflag:s26], $0x4000  }
0x90: {  	[sflag:s26] =	ssyncset.done $0x0  }
0x91: {  	[sflag:s26] =	ssyncadd.s32 $0xFFFFC000  }
0x92: {  	_ =	swait.ge [sflag:s23], $0x80  }
0x93: {  	[sflag:s23] =	ssyncset.done $0x0  }
0x94: {  	[sflag:s23] =	ssyncadd.s32 $0xFFFFFF80  }
0x95: {  	_ =	swait.ge [sflag:s23], $0x80  }
0x96: {  	[sflag:s23] =	ssyncset.done $0x0  }
0x97: {  	[sflag:s23] =	ssyncadd.s32 $0xFFFFFF80  }
0x98: {  	_ =	swait.ge [sflag:s23], $0x80  }
0x99: {  	[sflag:s23] =	ssyncset.done $0x0  }
0x9a: {  	[sflag:s23] =	ssyncadd.s32 $0xFFFFFF80  }
0x9b: {  	_ =	swait.ge [sflag:s23], $0x80  }
0x9c: {  	[sflag:s23] =	ssyncset.done $0x0  }
0x9d: {  	[sflag:s23] =	ssyncadd.s32 $0xFFFFFF80  }
0x9e: {  	[hbm4b:s8+s2] =	stream.linear.scatter [tilespmem:s12], [sflag:$0x3], $0x8000, $0x38;
	[tilespmem:$0x8E00] =	vst v63  }
0x9f: {  	_ =	swait.ge [sflag:s3], $0x8000  }
0xa0: {  	[sflag:s3] =	ssyncset.done $0x0  }
0xa1: {  	[sflag:s3] =	ssyncadd.s32 $0xFFFF8000  }
0xa2: {  	[hbm4b:s13+s2] =	stream.linear.scatter [tilespmem:s17], [sflag:$0x3], $0x100, $0x38;
	[tilespmem:$0x8E00] =	vst v63  }
0xa3: {  	_ =	swait.ge [sflag:s3], $0x100  }
0xa4: {  	[sflag:s3] =	ssyncset.done $0x0  }
0xa5: {  	[sflag:s3] =	ssyncadd.s32 $0xFFFFFF00  }
0xa6: {  	[hbm4b:s7+s2] =	stream.linear.scatter [tilespmem:s15], [sflag:$0x3], $0x100, $0x38;
	[tilespmem:$0x8E00] =	vst v63  }
0xa7: {  	_ =	swait.ge [sflag:s3], $0x100  }
0xa8: {  	[sflag:s3] =	ssyncset.done $0x0  }
0xa9: {  	[sflag:s3] =	ssyncadd.s32 $0xFFFFFF00  }
0xaa: {  	_ =	sfence.sel $0x180000  }
0xab: {  	[bflag:$0x0] =	sbarrier.arrive $0xFFFF  }
0xac: {  	p0 =	sne.s32 s0, $0x0;
	_ =	strace $0x9000004D  }
0xad: {  	s0 =	sadd.s32 @!p0 $0x100000, s1;
	[bflag:$0x2] =	sbarrier.arrive $0xFFFF  }
0xae: {  	[sflag:s0] =	ssyncadd.tile.s32 @!p0 $0x1;
	_ =	shalt  }
.Lfunc_end2:
_tile_overlayer_lowered:
.L_overlay_start_2:
0xaf: {  	(tag) =	ssettag $0x2  }
0xb0: {  	s0 =	rddreg [dreg:$0x0];
	s2 =	stileid.u32  }
0xb1: {  	s1 =	rddreg [dreg:$0x1];
	p0 =	sne.s32 s2, $0x0  }
0xb2: {  	s3 =	rddreg [dreg:$0x2];
	[bflag:$0x3] =	sbarrier.arrive $0xFFFF;
	s2 =	simm.s32 @!p0 $0x1C03  }
0xb3: {  	[timem:s3], [sflag:s2] =	dma.local @!p0 [hbm:s0], s1  }
0xb4: {  	s0 =	simm.s32 @!p0 $0x3  }
0xb5: {  	_ =	swait.ge @!p0 [sflag:s0], s1  }
0xb6: {  	s1 =	ssub.s32 @!p0 $0x0, s1;
	[sflag:s0] =	ssyncset.done @!p0 $0x0  }
0xb7: {  	[sflag:s0] =	ssyncadd.s32 @!p0 s1  }
0xb8: {  	[bflag:$0x3] =	sbarrier.arrive $0xFFFF  }
0xb9: {  	_ =	shalt  }

// kernel: kernel.14.cloned.1.call-start
scs
__scs_entry_jumppad:
0x0: {  	(pc) =	sbr.rel $0x88, $3  }
0x1: {  	(tag) =	ssettag $0x0;
	lr =	simm.s32 $0x1  }
0x2: {  	[smem:$0x3F99] =	sst lr;
	_ =	strace $0xD0000000  }
0x3: {  	_ = 	snop  }
0x4: {  	_ = 	snop  }
0x5: {  	_ = 	snop  }
0x6: {  	_ = 	snop  }
0x7: {  	_ = 	snop  }
__scs_overlays_trampoline_lowered:
0x8: {  	[smem:$0x3FA8] =	sst s0  }
0x9: {  	[smem:$0x3FA9] =	sst s1  }
0xa: {  	[smem:$0x3FAA] =	sst s2  }
0xb: {  	[smem:$0x3FAB] =	sst s3  }
0xc: {  	[smem:$0x3FAC] =	sst s4  }
0xd: {  	[smem:$0x3FAD] =	sst s5  }
0xe: {  	[smem:$0x3FAE] =	sst s6  }
0xf: {  	[smem:$0x3FAF] =	sst s7  }
0x10: {  	[smem:$0x3FB0] =	sst s8  }
0x11: {  	[smem:$0x3FB1] =	sst s9;
	s0 =	simm.s32 @!p0 $0x0  }
0x12: {  	s1 =	sld [smem:$0x3F97];
	s0 =	simm.s32 @p0 $0x1  }
0x13: {  	[smem:$0x3FB2] =	sst s0;
	s0 =	simm.s32 @!p1 $0x0  }
0x14: {  	s2 =	sld [smem:$0x3F96];
	s0 =	simm.s32 @p1 $0x1  }
0x15: {  	[smem:$0x3FB3] =	sst s0;
	s0 =	simm.s32 @!p2 $0x0  }
0x16: {  	s3 =	sld [smem:$0x3FDB];
	s0 =	simm.s32 @p2 $0x1  }
0x17: {  	s4 =	simm.s32 $0x1BF5;
	[smem:$0x3FB5] =	sst s0  }
0x18: {  	s0 =	sld [smem:$0x3F98];
	_ =	swait.ge [sflag:s4], $0x0  }
0x19: {  	s7 =	sld [smem:$0x3F99]  }
0x1a: {  	s8 =	sadd.s32 $0xFFFFE003, lr  }
0x1b: {  	s9 =	sadd.s32 $0xFFFFFEF7, lr;
	s5 =	simm.s32 $0xFFFFFFFF;
	p2 =	slt.u32 s8, $0xFFFFF086  }
0x1c: {  	p1 =	slt.u32 s9, $0xF7A;
	s5 =	simm.s32 @!p2 $0x0  }
0x1d: {  	s5 =	simm.s32 @p1 $0x1;
	p0 =	seq.s32 s7, s2  }
0x1e: {  	s7 =	smul.u32 @!p0 $0xF7A, s2;
	p2 =	seq.s32 @!p0 s5, $0x0  }
0x1f: {  	s9 =	smul.u32 $0xF7A, s1;
	s8 =	simm.s32 @!p0 $0x1BF5;
	p2 =	por !p2, p0  }
0x20: {  	[sflag:s8] =	ssyncset.s32 @!p0 $0xFFFFF086;
	s6 =	sadd.s32 @!p0 s3, s7;
	s7 =	simm.s32 @!p0 $0x108  }
0x21: {  	s3 =	sadd.s32 s3, s9;
	s6 =	sadd.s32 @!p0 $0x88, s6;
	s7 =	simm.s32 @p2 $0x1082  }
0x22: {  	[simem:s7], [sflag:s8] =	dma.local @!p0 [hbm:s6], $0xF7A  }
0x23: {  	s9 =	sor.u32 $0xD0000000, s2;
	s6 =	simm.s32 $0x108;
	_ =	swait.ge @!p0 [sflag:s8], $0x0  }
0x24: {  	s3 =	sadd.s32 $0x88, s3;
	s6 =	simm.s32 @!p1 $0x1082;
	[sflag:s4] =	ssyncset.s32 $0xFFFFF086  }
0x25: {  	[simem:s6], [sflag:s4] =	dma.local [hbm:s3], $0xF7A  }
0x26: {  	[smem:$0x3F99] =	sst s1;
	(tag) =	ssettag s2;
	_ =	strace s9  }
0x27: {  	s1 =	sld [smem:$0x3FA9]  }
0x28: {  	s2 =	sld [smem:$0x3FAA]  }
0x29: {  	s4 =	sld [smem:$0x3FAC]  }
0x2a: {  	p0 =	seq.s32 s5, $0x0;
	s5 =	sld [smem:$0x3FAD]  }
0x2b: {  	s6 =	sld [smem:$0x3FAE]  }
0x2c: {  	s7 =	sld [smem:$0x3FAF]  }
0x2d: {  	s3 =	simm.s32 $0x108;
	s8 =	sld [smem:$0x3FB0]  }
0x2e: {  	s3 =	simm.s32 @!p0 $0x1082;
	s9 =	sld [smem:$0x3FB1]  }
0x2f: {  	lr =	sadd.s32 s0, s3;
	s0 =	sld [smem:$0x3FA8]  }
0x30: {  	s3 =	sld [smem:$0x3FAB]  }
0x31: {  	[smem:$0x3FB4] =	sst s10  }
0x32: {  	s10 =	sld [smem:$0x3FB2];
	_ =	sdelay $0x3  }
0x33: {  	p0 =	seq.s32 s10, $0x1;
	s10 =	sld [smem:$0x3FB4];
	_ =	sdelay $0x3  }
0x34: {  	[smem:$0x3FB4] =	sst s10  }
0x35: {  	s10 =	sld [smem:$0x3FB3];
	_ =	sdelay $0x3  }
0x36: {  	p1 =	seq.s32 s10, $0x1;
	s10 =	sld [smem:$0x3FB4];
	_ =	sdelay $0x3  }
0x37: {  	[smem:$0x3FB4] =	sst s10  }
0x38: {  	s10 =	sld [smem:$0x3FB5]  }
0x39: {  	_ = 	snop;
	(pc) =	sbr.ind lr, $3  }
0x3a: {  	_ = 	snop  }
0x3b: {  	_ = 	snop  }
0x3c: {  	p2 =	seq.s32 s10, $0x1;
	s10 =	sld [smem:$0x3FB4]  }
0x3d: {  	_ =	shalt  }
0x3e: {  	_ =	shalt  }
0x3f: {  	_ =	shalt  }
0x40: {  	_ =	shalt  }
0x41: {  	_ =	shalt  }
0x42: {  	_ =	shalt  }
0x43: {  	_ =	shalt  }
0x44: {  	_ =	shalt  }
0x45: {  	_ =	shalt  }
0x46: {  	_ =	shalt  }
0x47: {  	_ =	shalt  }
0x48: {  	_ =	shalt  }
0x49: {  	_ =	shalt  }
0x4a: {  	_ =	shalt  }
0x4b: {  	_ =	shalt  }
0x4c: {  	_ =	shalt  }
0x4d: {  	_ =	shalt  }
0x4e: {  	_ =	shalt  }
0x4f: {  	_ =	shalt  }
0x50: {  	_ =	shalt  }
0x51: {  	_ =	shalt  }
0x52: {  	_ =	shalt  }
0x53: {  	_ =	shalt  }
0x54: {  	_ =	shalt  }
0x55: {  	_ =	shalt  }
0x56: {  	_ =	shalt  }
0x57: {  	_ =	shalt  }
0x58: {  	_ =	shalt  }
0x59: {  	_ =	shalt  }
0x5a: {  	_ =	shalt  }
0x5b: {  	_ =	shalt  }
0x5c: {  	_ =	shalt  }
0x5d: {  	_ =	shalt  }
0x5e: {  	_ =	shalt  }
0x5f: {  	_ =	shalt  }
0x60: {  	_ =	shalt  }
0x61: {  	_ =	shalt  }
0x62: {  	_ =	shalt  }
0x63: {  	_ =	shalt  }
0x64: {  	_ =	shalt  }
0x65: {  	_ =	shalt  }
0x66: {  	_ =	shalt  }
0x67: {  	_ =	shalt  }
0x68: {  	_ =	shalt  }
0x69: {  	_ =	shalt  }
0x6a: {  	_ =	shalt  }
0x6b: {  	_ =	shalt  }
0x6c: {  	_ =	shalt  }
0x6d: {  	_ =	shalt  }
0x6e: {  	_ =	shalt  }
0x6f: {  	_ =	shalt  }
0x70: {  	_ =	shalt  }
0x71: {  	_ =	shalt  }
0x72: {  	_ =	shalt  }
0x73: {  	_ =	shalt  }
0x74: {  	_ =	shalt  }
0x75: {  	_ =	shalt  }
0x76: {  	_ =	shalt  }
0x77: {  	_ =	shalt  }
0x78: {  	_ =	shalt  }
0x79: {  	_ =	shalt  }
0x7a: {  	_ =	shalt  }
0x7b: {  	_ =	shalt  }
0x7c: {  	_ =	shalt  }
0x7d: {  	_ =	shalt  }
0x7e: {  	_ =	shalt  }
0x7f: {  	_ =	shalt  }
0x80: {  	_ =	shalt  }
0x81: {  	_ =	shalt  }
0x82: {  	_ =	shalt  }
0x83: {  	_ =	shalt  }
0x84: {  	_ =	shalt  }
0x85: {  	_ =	shalt  }
0x86: {  	_ =	shalt  }
0x87: {  	_ =	shalt  }
.Lfunc_end0:
.L_simem_size_0:
called_computation.2_lowered:
.L_overlay_start_0:
0x88: {  	s2 =	sld [smem:$0x3FD9]  }
0x89: {  	s3 =	sld [smem:$0x3FFE];
	_ =	sdelay $0x1  }
0x8a: {  	s1 =	srdreg.scid  }
0x8b: {  	s0 =	sand.u32 $0x1, s1  }
0x8c: {  	s17 =	sshll.u32 s0, $0xA;
	s2 =	sadd.s32 s3, s2  }
0x8d: {  	s2 =	sadd.s32 s2, s17  }
0x8e: {  	[smem:$0x3FC0] =	sst s2  }
0x8f: {  	_ = 	snop  }
0x90: {  	s18 =	sld [smem:$0x3FC9]  }
0x91: {  	s4 =	sld [smem:$0x3FC8];
	(tm) =	ssettm $0x1  }
0x92: {  	s19 =	sld [smem:$0x3FFB];
	_ =	sdelay $0x3  }
0x93: {  	_ =	strace s19  }
0x94: {  	s2 =	sld [smem:$0x3FFC];
	_ =	sdelay $0x3  }
0x95: {  	_ =	strace s2  }
0x96: {  	s2 =	sld [smem:$0x3FFD];
	_ =	sdelay $0x3  }
0x97: {  	_ =	strace s2  }
0x98: {  	_ =	strace $0x8FFFFFFF  }
0x99: {  	s20 =	sld [smem:$0x3FDB];
	_ =	sdelay $0x1  }
0x9a: {  	s5 =	simm.s32 $_scs_section_size  }
0x9b: {  	s6 =	simm.s32 $_size__tile_overlayer_lowered;
	s7 =	simm.s32 $_tile_overlayer_lowered  }
0x9c: {  	s8 =	simm.s32 $0x1BFF;
	s21 =	sshll.u32 s7, $0x1;
	s5 =	sadd.s32 s5, s20  }
0x9d: {  	s22 =	simm.s32 $0x0;
	s6 =	sshll.u32 s6, $0x1;
	s7 =	sadd.s32 s21, s5  }
0x9e: {  	[timem:s22], [sflag:s8] =	dma.local [hbm:s7], s6  }
0x9f: {  	_ =	swait.ge [sflag:s8], s6  }
0xa0: {  	s6 =	ssub.s32 $0x0, s6;
	[sflag:s8] =	ssyncset.done $0x0  }
0xa1: {  	[sflag:s8] =	ssyncadd.s32 s6;
	_ =	sdelay $0x1  }
0xa2: {  	s23 =	simm.s32 $0x1B8B  }
0xa3: {  	_ =	swait.ge [sflag:s23], $0x1  }
0xa4: {  	[sflag:s23] =	ssyncset.done $0x0  }
0xa5: {  	[sflag:s23] =	ssyncadd.s32 $0xFFFFFFFF  }
0xa6: {  	s6 =	sld [smem:$0x0]  }
0xa7: {  	s7 =	sand.u32 $0xFFFFFFFE, s1  }
0xa8: {  	p0 =	sne.s32 s1, s7  }
0xa9: {  	s7 =	sshll.u32 @p0 s7, $0xE  }
0xaa: {  	s7 =	sadd.s32 @p0 $0x11B8D, s7;
	s8 =	sshll.u32 @p0 s6, $0x11  }
0xab: {  	s7 =	sor.u32 @p0 s8, s7  }
0xac: {  	[sflag:s7] =	ssyncadd.remote.s32 @p0 $0x1;
	_ =	sdelay $0x1  }
0xad: {  	s7 =	simm.s32 @p0 $0x1B8D  }
0xae: {  	_ =	swait.eq @p0 [sflag:s7], $0x1  }
0xaf: {  	[sflag:s7] =	ssyncadd.s32 @p0 $0xFFFFFFFF  }
0xb0: {  	s8 =	sshll.u32 @!p0 s1, $0xE  }
0xb1: {  	s8 =	sor.u32 @!p0 $0x4000, s8;
	s7 =	simm.s32 @!p0 $0x1B8D  }
0xb2: {  	s6 =	sshll.u32 @!p0 s6, $0x11;
	s8 =	sadd.s32 @!p0 $0x11B8D, s8;
	_ =	swait.eq @!p0 [sflag:s7], $0x1  }
0xb3: {  	s6 =	sor.u32 @!p0 s6, s8;
	[sflag:s7] =	ssyncadd.s32 @!p0 $0xFFFFFFFF  }
0xb4: {  	s25 =	simm.s32 $0x1B8E;
	s24 =	sld [smem:$0x3FFE];
	[sflag:s6] =	ssyncadd.remote.s32 @!p0 $0x1  }
0xb5: {  	s26 =	simm.s32 $execute0_lowered;
	[smem:$0x3FD2] =	sst s25  }
0xb6: {  	s7 =	sshll.u32 s26, $0x1;
	_ =	strace $0x80000049;
	[dreg:$0x1] =	wrdreg $0xFFFFFFFF  }
0xb7: {  	s28 =	simm.s32 $_size_execute0_lowered;
	s5 =	sadd.s32 s5, s7;
	[dreg:$0x0] =	wrdreg $0x0  }
0xb8: {  	s7 =	sshll.u32 s28, $0x1;
	[dreg:$0x2] =	wrdreg s5  }
0xb9: {  	[dreg:$0x3] =	wrdreg s7  }
0xba: {  	[dreg:$0x4] =	wrdreg $0xC0  }
0xbb: {  	_ =	task [dreg:s22], $0x5FFFF  }
0xbc: {  	[dreg:$0x1] =	wrdreg $0xFFFFFFFF  }
0xbd: {  	[dreg:$0x0] =	wrdreg $0x60  }
0xbe: {  	[dreg:$0x2] =	wrdreg s18  }
0xbf: {  	[dreg:$0x3] =	wrdreg s4  }
0xc0: {  	[dreg:$0x4] =	wrdreg s24  }
0xc1: {  	[dreg:$0x5] =	wrdreg $0xB  }
0xc2: {  	_ =	task.clear_ibuf [dreg:s22], $0x6FFFF;
	_ =	strace $0x90000049  }
0xc3: {  	s29 =	simm.s32 $0xB;
	_ =	strace $0x8000004B  }
0xc4: {  	_ =	swait.ge [sflag:s29], $0x1  }
0xc5: {  	[sflag:s29] =	ssyncadd.s32 $0xFFFFFFFF  }
0xc6: {  	_ =	strace $0x9000004B  }
0xc7: {  	_ =	sfence  }
0xc8: {  	s30 =	sld [smem:$0x0];
	_ =	sdelay $0x2  }
0xc9: {  	s31 =	sshll.u32 s1, $0xD;
	s1 =	sshrl.u32 s1, $0x2  }
0xca: {  	s4 =	sand.u32 $0x4000, s31;
	s1 =	sadd.s32 s1, s30  }
0xcb: {  	s0 =	sor.u32 s4, s0;
	s1 =	sshll.u32 s1, $0x11  }
0xcc: {  	s0 =	sor.u32 s1, s0  }
0xcd: {  	s0 =	sadd.s32 $0x8F2B, s0  }
0xce: {  	[sflag:s0] =	ssyncadd.remote.s32 $0x1  }
0xcf: {  	_ =	sfence.sel $0xFFFF  }
0xd0: {  	[dreg:$0x0] =	wrdreg $0xFFFFFFFF;
	(pc) =	sbr.abs _section_cstart, $3  }
0xd1: {  	[dreg:$0x1] =	wrdreg $0xFFFFFFFF  }
0xd2: {  	_ =	task.clear_ibuf [dreg:s22], $0x2FFFF;
	_ =	strace $0x9FFFFFFF  }
0xd3: {  	(tm) =	ssettm $0x7FFFFFFF  }
tec
execute0_lowered:
.L_overlay_start_1:
0x0: {  	(tag) =	ssettag $0x1  }
0x1: {  	s1 =	srdreg.scid  }
0x2: {  	s0 =	stileid.u32;
	s9 =	sand.u32 $0x1, s1  }
0x3: {  	s5 =	rddreg [dreg:$0x0];
	s30 =	sshll.u32 s0, $0x9;
	s2 =	sshll.u32 s9, $0x8  }
0x4: {  	s6 =	rddreg [dreg:$0x1];
	s10 =	sor.u32 s2, s30  }
0x5: {  	s7 =	rddreg [dreg:$0x2];
	s2 =	simm.s32 $0x0;
	s12 =	sshrl.u32 s10, $0x3  }
0x6: {  	s3 =	simm.s32 $0x3;
	[smem:$0x7FF] =	sst s2;
	s4 =	sor.u32 $0x400, s12  }
0x7: {  	s1 =	rddreg [dreg:$0x3];
	_ =	strace $0x8000004A;
	s14 =	sadd.s32 s5, s4  }
0x8: {  	[tilespmem:s2], [sflag:$0x3] =	stream.linear.gather [hbm4b:s14+s2], $0x80, $0x38;
	[tilespmem:$0x8E00] =	vst v63  }
0x9: {  	_ =	swait.ge [sflag:s3], $0x80  }
0xa: {  	[sflag:s3] =	ssyncset.done $0x0  }
0xb: {  	s16 =	sadd.s32 s6, s4;
	s4 =	simm.s32 $0x400;
	[sflag:s3] =	ssyncadd.s32 $0xFFFFFF80  }
0xc: {  	[tilespmem:s4], [sflag:$0x3] =	stream.linear.gather [hbm4b:s16+s2], $0x80, $0x38;
	[tilespmem:$0x8E00] =	vst v63  }
0xd: {  	_ =	swait.ge [sflag:s3], $0x80  }
0xe: {  	s8 =	sor.u32 $0x410, s12;
	[sflag:s3] =	ssyncset.done $0x0  }
0xf: {  	s18 =	sadd.s32 s5, s8;
	s5 =	simm.s32 $0x80;
	[sflag:s3] =	ssyncadd.s32 $0xFFFFFF80  }
0x10: {  	[tilespmem:s5], [sflag:$0x3] =	stream.linear.gather [hbm4b:s18+s2], $0x80, $0x38;
	[tilespmem:$0x8E00] =	vst v63  }
0x11: {  	_ =	swait.ge [sflag:s3], $0x80  }
0x12: {  	[sflag:s3] =	ssyncset.done $0x0  }
0x13: {  	s20 =	sadd.s32 s6, s8;
	s8 =	simm.s32 $0x480;
	[sflag:s3] =	ssyncadd.s32 $0xFFFFFF80  }
0x14: {  	[tilespmem:s8], [sflag:$0x3] =	stream.linear.gather [hbm4b:s20+s2], $0x80, $0x38;
	[tilespmem:$0x8E00] =	vst v63  }
0x15: {  	_ =	swait.ge [sflag:s3], $0x80  }
0x16: {  	[sflag:s3] =	ssyncset.done $0x0  }
0x17: {  	[sflag:s3] =	ssyncadd.s32 $0xFFFFFF80  }
0x18: {  	v1 =	vld [tilespmem:$0x440]  }
0x19: {  	v3 =	vld [tilespmem:$0x4E0]  }
0x1a: {  	v2 =	vld [tilespmem:$0x430]  }
0x1b: {  	v4 =	vld [tilespmem:$0x420]  }
0x1c: {  	s15 =	ssub.s32 $0x2, s9;
	v5 =	vld [tilespmem:$0x410]  }
0x1d: {  	s19 =	simm.s32 $0x800;
	s21 =	simm.s32 $0x880;
	s17 =	sshrl.u32 s15, $0x1;
	v0 =	vld [tilespmem:$0x490]  }
0x1e: {  	s22 =	simm.s32 $0x4C00;
	s24 =	simm.s32 $0x8C80;
	s15 =	ssub.s32 s15, s17;
	v7 =	vld [tilespmem:$0x450];
	vm0 =	vgt.s32 v1, $0xC7FF;
	v6 =	vadd.s32 $0xFFFF3800, v1;
	vm1 =	vgt.s32 v3, $0xC7FF  }
0x1f: {  	s25 =	simm.s32 $0x8D80;
	s11 =	sadd.s32 $0x82200, s7;
	s23 =	smax.u32 s15, $0x1;
	vm2 =	vgt.s32 v2, $0xC7FF;
	v8 =	vadd.s32 $0xFFFF3800, v2;
	v1 =	vsel vm0, v6, v1;
	v6 =	vld [tilespmem:$0x480]  }
0x20: {  	s13 =	sadd.s32 $0x85400, s7;
	s31 =	sshll.u32 s10, $0x4;
	p0 =	sne.s32 s23, $0x1;
	v9 =	vadd.s32 $0xFFFF3800, v4;
	v2 =	vsel vm2, v8, v2;
	v8 =	vadd.s32 $0xFFFF3800, v3;
	[tilespmem:$0x840] =	vst v1;
	v1 =	vld [tilespmem:$0x470]  }
.Ltmp0:
0x21: {  	s10 =	sadd.s32 $0x88600, s7;
	s12 =	sadd.s32 s12, s7;
	v10 =	vadd.s32 $0xFFFF3800, v5;
	vm2 =	vgt.s32 v4, $0xC7FF;
	[tilespmem:$0x830] =	vst v2;
	v2 =	vld [tilespmem:$0x460];
	v8 =	vsel vm1, v8, v3;
	(pc) =	sbr.rel @!p0 .LBB2_2-.Ltmp0, $4  }
0x22: {  	s17 =	simm.s32 $0x8C00;
	s6 =	sadd.s32 s31, s7;
	s7 =	sadd.s32 $0x170600, s12;
	vm0 =	vgt.s32 v0, $0xC7FF;
	v3 =	vld [tilespmem:$0x400];
	vm1 =	vgt.s32 v5, $0xC7FF;
	v4 =	vsel vm2, v9, v4;
	[tilespmem:$0x8E0] =	vst v8  }
0x23: {  	s9 =	sadd.s32 $0x170A00, s12;
	v5 =	vsel vm1, v10, v5;
	[tilespmem:$0x820] =	vst v4;
	vm1 =	vgt.s32 v7, $0xC7FF;
	v8 =	vadd.s32 $0xFFFF3800, v7;
	v4 =	vld [tilespmem:$0x4F0]  }
0x24: {  	s26 =	simm.s32 $0x1;
	s15 =	simm.s32 $0x8D00;
	s12 =	simm.s32 $0xC00;
	[tilespmem:$0x810] =	vst v5;
	v7 =	vsel vm1, v8, v7;
	v5 =	vld [tilespmem:$0x4B0];
	vm2 =	vgt.s32 v6, $0xC7FF;
	v8 =	vadd.s32 $0xFFFF3800, v6  }
0x25: {  	s28 =	sadd.s32 $0xFFFFFFFF, s23;
	s23 =	simm.s32 $0x2;
	s6 =	sadd.s32 $0x150600, s6;
	[tilespmem:$0x850] =	vst v7;
	vm1 =	vgt.s32 v1, $0xC7FF;
	v7 =	vadd.s32 $0xFFFF3800, v1;
	v8 =	vsel vm2, v8, v6;
	v6 =	vld [tilespmem:$0x4A0]  }
.LBB2_1:
0x26: {  	p0 =	sne.s32 s28, $0x1;
	s28 =	sadd.s32 $0xFFFFFFFF, s28;
	vm2 =	vgt.s32 v2, $0xC7FF;
	v9 =	vadd.s32 $0xFFFF3800, v2;
	v1 =	vsel vm1, v7, v1;
	[tilespmem:$0x880] =	vst v8  }
0x27: {  	vm1 =	vgt.s32 v3, $0xC7FF;
	v7 =	vadd.s32 $0xFFFF3800, v3;
	v2 =	vsel vm2, v9, v2;
	[tilespmem:$0x870] =	vst v1;
	v1 =	vld [tilespmem:$0x4D0]  }
0x28: {  	v3 =	vsel vm1, v7, v3;
	[tilespmem:$0x860] =	vst v2;
	v2 =	vld [tilespmem:$0x4C0];
	vm1 =	vgt.s32 v4, $0xC7FF;
	v7 =	vadd.s32 $0xFFFF3800, v4  }
0x29: {  	[tilespmem:$0x800] =	vst v3;
	vm2 =	vgt.s32 v5, $0xC7FF;
	v3 =	vadd.s32 $0xFFFF3800, v5;
	v4 =	vsel vm1, v7, v4  }
0x2a: {  	vm1 =	vgt.s32 v6, $0xC7FF;
	v7 =	vadd.s32 $0xFFFF3800, v6;
	v3 =	vsel vm2, v3, v5;
	[tilespmem:$0x8F0] =	vst v4  }
0x2b: {  	v4 =	vadd.s32 $0xFFFF3800, v0;
	v5 =	vsel vm1, v7, v6;
	[tilespmem:$0x8B0] =	vst v3  }
0x2c: {  	v0 =	vsel vm0, v4, v0;
	[tilespmem:$0x8A0] =	vst v5;
	vm0 =	vgt.s32 v1, $0xC7FF;
	v3 =	vadd.s32 $0xFFFF3800, v1  }
0x2d: {  	[tilespmem:$0x890] =	vst v0;
	vm1 =	vgt.s32 v2, $0xC7FF;
	v0 =	vadd.s32 $0xFFFF3800, v2;
	v1 =	vsel vm0, v3, v1  }
0x2e: {  	v0 =	vsel vm1, v0, v2;
	[tilespmem:$0x8D0] =	vst v1  }
0x2f: {  	[tilespmem:$0x8C0] =	vst v0  }
0x30: {  	[tilespmem:s12], [sflag:$0x1] =	stream.indirect.gather [hbm4b:s10+s5], $0x80, s19, s5, $0xb8;
	[tilespmem:$0x8E00] =	vst v63  }
0x31: {  	_ = 	snop  }
0x32: {  	[tilespmem:s22], [sflag:$0x1] =	stream.indirect.gather [hbm4b:s10+s5], $0x80, s21, s5, $0xb8;
	[tilespmem:$0x8E00] =	vst v63  }
0x33: {  	_ = 	snop  }
0x34: {  	[tilespmem:s17], [sflag:$0x2] =	stream.indirect.gather [hbm4b:s11+s5], $0x1, s2, s5, $0xb8;
	[tilespmem:$0x8E00] =	vst v63  }
0x35: {  	_ = 	snop  }
0x36: {  	[tilespmem:s15], [sflag:$0x2] =	stream.indirect.gather [hbm4b:s13+s5], $0x1, s4, s5, $0xb8;
	[tilespmem:$0x8E00] =	vst v63  }
0x37: {  	_ = 	snop  }
0x38: {  	[tilespmem:s24], [sflag:$0x2] =	stream.indirect.gather [hbm4b:s11+s5], $0x1, s5, s5, $0xb8;
	[tilespmem:$0x8E00] =	vst v63  }
0x39: {  	_ = 	snop  }
0x3a: {  	[tilespmem:s25], [sflag:$0x2] =	stream.indirect.gather [hbm4b:s13+s5], $0x1, s8, s5, $0xb8;
	[tilespmem:$0x8E00] =	vst v63  }
0x3b: {  	_ =	swait.ge [sflag:s26], $0x4000  }
0x3c: {  	[sflag:s26] =	ssyncset.done $0x0  }
0x3d: {  	[sflag:s26] =	ssyncadd.s32 $0xFFFFC000  }
0x3e: {  	_ =	swait.ge [sflag:s26], $0x4000  }
0x3f: {  	[sflag:s26] =	ssyncset.done $0x0  }
0x40: {  	[sflag:s26] =	ssyncadd.s32 $0xFFFFC000  }
0x41: {  	_ =	swait.ge [sflag:s23], $0x80  }
0x42: {  	[sflag:s23] =	ssyncset.done $0x0  }
0x43: {  	[sflag:s23] =	ssyncadd.s32 $0xFFFFFF80  }
0x44: {  	_ =	swait.ge [sflag:s23], $0x80  }
0x45: {  	[sflag:s23] =	ssyncset.done $0x0  }
0x46: {  	[sflag:s23] =	ssyncadd.s32 $0xFFFFFF80  }
0x47: {  	_ =	swait.ge [sflag:s23], $0x80  }
0x48: {  	[sflag:s23] =	ssyncset.done $0x0  }
0x49: {  	[sflag:s23] =	ssyncadd.s32 $0xFFFFFF80  }
0x4a: {  	_ =	swait.ge [sflag:s23], $0x80  }
0x4b: {  	[sflag:s23] =	ssyncset.done $0x0  }
0x4c: {  	[sflag:s23] =	ssyncadd.s32 $0xFFFFFF80  }
0x4d: {  	[hbm4b:s6+s2] =	stream.linear.scatter [tilespmem:s12], [sflag:$0x3], $0x8000, $0x38;
	[tilespmem:$0x8E00] =	vst v63  }
0x4e: {  	_ =	swait.ge [sflag:s3], $0x8000  }
0x4f: {  	[sflag:s3] =	ssyncset.done $0x0  }
0x50: {  	[sflag:s3] =	ssyncadd.s32 $0xFFFF8000  }
0x51: {  	[hbm4b:s7+s2] =	stream.linear.scatter [tilespmem:s17], [sflag:$0x3], $0x100, $0x38;
	[tilespmem:$0x8E00] =	vst v63  }
0x52: {  	_ =	swait.ge [sflag:s3], $0x100  }
0x53: {  	[sflag:s3] =	ssyncset.done $0x0  }
0x54: {  	[sflag:s3] =	ssyncadd.s32 $0xFFFFFF00  }
0x55: {  	[hbm4b:s9+s2] =	stream.linear.scatter [tilespmem:s15], [sflag:$0x3], $0x100, $0x38;
	[tilespmem:$0x8E00] =	vst v63  }
0x56: {  	_ =	swait.ge [sflag:s3], $0x100  }
0x57: {  	[sflag:s3] =	ssyncset.done $0x0  }
0x58: {  	[sflag:s3] =	ssyncadd.s32 $0xFFFFFF00  }
0x59: {  	[tilespmem:s2], [sflag:$0x3] =	stream.linear.gather [hbm4b:s14+s2], $0x80, $0x38;
	[tilespmem:$0x8E00] =	vst v63  }
0x5a: {  	_ =	swait.ge [sflag:s3], $0x80  }
0x5b: {  	[sflag:s3] =	ssyncset.done $0x0  }
0x5c: {  	[sflag:s3] =	ssyncadd.s32 $0xFFFFFF80  }
0x5d: {  	[tilespmem:s4], [sflag:$0x3] =	stream.linear.gather [hbm4b:s16+s2], $0x80, $0x38;
	[tilespmem:$0x8E00] =	vst v63  }
0x5e: {  	_ =	swait.ge [sflag:s3], $0x80  }
0x5f: {  	[sflag:s3] =	ssyncset.done $0x0  }
0x60: {  	[sflag:s3] =	ssyncadd.s32 $0xFFFFFF80  }
0x61: {  	[tilespmem:s5], [sflag:$0x3] =	stream.linear.gather [hbm4b:s18+s2], $0x80, $0x38;
	[tilespmem:$0x8E00] =	vst v63  }
0x62: {  	_ =	swait.ge [sflag:s3], $0x80  }
0x63: {  	[sflag:s3] =	ssyncset.done $0x0  }
0x64: {  	[sflag:s3] =	ssyncadd.s32 $0xFFFFFF80  }
0x65: {  	[tilespmem:s8], [sflag:$0x3] =	stream.linear.gather [hbm4b:s20+s2], $0x80, $0x38;
	[tilespmem:$0x8E00] =	vst v63  }
0x66: {  	_ =	swait.ge [sflag:s3], $0x80  }
0x67: {  	[sflag:s3] =	ssyncset.done $0x0  }
0x68: {  	[sflag:s3] =	ssyncadd.s32 $0xFFFFFF80  }
0x69: {  	v1 =	vld [tilespmem:$0x440]  }
0x6a: {  	v3 =	vld [tilespmem:$0x4E0]  }
0x6b: {  	v2 =	vld [tilespmem:$0x430]  }
0x6c: {  	v0 =	vld [tilespmem:$0x490]  }
0x6d: {  	v4 =	vld [tilespmem:$0x420]  }
0x6e: {  	v5 =	vld [tilespmem:$0x410]  }
0x6f: {  	vm0 =	vgt.s32 v1, $0xC7FF;
	v6 =	vadd.s32 $0xFFFF3800, v1;
	v7 =	vld [tilespmem:$0x450];
	vm1 =	vgt.s32 v3, $0xC7FF  }
0x70: {  	v1 =	vsel vm0, v6, v1;
	vm2 =	vgt.s32 v2, $0xC7FF;
	v8 =	vadd.s32 $0xFFFF3800, v2;
	v6 =	vld [tilespmem:$0x480]  }
0x71: {  	v2 =	vsel vm2, v8, v2;
	[tilespmem:$0x840] =	vst v1;
	v1 =	vld [tilespmem:$0x470];
	vm0 =	vgt.s32 v0, $0xC7FF;
	v8 =	vadd.s32 $0xFFFF3800, v3  }
.Ltmp1:
0x72: {  	vm2 =	vgt.s32 v4, $0xC7FF;
	v9 =	vadd.s32 $0xFFFF3800, v4;
	[tilespmem:$0x830] =	vst v2;
	v2 =	vld [tilespmem:$0x460];
	v8 =	vsel vm1, v8, v3;
	(pc) =	sbr.rel @p0 .LBB2_1-.Ltmp1, $4  }
0x73: {  	v3 =	vld [tilespmem:$0x400];
	vm1 =	vgt.s32 v5, $0xC7FF;
	v10 =	vadd.s32 $0xFFFF3800, v5;
	v4 =	vsel vm2, v9, v4;
	[tilespmem:$0x8E0] =	vst v8  }
0x74: {  	v5 =	vsel vm1, v10, v5;
	[tilespmem:$0x820] =	vst v4;
	vm1 =	vgt.s32 v7, $0xC7FF;
	v8 =	vadd.s32 $0xFFFF3800, v7;
	v4 =	vld [tilespmem:$0x4F0]  }
0x75: {  	[tilespmem:$0x810] =	vst v5;
	v7 =	vsel vm1, v8, v7;
	vm2 =	vgt.s32 v6, $0xC7FF;
	v8 =	vadd.s32 $0xFFFF3800, v6;
	v5 =	vld [tilespmem:$0x4B0]  }
0x76: {  	[tilespmem:$0x850] =	vst v7;
	vm1 =	vgt.s32 v1, $0xC7FF;
	v7 =	vadd.s32 $0xFFFF3800, v1;
	v8 =	vsel vm2, v8, v6;
	v6 =	vld [tilespmem:$0x4A0]  }
.LBB2_2:
0x77: {  	vm2 =	vgt.s32 v2, $0xC7FF;
	v9 =	vadd.s32 $0xFFFF3800, v2;
	v1 =	vsel vm1, v7, v1;
	[tilespmem:$0x880] =	vst v8  }
0x78: {  	v55 =	vld [tilespmem:$0x4D0];
	v60 =	vadd.s32 $0xFFFF3800, v0;
	v2 =	vsel vm2, v9, v2;
	[tilespmem:$0x870] =	vst v1  }
0x79: {  	v56 =	vld [tilespmem:$0x4C0];
	vm10 =	vgt.s32 v3, $0xC7FF;
	v54 =	vadd.s32 $0xFFFF3800, v3;
	v0 =	vsel vm0, v60, v0;
	[tilespmem:$0x860] =	vst v2  }
0x7a: {  	v3 =	vsel vm10, v54, v3;
	vm11 =	vgt.s32 v4, $0xC7FF;
	v57 =	vadd.s32 $0xFFFF3800, v4;
	[tilespmem:$0x890] =	vst v0  }
0x7b: {  	[tilespmem:$0x800] =	vst v3;
	vm12 =	vgt.s32 v5, $0xC7FF;
	v58 =	vadd.s32 $0xFFFF3800, v5;
	v4 =	vsel vm11, v57, v4  }
0x7c: {  	vm13 =	vgt.s32 v6, $0xC7FF;
	v59 =	vadd.s32 $0xFFFF3800, v6;
	v3 =	vsel vm12, v58, v5;
	[tilespmem:$0x8F0] =	vst v4  }
0x7d: {  	v61 =	vsel vm13, v59, v6;
	[tilespmem:$0x8B0] =	vst v3;
	vm14 =	vgt.s32 v55, $0xC7FF;
	v62 =	vadd.s32 $0xFFFF3800, v55  }
0x7e: {  	vm15 =	vgt.s32 v56, $0xC7FF;
	v63 =	vadd.s32 $0xFFFF3800, v56;
	[tilespmem:$0x8A0] =	vst v61;
	v1 =	vsel vm14, v62, v55  }
0x7f: {  	v0 =	vsel vm15, v63, v56;
	[tilespmem:$0x8D0] =	vst v1  }
0x80: {  	[tilespmem:$0x8C0] =	vst v0  }
0x81: {  	[tilespmem:s12], [sflag:$0x1] =	stream.indirect.gather [hbm4b:s10+s5], $0x80, s19, s5, $0xb8;
	[tilespmem:$0x8E00] =	vst v63  }
0x82: {  	_ = 	snop  }
0x83: {  	[tilespmem:s22], [sflag:$0x1] =	stream.indirect.gather [hbm4b:s10+s5], $0x80, s21, s5, $0xb8;
	[tilespmem:$0x8E00] =	vst v63  }
0x84: {  	_ = 	snop  }
0x85: {  	[tilespmem:s17], [sflag:$0x2] =	stream.indirect.gather [hbm4b:s11+s5], $0x1, s2, s5, $0xb8;
	[tilespmem:$0x8E00] =	vst v63  }
0x86: {  	_ = 	snop  }
0x87: {  	[tilespmem:s15], [sflag:$0x2] =	stream.indirect.gather [hbm4b:s13+s5], $0x1, s4, s5, $0xb8;
	[tilespmem:$0x8E00] =	vst v63  }
0x88: {  	_ = 	snop  }
0x89: {  	[tilespmem:s24], [sflag:$0x2] =	stream.indirect.gather [hbm4b:s11+s5], $0x1, s5, s5, $0xb8;
	[tilespmem:$0x8E00] =	vst v63  }
0x8a: {  	_ = 	snop  }
0x8b: {  	[tilespmem:s25], [sflag:$0x2] =	stream.indirect.gather [hbm4b:s13+s5], $0x1, s8, s5, $0xb8;
	[tilespmem:$0x8E00] =	vst v63  }
0x8c: {  	_ =	swait.ge [sflag:s26], $0x4000  }
0x8d: {  	[sflag:s26] =	ssyncset.done $0x0  }
0x8e: {  	[sflag:s26] =	ssyncadd.s32 $0xFFFFC000  }
0x8f: {  	_ =	swait.ge [sflag:s26], $0x4000  }
0x90: {  	[sflag:s26] =	ssyncset.done $0x0  }
0x91: {  	[sflag:s26] =	ssyncadd.s32 $0xFFFFC000  }
0x92: {  	_ =	swait.ge [sflag:s23], $0x80  }
0x93: {  	[sflag:s23] =	ssyncset.done $0x0  }
0x94: {  	[sflag:s23] =	ssyncadd.s32 $0xFFFFFF80  }
0x95: {  	_ =	swait.ge [sflag:s23], $0x80  }
0x96: {  	[sflag:s23] =	ssyncset.done $0x0  }
0x97: {  	[sflag:s23] =	ssyncadd.s32 $0xFFFFFF80  }
0x98: {  	_ =	swait.ge [sflag:s23], $0x80  }
0x99: {  	[sflag:s23] =	ssyncset.done $0x0  }
0x9a: {  	[sflag:s23] =	ssyncadd.s32 $0xFFFFFF80  }
0x9b: {  	_ =	swait.ge [sflag:s23], $0x80  }
0x9c: {  	[sflag:s23] =	ssyncset.done $0x0  }
0x9d: {  	[sflag:s23] =	ssyncadd.s32 $0xFFFFFF80  }
0x9e: {  	[hbm4b:s6+s2] =	stream.linear.scatter [tilespmem:s12], [sflag:$0x3], $0x8000, $0x38;
	[tilespmem:$0x8E00] =	vst v63  }
0x9f: {  	_ =	swait.ge [sflag:s3], $0x8000  }
0xa0: {  	[sflag:s3] =	ssyncset.done $0x0  }
0xa1: {  	[sflag:s3] =	ssyncadd.s32 $0xFFFF8000  }
0xa2: {  	[hbm4b:s7+s2] =	stream.linear.scatter [tilespmem:s17], [sflag:$0x3], $0x100, $0x38;
	[tilespmem:$0x8E00] =	vst v63  }
0xa3: {  	_ =	swait.ge [sflag:s3], $0x100  }
0xa4: {  	[sflag:s3] =	ssyncset.done $0x0  }
0xa5: {  	[sflag:s3] =	ssyncadd.s32 $0xFFFFFF00  }
0xa6: {  	[hbm4b:s9+s2] =	stream.linear.scatter [tilespmem:s15], [sflag:$0x3], $0x100, $0x38;
	[tilespmem:$0x8E00] =	vst v63  }
0xa7: {  	_ =	swait.ge [sflag:s3], $0x100  }
0xa8: {  	[sflag:s3] =	ssyncset.done $0x0  }
0xa9: {  	[sflag:s3] =	ssyncadd.s32 $0xFFFFFF00  }
0xaa: {  	_ =	sfence.sel $0x180000  }
0xab: {  	[bflag:$0x0] =	sbarrier.arrive $0xFFFF  }
0xac: {  	p0 =	sne.s32 s0, $0x0;
	_ =	strace $0x9000004A  }
0xad: {  	s0 =	sadd.s32 @!p0 $0x100000, s1;
	[bflag:$0x2] =	sbarrier.arrive $0xFFFF  }
0xae: {  	[sflag:s0] =	ssyncadd.tile.s32 @!p0 $0x1;
	_ =	shalt  }
.Lfunc_end2:
_tile_overlayer_lowered:
.L_overlay_start_2:
0xaf: {  	(tag) =	ssettag $0x2  }
0xb0: {  	s0 =	rddreg [dreg:$0x0];
	s2 =	stileid.u32  }
0xb1: {  	s1 =	rddreg [dreg:$0x1];
	p0 =	sne.s32 s2, $0x0  }
0xb2: {  	s3 =	rddreg [dreg:$0x2];
	[bflag:$0x3] =	sbarrier.arrive $0xFFFF;
	s2 =	simm.s32 @!p0 $0x1C03  }
0xb3: {  	[timem:s3], [sflag:s2] =	dma.local @!p0 [hbm:s0], s1  }
0xb4: {  	s0 =	simm.s32 @!p0 $0x3  }
0xb5: {  	_ =	swait.ge @!p0 [sflag:s0], s1  }
0xb6: {  	s1 =	ssub.s32 @!p0 $0x0, s1;
	[sflag:s0] =	ssyncset.done @!p0 $0x0  }
0xb7: {  	[sflag:s0] =	ssyncadd.s32 @!p0 s1  }
0xb8: {  	[bflag:$0x3] =	sbarrier.arrive $0xFFFF  }
0xb9: {  	_ =	shalt  }

// kernel: kernel.8.cloned.1.call-start
scs
__scs_entry_jumppad:
0x0: {  	(pc) =	sbr.rel $0x88, $3  }
0x1: {  	(tag) =	ssettag $0x0;
	lr =	simm.s32 $0x1  }
0x2: {  	[smem:$0x3F99] =	sst lr;
	_ =	strace $0xD0000000  }
0x3: {  	_ = 	snop  }
0x4: {  	_ = 	snop  }
0x5: {  	_ = 	snop  }
0x6: {  	_ = 	snop  }
0x7: {  	_ = 	snop  }
__scs_overlays_trampoline_lowered:
0x8: {  	[smem:$0x3FA8] =	sst s0  }
0x9: {  	[smem:$0x3FA9] =	sst s1  }
0xa: {  	[smem:$0x3FAA] =	sst s2  }
0xb: {  	[smem:$0x3FAB] =	sst s3  }
0xc: {  	[smem:$0x3FAC] =	sst s4  }
0xd: {  	[smem:$0x3FAD] =	sst s5  }
0xe: {  	[smem:$0x3FAE] =	sst s6  }
0xf: {  	[smem:$0x3FAF] =	sst s7  }
0x10: {  	[smem:$0x3FB0] =	sst s8  }
0x11: {  	[smem:$0x3FB1] =	sst s9;
	s0 =	simm.s32 @!p0 $0x0  }
0x12: {  	s1 =	sld [smem:$0x3F97];
	s0 =	simm.s32 @p0 $0x1  }
0x13: {  	[smem:$0x3FB2] =	sst s0;
	s0 =	simm.s32 @!p1 $0x0  }
0x14: {  	s2 =	sld [smem:$0x3F96];
	s0 =	simm.s32 @p1 $0x1  }
0x15: {  	[smem:$0x3FB3] =	sst s0;
	s0 =	simm.s32 @!p2 $0x0  }
0x16: {  	s3 =	sld [smem:$0x3FDB];
	s0 =	simm.s32 @p2 $0x1  }
0x17: {  	s4 =	simm.s32 $0x1BF5;
	[smem:$0x3FB5] =	sst s0  }
0x18: {  	s0 =	sld [smem:$0x3F98];
	_ =	swait.ge [sflag:s4], $0x0  }
0x19: {  	s7 =	sld [smem:$0x3F99]  }
0x1a: {  	s8 =	sadd.s32 $0xFFFFE003, lr  }
0x1b: {  	s9 =	sadd.s32 $0xFFFFFEF7, lr;
	s5 =	simm.s32 $0xFFFFFFFF;
	p2 =	slt.u32 s8, $0xFFFFF086  }
0x1c: {  	p1 =	slt.u32 s9, $0xF7A;
	s5 =	simm.s32 @!p2 $0x0  }
0x1d: {  	s5 =	simm.s32 @p1 $0x1;
	p0 =	seq.s32 s7, s2  }
0x1e: {  	s7 =	smul.u32 @!p0 $0xF7A, s2;
	p2 =	seq.s32 @!p0 s5, $0x0  }
0x1f: {  	s9 =	smul.u32 $0xF7A, s1;
	s8 =	simm.s32 @!p0 $0x1BF5;
	p2 =	por !p2, p0  }
0x20: {  	[sflag:s8] =	ssyncset.s32 @!p0 $0xFFFFF086;
	s6 =	sadd.s32 @!p0 s3, s7;
	s7 =	simm.s32 @!p0 $0x108  }
0x21: {  	s3 =	sadd.s32 s3, s9;
	s6 =	sadd.s32 @!p0 $0x88, s6;
	s7 =	simm.s32 @p2 $0x1082  }
0x22: {  	[simem:s7], [sflag:s8] =	dma.local @!p0 [hbm:s6], $0xF7A  }
0x23: {  	s9 =	sor.u32 $0xD0000000, s2;
	s6 =	simm.s32 $0x108;
	_ =	swait.ge @!p0 [sflag:s8], $0x0  }
0x24: {  	s3 =	sadd.s32 $0x88, s3;
	s6 =	simm.s32 @!p1 $0x1082;
	[sflag:s4] =	ssyncset.s32 $0xFFFFF086  }
0x25: {  	[simem:s6], [sflag:s4] =	dma.local [hbm:s3], $0xF7A  }
0x26: {  	[smem:$0x3F99] =	sst s1;
	(tag) =	ssettag s2;
	_ =	strace s9  }
0x27: {  	s1 =	sld [smem:$0x3FA9]  }
0x28: {  	s2 =	sld [smem:$0x3FAA]  }
0x29: {  	s4 =	sld [smem:$0x3FAC]  }
0x2a: {  	p0 =	seq.s32 s5, $0x0;
	s5 =	sld [smem:$0x3FAD]  }
0x2b: {  	s6 =	sld [smem:$0x3FAE]  }
0x2c: {  	s7 =	sld [smem:$0x3FAF]  }
0x2d: {  	s3 =	simm.s32 $0x108;
	s8 =	sld [smem:$0x3FB0]  }
0x2e: {  	s3 =	simm.s32 @!p0 $0x1082;
	s9 =	sld [smem:$0x3FB1]  }
0x2f: {  	lr =	sadd.s32 s0, s3;
	s0 =	sld [smem:$0x3FA8]  }
0x30: {  	s3 =	sld [smem:$0x3FAB]  }
0x31: {  	[smem:$0x3FB4] =	sst s10  }
0x32: {  	s10 =	sld [smem:$0x3FB2];
	_ =	sdelay $0x3  }
0x33: {  	p0 =	seq.s32 s10, $0x1;
	s10 =	sld [smem:$0x3FB4];
	_ =	sdelay $0x3  }
0x34: {  	[smem:$0x3FB4] =	sst s10  }
0x35: {  	s10 =	sld [smem:$0x3FB3];
	_ =	sdelay $0x3  }
0x36: {  	p1 =	seq.s32 s10, $0x1;
	s10 =	sld [smem:$0x3FB4];
	_ =	sdelay $0x3  }
0x37: {  	[smem:$0x3FB4] =	sst s10  }
0x38: {  	s10 =	sld [smem:$0x3FB5]  }
0x39: {  	_ = 	snop;
	(pc) =	sbr.ind lr, $3  }
0x3a: {  	_ = 	snop  }
0x3b: {  	_ = 	snop  }
0x3c: {  	p2 =	seq.s32 s10, $0x1;
	s10 =	sld [smem:$0x3FB4]  }
0x3d: {  	_ =	shalt  }
0x3e: {  	_ =	shalt  }
0x3f: {  	_ =	shalt  }
0x40: {  	_ =	shalt  }
0x41: {  	_ =	shalt  }
0x42: {  	_ =	shalt  }
0x43: {  	_ =	shalt  }
0x44: {  	_ =	shalt  }
0x45: {  	_ =	shalt  }
0x46: {  	_ =	shalt  }
0x47: {  	_ =	shalt  }
0x48: {  	_ =	shalt  }
0x49: {  	_ =	shalt  }
0x4a: {  	_ =	shalt  }
0x4b: {  	_ =	shalt  }
0x4c: {  	_ =	shalt  }
0x4d: {  	_ =	shalt  }
0x4e: {  	_ =	shalt  }
0x4f: {  	_ =	shalt  }
0x50: {  	_ =	shalt  }
0x51: {  	_ =	shalt  }
0x52: {  	_ =	shalt  }
0x53: {  	_ =	shalt  }
0x54: {  	_ =	shalt  }
0x55: {  	_ =	shalt  }
0x56: {  	_ =	shalt  }
0x57: {  	_ =	shalt  }
0x58: {  	_ =	shalt  }
0x59: {  	_ =	shalt  }
0x5a: {  	_ =	shalt  }
0x5b: {  	_ =	shalt  }
0x5c: {  	_ =	shalt  }
0x5d: {  	_ =	shalt  }
0x5e: {  	_ =	shalt  }
0x5f: {  	_ =	shalt  }
0x60: {  	_ =	shalt  }
0x61: {  	_ =	shalt  }
0x62: {  	_ =	shalt  }
0x63: {  	_ =	shalt  }
0x64: {  	_ =	shalt  }
0x65: {  	_ =	shalt  }
0x66: {  	_ =	shalt  }
0x67: {  	_ =	shalt  }
0x68: {  	_ =	shalt  }
0x69: {  	_ =	shalt  }
0x6a: {  	_ =	shalt  }
0x6b: {  	_ =	shalt  }
0x6c: {  	_ =	shalt  }
0x6d: {  	_ =	shalt  }
0x6e: {  	_ =	shalt  }
0x6f: {  	_ =	shalt  }
0x70: {  	_ =	shalt  }
0x71: {  	_ =	shalt  }
0x72: {  	_ =	shalt  }
0x73: {  	_ =	shalt  }
0x74: {  	_ =	shalt  }
0x75: {  	_ =	shalt  }
0x76: {  	_ =	shalt  }
0x77: {  	_ =	shalt  }
0x78: {  	_ =	shalt  }
0x79: {  	_ =	shalt  }
0x7a: {  	_ =	shalt  }
0x7b: {  	_ =	shalt  }
0x7c: {  	_ =	shalt  }
0x7d: {  	_ =	shalt  }
0x7e: {  	_ =	shalt  }
0x7f: {  	_ =	shalt  }
0x80: {  	_ =	shalt  }
0x81: {  	_ =	shalt  }
0x82: {  	_ =	shalt  }
0x83: {  	_ =	shalt  }
0x84: {  	_ =	shalt  }
0x85: {  	_ =	shalt  }
0x86: {  	_ =	shalt  }
0x87: {  	_ =	shalt  }
.Lfunc_end0:
.L_simem_size_0:
called_computation_lowered:
.L_overlay_start_0:
0x88: {  	s2 =	sld [smem:$0x3FD9]  }
0x89: {  	s3 =	sld [smem:$0x3FFE];
	_ =	sdelay $0x1  }
0x8a: {  	s1 =	srdreg.scid  }
0x8b: {  	s0 =	sand.u32 $0x1, s1  }
0x8c: {  	s17 =	sshll.u32 s0, $0xA;
	s2 =	sadd.s32 s3, s2  }
0x8d: {  	s2 =	sadd.s32 s2, s17  }
0x8e: {  	[smem:$0x3FC0] =	sst s2  }
0x8f: {  	_ = 	snop  }
0x90: {  	s2 =	sld [smem:$0x3FC9]  }
0x91: {  	s18 =	sld [smem:$0x3FC7];
	(tm) =	ssettm $0x1  }
0x92: {  	s4 =	sld [smem:$0x3FFB];
	_ =	sdelay $0x3  }
0x93: {  	_ =	strace s4  }
0x94: {  	s4 =	sld [smem:$0x3FFC];
	_ =	sdelay $0x3  }
0x95: {  	_ =	strace s4  }
0x96: {  	s4 =	sld [smem:$0x3FFD];
	_ =	sdelay $0x3  }
0x97: {  	_ =	strace s4  }
0x98: {  	_ =	strace $0x8FFFFFFF  }
0x99: {  	s19 =	sld [smem:$0x3FDB];
	_ =	sdelay $0x1  }
0x9a: {  	s5 =	simm.s32 $_scs_section_size  }
0x9b: {  	s6 =	simm.s32 $_size__tile_overlayer_lowered;
	s7 =	simm.s32 $_tile_overlayer_lowered  }
0x9c: {  	s22 =	simm.s32 $0x1BFF;
	s21 =	sshll.u32 s7, $0x1;
	s4 =	sadd.s32 s5, s19  }
0x9d: {  	s8 =	simm.s32 $0x0;
	s20 =	sshll.u32 s6, $0x1;
	s6 =	sadd.s32 s21, s4  }
0x9e: {  	[timem:s8], [sflag:s22] =	dma.local [hbm:s6], s20  }
0x9f: {  	_ =	swait.ge [sflag:s22], s20  }
0xa0: {  	s5 =	ssub.s32 $0x0, s20;
	[sflag:s22] =	ssyncset.done $0x0  }
0xa1: {  	[sflag:s22] =	ssyncadd.s32 s5;
	_ =	sdelay $0x1  }
0xa2: {  	s23 =	simm.s32 $0x1B8B  }
0xa3: {  	_ =	swait.ge [sflag:s23], $0x1  }
0xa4: {  	[sflag:s23] =	ssyncset.done $0x0  }
0xa5: {  	s25 =	simm.s32 $0x1B8E;
	s24 =	sld [smem:$0x3FFE];
	[sflag:s23] =	ssyncadd.s32 $0xFFFFFFFF  }
0xa6: {  	s26 =	simm.s32 $execute0_lowered;
	[smem:$0x3FD2] =	sst s25  }
0xa7: {  	s6 =	sshll.u32 s26, $0x1;
	_ =	strace $0x80000046;
	[dreg:$0x1] =	wrdreg $0xFFFFFFFF  }
0xa8: {  	s28 =	simm.s32 $_size_execute0_lowered;
	s4 =	sadd.s32 s4, s6;
	[dreg:$0x0] =	wrdreg $0x0  }
0xa9: {  	s6 =	sshll.u32 s28, $0x1;
	[dreg:$0x2] =	wrdreg s4  }
0xaa: {  	[dreg:$0x3] =	wrdreg s6  }
0xab: {  	[dreg:$0x4] =	wrdreg $0xC0  }
0xac: {  	_ =	task [dreg:s8], $0x5FFFF  }
0xad: {  	[dreg:$0x1] =	wrdreg $0xFFFFFFFF  }
0xae: {  	[dreg:$0x0] =	wrdreg $0x60  }
0xaf: {  	[dreg:$0x2] =	wrdreg s2  }
0xb0: {  	[dreg:$0x3] =	wrdreg s18  }
0xb1: {  	[dreg:$0x4] =	wrdreg s24  }
0xb2: {  	[dreg:$0x5] =	wrdreg $0x9  }
0xb3: {  	_ =	task.clear_ibuf [dreg:s8], $0x6FFFF;
	_ =	strace $0x90000046  }
0xb4: {  	s29 =	simm.s32 $0x9;
	_ =	strace $0x80000048  }
0xb5: {  	_ =	swait.ge [sflag:s29], $0x1  }
0xb6: {  	[sflag:s29] =	ssyncadd.s32 $0xFFFFFFFF  }
0xb7: {  	_ =	strace $0x90000048  }
0xb8: {  	_ =	sfence  }
0xb9: {  	s30 =	sld [smem:$0x0];
	_ =	sdelay $0x2  }
0xba: {  	s31 =	sshll.u32 s1, $0xD;
	s1 =	sshrl.u32 s1, $0x2  }
0xbb: {  	s3 =	sand.u32 $0x4000, s31;
	s1 =	sadd.s32 s1, s30  }
0xbc: {  	s0 =	sor.u32 s3, s0;
	s1 =	sshll.u32 s1, $0x11  }
0xbd: {  	s0 =	sor.u32 s1, s0  }
0xbe: {  	s0 =	sadd.s32 $0x8F2B, s0  }
0xbf: {  	[sflag:s0] =	ssyncadd.remote.s32 $0x1  }
0xc0: {  	_ =	sfence.sel $0xFFFF  }
0xc1: {  	[dreg:$0x0] =	wrdreg $0xFFFFFFFF;
	(pc) =	sbr.abs _section_cstart, $3  }
0xc2: {  	[dreg:$0x1] =	wrdreg $0xFFFFFFFF  }
0xc3: {  	_ =	task.clear_ibuf [dreg:s8], $0x2FFFF;
	_ =	strace $0x9FFFFFFF  }
0xc4: {  	(tm) =	ssettm $0x7FFFFFFF  }
0xc5: {  	_ =	shalt  }
tec
execute0_lowered:
.L_overlay_start_1:
0x0: {  	(tag) =	ssettag $0x1  }
0x1: {  	s0 =	rddreg [dreg:$0x0]  }
0x2: {  	s2 =	rddreg [dreg:$0x1]  }
0x3: {  	s1 =	rddreg [dreg:$0x2]  }
0x4: {  	s3 =	srdreg.scid;
	s5 =	stileid.u32;
	s24 =	simm.s32 $0x80  }
0x5: {  	s25 =	simm.s32 $0x100;
	s26 =	simm.s32 $0x180;
	s12 =	simm.s32 $0x1  }
0x6: {  	s28 =	simm.s32 $0x6C00;
	s29 =	simm.s32 $0x7400;
	s30 =	simm.s32 $0x7C00  }
0x7: {  	s31 =	simm.s32 $0x8C00;
	s4 =	sand.u32 $0x1, s3;
	s3 =	simm.s32 $0x0  }
0x8: {  	s11 =	simm.s32 $0xC400;
	s5 =	sshll.u32 s5, $0xA;
	[smem:$0x7FF] =	sst s3  }
0x9: {  	s1 =	sadd.s32 $0x2200, s1;
	_ =	strace $0x80000047;
	[dreg:$0xc] =	wrdreg s24  }
0xa: {  	s6 =	sshll.u32 s4, $0x9;
	s23 =	ssub.s32 $0x2, s4;
	[dreg:$0xd] =	wrdreg s25  }
0xb: {  	s5 =	sor.u32 s6, s5;
	s4 =	sshrl.u32 s23, $0x1;
	[dreg:$0xe] =	wrdreg s26  }
0xc: {  	s24 =	simm.s32 $0x5400;
	s25 =	simm.s32 $0x5C00;
	s26 =	simm.s32 $0x6400  }
0xd: {  	s6 =	sshrl.u32 s5, $0x3;
	s7 =	sor.u32 $0x80, s5;
	s8 =	sor.u32 $0x100, s5  }
0xe: {  	s10 =	sor.u32 $0x180, s5;
	s5 =	sshll.u32 s5, $0x5;
	s6 =	sadd.s32 s0, s6  }
0xf: {  	s13 =	sshrl.u32 s7, $0x3;
	s9 =	sshrl.u32 s8, $0x3;
	s15 =	sshrl.u32 s10, $0x3  }
0x10: {  	s16 =	sadd.s32 s1, s5;
	s17 =	sshll.u32 s7, $0x5;
	s19 =	sshll.u32 s8, $0x5  }
0x11: {  	s21 =	sshll.u32 s10, $0x5;
	s5 =	simm.s32 $0x2;
	s7 =	simm.s32 $0xA400  }
0x12: {  	s8 =	simm.s32 $0xAC00;
	s10 =	simm.s32 $0xBC00;
	[dreg:$0x4] =	wrdreg s6  }
0x13: {  	s6 =	sadd.s32 s0, s13;
	s14 =	sadd.s32 s0, s9;
	[dreg:$0x8] =	wrdreg s16  }
0x14: {  	s0 =	sadd.s32 s0, s15;
	s18 =	sadd.s32 s1, s17;
	[dreg:$0x5] =	wrdreg s6  }
0x15: {  	s20 =	sadd.s32 s1, s19;
	s22 =	sadd.s32 s1, s21;
	[dreg:$0x6] =	wrdreg s14  }
0x16: {  	s1 =	ssub.s32 s23, s4;
	s15 =	simm.s32 $0x1400;
	[dreg:$0x7] =	wrdreg s0  }
0x17: {  	s16 =	simm.s32 $0x1C00;
	s17 =	simm.s32 $0x2400;
	[dreg:$0x9] =	wrdreg s18  }
0x18: {  	s19 =	simm.s32 $0x3400;
	s21 =	simm.s32 $0x4400;
	[dreg:$0xa] =	wrdreg s20  }
0x19: {  	v2 =	vlaneseq.u32;
	s23 =	simm.s32 $0x4C00;
	s9 =	simm.s32 $0xB400;
	[dreg:$0xb] =	wrdreg s22  }
0x1a: {  	vm0 =	vmmov $0xffff;
	v1 =	vshrl.u32 v2, $0x3;
	s4 =	smax.u32 s1, $0x1;
	s18 =	simm.s32 $0x2C00;
	s20 =	simm.s32 $0x3C00  }
0x1b: {  	v0 =	vand.u32 $0x7, v2;
	v2 =	vor.u32 $0x8, v2;
	v1 =	vmul.u32 $0x8, v1;
	s1 =	simm.s32 $0x8400;
	s22 =	simm.s32 $0x9400;
	s6 =	simm.s32 $0xCC00  }
.LBB2_1:
0x1c: {  	s13 =	rddreg [dreg:$0x4]  }
0x1d: {  	[tilespmem:s3], [sflag:$0x2] =	stream.linear.gather [hbm4b:s13+s3], $0x80, $0x38;
	[tilespmem:$0x10400] =	vst v63  }
0x1e: {  	_ =	swait.ge [sflag:s5], $0x80  }
0x1f: {  	s0 =	rddreg [dreg:$0x5];
	[sflag:s5] =	ssyncset.done $0x0  }
0x20: {  	s14 =	rddreg [dreg:$0xc];
	[sflag:s5] =	ssyncadd.s32 $0xFFFFFF80  }
0x21: {  	[tilespmem:s14], [sflag:$0x2] =	stream.linear.gather [hbm4b:s0+s3], $0x80, $0x38;
	[tilespmem:$0x10400] =	vst v63  }
0x22: {  	_ =	swait.ge [sflag:s5], $0x80  }
0x23: {  	s14 =	rddreg [dreg:$0x6];
	[sflag:s5] =	ssyncset.done $0x0  }
0x24: {  	s0 =	rddreg [dreg:$0xd];
	[sflag:s5] =	ssyncadd.s32 $0xFFFFFF80  }
0x25: {  	[tilespmem:s0], [sflag:$0x2] =	stream.linear.gather [hbm4b:s14+s3], $0x80, $0x38;
	[tilespmem:$0x10400] =	vst v63  }
0x26: {  	_ =	swait.ge [sflag:s5], $0x80  }
0x27: {  	s14 =	rddreg [dreg:$0x7];
	[sflag:s5] =	ssyncset.done $0x0  }
0x28: {  	s0 =	rddreg [dreg:$0xe];
	[sflag:s5] =	ssyncadd.s32 $0xFFFFFF80  }
0x29: {  	[tilespmem:s0], [sflag:$0x2] =	stream.linear.gather [hbm4b:s14+s3], $0x80, $0x38;
	[tilespmem:$0x10400] =	vst v63  }
0x2a: {  	_ =	swait.ge [sflag:s5], $0x80  }
0x2b: {  	[sflag:s5] =	ssyncset.done $0x0  }
0x2c: {  	[sflag:s5] =	ssyncadd.s32 $0xFFFFFF80  }
0x2d: {  	v3 =	vld [tilespmem:$0x0];
	_ =	sdelay $0x4  }
0x2e: {  	v4 =	vshll.u32 v3, $0x1  }
0x2f: {  	v3 =	vand.u32 $0x7, v3;
	v4 =	vand.u32 $0xFFFFFFF0, v4  }
0x30: {  	v3 =	vor.u32 v3, v4  }
0x31: {  	v4 =	vperm.xlane v3, v0;
	_ =	sdelay $0x1  }
0x32: {  	v3 =	vperm.xlane v3, v2;
	v4 =	vadd.s32 v1, v4;
	_ =	sdelay $0x1  }
0x33: {  	v3 =	vadd.s32 v1, v3;
	_ =	sdelay $0x1  }
0x34: {  	s0 =	simm.s32 $0x400  }
0x35: {  	[tilespmem:s0], [sflag:$0x1] =	stream.indirect_vreg.gather [hbm4b:s2+s3], $0x80, v4, vm0, $0xb8;
	[tilespmem:$0x10400] =	vst v63  }
0x36: {  	s14 =	simm.s32 $0xC00  }
0x37: {  	[tilespmem:s14], [sflag:$0x1] =	stream.indirect_vreg.gather [hbm4b:s2+s3], $0x80, v3, vm0, $0xb8;
	[tilespmem:$0x10400] =	vst v63  }
0x38: {  	v3 =	vld [tilespmem:$0x10];
	_ =	sdelay $0x4  }
0x39: {  	v33 =	vshll.u32 v3, $0x1  }
0x3a: {  	v3 =	vand.u32 $0x7, v3;
	v4 =	vand.u32 $0xFFFFFFF0, v33  }
0x3b: {  	v3 =	vor.u32 v3, v4  }
0x3c: {  	v4 =	vperm.xlane v3, v0;
	_ =	sdelay $0x1  }
0x3d: {  	v3 =	vperm.xlane v3, v2;
	v4 =	vadd.s32 v1, v4;
	_ =	sdelay $0x1  }
0x3e: {  	v3 =	vadd.s32 v1, v3;
	_ =	sdelay $0x2  }
0x3f: {  	[tilespmem:s15], [sflag:$0x1] =	stream.indirect_vreg.gather [hbm4b:s2+s3], $0x80, v4, vm0, $0xb8;
	[tilespmem:$0x10400] =	vst v63  }
0x40: {  	_ = 	snop  }
0x41: {  	[tilespmem:s16], [sflag:$0x1] =	stream.indirect_vreg.gather [hbm4b:s2+s3], $0x80, v3, vm0, $0xb8;
	[tilespmem:$0x10400] =	vst v63  }
0x42: {  	v3 =	vld [tilespmem:$0x20];
	_ =	sdelay $0x4  }
0x43: {  	v34 =	vshll.u32 v3, $0x1  }
0x44: {  	v3 =	vand.u32 $0x7, v3;
	v4 =	vand.u32 $0xFFFFFFF0, v34  }
0x45: {  	v3 =	vor.u32 v3, v4  }
0x46: {  	v4 =	vperm.xlane v3, v0;
	_ =	sdelay $0x1  }
0x47: {  	v3 =	vperm.xlane v3, v2;
	v4 =	vadd.s32 v1, v4;
	_ =	sdelay $0x1  }
0x48: {  	v3 =	vadd.s32 v1, v3;
	_ =	sdelay $0x2  }
0x49: {  	[tilespmem:s17], [sflag:$0x1] =	stream.indirect_vreg.gather [hbm4b:s2+s3], $0x80, v4, vm0, $0xb8;
	[tilespmem:$0x10400] =	vst v63  }
0x4a: {  	_ = 	snop  }
0x4b: {  	[tilespmem:s18], [sflag:$0x1] =	stream.indirect_vreg.gather [hbm4b:s2+s3], $0x80, v3, vm0, $0xb8;
	[tilespmem:$0x10400] =	vst v63  }
0x4c: {  	v3 =	vld [tilespmem:$0x30];
	_ =	sdelay $0x4  }
0x4d: {  	v35 =	vshll.u32 v3, $0x1  }
0x4e: {  	v3 =	vand.u32 $0x7, v3;
	v4 =	vand.u32 $0xFFFFFFF0, v35  }
0x4f: {  	v3 =	vor.u32 v3, v4  }
0x50: {  	v4 =	vperm.xlane v3, v0;
	_ =	sdelay $0x1  }
0x51: {  	v3 =	vperm.xlane v3, v2;
	v4 =	vadd.s32 v1, v4;
	_ =	sdelay $0x1  }
0x52: {  	v3 =	vadd.s32 v1, v3;
	_ =	sdelay $0x2  }
0x53: {  	[tilespmem:s19], [sflag:$0x1] =	stream.indirect_vreg.gather [hbm4b:s2+s3], $0x80, v4, vm0, $0xb8;
	[tilespmem:$0x10400] =	vst v63  }
0x54: {  	_ = 	snop  }
0x55: {  	[tilespmem:s20], [sflag:$0x1] =	stream.indirect_vreg.gather [hbm4b:s2+s3], $0x80, v3, vm0, $0xb8;
	[tilespmem:$0x10400] =	vst v63  }
0x56: {  	v3 =	vld [tilespmem:$0x40];
	_ =	sdelay $0x4  }
0x57: {  	v36 =	vshll.u32 v3, $0x1  }
0x58: {  	v3 =	vand.u32 $0x7, v3;
	v4 =	vand.u32 $0xFFFFFFF0, v36  }
0x59: {  	v3 =	vor.u32 v3, v4  }
0x5a: {  	v4 =	vperm.xlane v3, v0;
	_ =	sdelay $0x1  }
0x5b: {  	v3 =	vperm.xlane v3, v2;
	v4 =	vadd.s32 v1, v4;
	_ =	sdelay $0x1  }
0x5c: {  	v3 =	vadd.s32 v1, v3;
	_ =	sdelay $0x2  }
0x5d: {  	[tilespmem:s21], [sflag:$0x1] =	stream.indirect_vreg.gather [hbm4b:s2+s3], $0x80, v4, vm0, $0xb8;
	[tilespmem:$0x10400] =	vst v63  }
0x5e: {  	_ = 	snop  }
0x5f: {  	[tilespmem:s23], [sflag:$0x1] =	stream.indirect_vreg.gather [hbm4b:s2+s3], $0x80, v3, vm0, $0xb8;
	[tilespmem:$0x10400] =	vst v63  }
0x60: {  	v3 =	vld [tilespmem:$0x50];
	_ =	sdelay $0x4  }
0x61: {  	v37 =	vshll.u32 v3, $0x1  }
0x62: {  	v3 =	vand.u32 $0x7, v3;
	v4 =	vand.u32 $0xFFFFFFF0, v37  }
0x63: {  	v3 =	vor.u32 v3, v4  }
0x64: {  	v4 =	vperm.xlane v3, v0;
	_ =	sdelay $0x1  }
0x65: {  	v3 =	vperm.xlane v3, v2;
	v4 =	vadd.s32 v1, v4;
	_ =	sdelay $0x1  }
0x66: {  	v3 =	vadd.s32 v1, v3;
	_ =	sdelay $0x2  }
0x67: {  	[tilespmem:s24], [sflag:$0x1] =	stream.indirect_vreg.gather [hbm4b:s2+s3], $0x80, v4, vm0, $0xb8;
	[tilespmem:$0x10400] =	vst v63  }
0x68: {  	_ = 	snop  }
0x69: {  	[tilespmem:s25], [sflag:$0x1] =	stream.indirect_vreg.gather [hbm4b:s2+s3], $0x80, v3, vm0, $0xb8;
	[tilespmem:$0x10400] =	vst v63  }
0x6a: {  	v3 =	vld [tilespmem:$0x60];
	_ =	sdelay $0x4  }
0x6b: {  	v38 =	vshll.u32 v3, $0x1  }
0x6c: {  	v3 =	vand.u32 $0x7, v3;
	v4 =	vand.u32 $0xFFFFFFF0, v38  }
0x6d: {  	v3 =	vor.u32 v3, v4  }
0x6e: {  	v4 =	vperm.xlane v3, v0;
	_ =	sdelay $0x1  }
0x6f: {  	v3 =	vperm.xlane v3, v2;
	v4 =	vadd.s32 v1, v4;
	_ =	sdelay $0x1  }
0x70: {  	v3 =	vadd.s32 v1, v3;
	_ =	sdelay $0x2  }
0x71: {  	[tilespmem:s26], [sflag:$0x1] =	stream.indirect_vreg.gather [hbm4b:s2+s3], $0x80, v4, vm0, $0xb8;
	[tilespmem:$0x10400] =	vst v63  }
0x72: {  	_ = 	snop  }
0x73: {  	[tilespmem:s28], [sflag:$0x1] =	stream.indirect_vreg.gather [hbm4b:s2+s3], $0x80, v3, vm0, $0xb8;
	[tilespmem:$0x10400] =	vst v63  }
0x74: {  	v3 =	vld [tilespmem:$0x70];
	_ =	sdelay $0x4  }
0x75: {  	v39 =	vshll.u32 v3, $0x1  }
0x76: {  	v3 =	vand.u32 $0x7, v3;
	v4 =	vand.u32 $0xFFFFFFF0, v39  }
0x77: {  	v3 =	vor.u32 v3, v4  }
0x78: {  	v4 =	vperm.xlane v3, v0;
	_ =	sdelay $0x1  }
0x79: {  	v3 =	vperm.xlane v3, v2;
	v4 =	vadd.s32 v1, v4;
	_ =	sdelay $0x1  }
0x7a: {  	v3 =	vadd.s32 v1, v3;
	_ =	sdelay $0x2  }
0x7b: {  	[tilespmem:s29], [sflag:$0x1] =	stream.indirect_vreg.gather [hbm4b:s2+s3], $0x80, v4, vm0, $0xb8;
	[tilespmem:$0x10400] =	vst v63  }
0x7c: {  	_ = 	snop  }
0x7d: {  	[tilespmem:s30], [sflag:$0x1] =	stream.indirect_vreg.gather [hbm4b:s2+s3], $0x80, v3, vm0, $0xb8;
	[tilespmem:$0x10400] =	vst v63  }
0x7e: {  	v3 =	vld [tilespmem:$0x80];
	_ =	sdelay $0x4  }
0x7f: {  	v40 =	vshll.u32 v3, $0x1  }
0x80: {  	v3 =	vand.u32 $0x7, v3;
	v4 =	vand.u32 $0xFFFFFFF0, v40  }
0x81: {  	v3 =	vor.u32 v3, v4  }
0x82: {  	v4 =	vperm.xlane v3, v0;
	_ =	sdelay $0x1  }
0x83: {  	v3 =	vperm.xlane v3, v2;
	v4 =	vadd.s32 v1, v4;
	_ =	sdelay $0x1  }
0x84: {  	v3 =	vadd.s32 v1, v3;
	_ =	sdelay $0x2  }
0x85: {  	[tilespmem:s1], [sflag:$0x1] =	stream.indirect_vreg.gather [hbm4b:s2+s3], $0x80, v4, vm0, $0xb8;
	[tilespmem:$0x10400] =	vst v63  }
0x86: {  	_ = 	snop  }
0x87: {  	[tilespmem:s31], [sflag:$0x1] =	stream.indirect_vreg.gather [hbm4b:s2+s3], $0x80, v3, vm0, $0xb8;
	[tilespmem:$0x10400] =	vst v63  }
0x88: {  	v3 =	vld [tilespmem:$0x90];
	_ =	sdelay $0x4  }
0x89: {  	v41 =	vshll.u32 v3, $0x1  }
0x8a: {  	v3 =	vand.u32 $0x7, v3;
	v4 =	vand.u32 $0xFFFFFFF0, v41  }
0x8b: {  	v3 =	vor.u32 v3, v4  }
0x8c: {  	v4 =	vperm.xlane v3, v0;
	_ =	sdelay $0x1  }
0x8d: {  	v3 =	vperm.xlane v3, v2;
	v4 =	vadd.s32 v1, v4;
	_ =	sdelay $0x1  }
0x8e: {  	v3 =	vadd.s32 v1, v3;
	_ =	sdelay $0x2  }
0x8f: {  	[tilespmem:s22], [sflag:$0x1] =	stream.indirect_vreg.gather [hbm4b:s2+s3], $0x80, v4, vm0, $0xb8;
	[tilespmem:$0x10400] =	vst v63  }
0x90: {  	s13 =	simm.s32 $0x9C00  }
0x91: {  	[tilespmem:s13], [sflag:$0x1] =	stream.indirect_vreg.gather [hbm4b:s2+s3], $0x80, v3, vm0, $0xb8;
	[tilespmem:$0x10400] =	vst v63  }
0x92: {  	v3 =	vld [tilespmem:$0xA0];
	_ =	sdelay $0x4  }
0x93: {  	v42 =	vshll.u32 v3, $0x1  }
0x94: {  	v3 =	vand.u32 $0x7, v3;
	v4 =	vand.u32 $0xFFFFFFF0, v42  }
0x95: {  	v3 =	vor.u32 v3, v4  }
0x96: {  	v4 =	vperm.xlane v3, v0;
	_ =	sdelay $0x1  }
0x97: {  	v3 =	vperm.xlane v3, v2;
	v4 =	vadd.s32 v1, v4;
	_ =	sdelay $0x1  }
0x98: {  	v3 =	vadd.s32 v1, v3;
	_ =	sdelay $0x2  }
0x99: {  	[tilespmem:s7], [sflag:$0x1] =	stream.indirect_vreg.gather [hbm4b:s2+s3], $0x80, v4, vm0, $0xb8;
	[tilespmem:$0x10400] =	vst v63  }
0x9a: {  	_ = 	snop  }
0x9b: {  	[tilespmem:s8], [sflag:$0x1] =	stream.indirect_vreg.gather [hbm4b:s2+s3], $0x80, v3, vm0, $0xb8;
	[tilespmem:$0x10400] =	vst v63  }
0x9c: {  	v3 =	vld [tilespmem:$0xB0];
	_ =	sdelay $0x4  }
0x9d: {  	v43 =	vshll.u32 v3, $0x1  }
0x9e: {  	v3 =	vand.u32 $0x7, v3;
	v4 =	vand.u32 $0xFFFFFFF0, v43  }
0x9f: {  	v3 =	vor.u32 v3, v4  }
0xa0: {  	v4 =	vperm.xlane v3, v0;
	_ =	sdelay $0x1  }
0xa1: {  	v3 =	vperm.xlane v3, v2;
	v4 =	vadd.s32 v1, v4;
	_ =	sdelay $0x1  }
0xa2: {  	v3 =	vadd.s32 v1, v3;
	_ =	sdelay $0x2  }
0xa3: {  	[tilespmem:s9], [sflag:$0x1] =	stream.indirect_vreg.gather [hbm4b:s2+s3], $0x80, v4, vm0, $0xb8;
	[tilespmem:$0x10400] =	vst v63  }
0xa4: {  	_ = 	snop  }
0xa5: {  	[tilespmem:s10], [sflag:$0x1] =	stream.indirect_vreg.gather [hbm4b:s2+s3], $0x80, v3, vm0, $0xb8;
	[tilespmem:$0x10400] =	vst v63  }
0xa6: {  	v3 =	vld [tilespmem:$0xC0];
	_ =	sdelay $0x4  }
0xa7: {  	v44 =	vshll.u32 v3, $0x1  }
0xa8: {  	v3 =	vand.u32 $0x7, v3;
	v4 =	vand.u32 $0xFFFFFFF0, v44  }
0xa9: {  	v3 =	vor.u32 v3, v4  }
0xaa: {  	v4 =	vperm.xlane v3, v0;
	_ =	sdelay $0x1  }
0xab: {  	v3 =	vperm.xlane v3, v2;
	v4 =	vadd.s32 v1, v4;
	_ =	sdelay $0x1  }
0xac: {  	v3 =	vadd.s32 v1, v3;
	_ =	sdelay $0x2  }
0xad: {  	[tilespmem:s11], [sflag:$0x1] =	stream.indirect_vreg.gather [hbm4b:s2+s3], $0x80, v4, vm0, $0xb8;
	[tilespmem:$0x10400] =	vst v63  }
0xae: {  	_ = 	snop  }
0xaf: {  	[tilespmem:s6], [sflag:$0x1] =	stream.indirect_vreg.gather [hbm4b:s2+s3], $0x80, v3, vm0, $0xb8;
	[tilespmem:$0x10400] =	vst v63  }
0xb0: {  	v3 =	vld [tilespmem:$0xD0];
	_ =	sdelay $0x4  }
0xb1: {  	v45 =	vshll.u32 v3, $0x1  }
0xb2: {  	v3 =	vand.u32 $0x7, v3;
	v4 =	vand.u32 $0xFFFFFFF0, v45  }
0xb3: {  	v3 =	vor.u32 v3, v4  }
0xb4: {  	v4 =	vperm.xlane v3, v0;
	_ =	sdelay $0x1  }
0xb5: {  	v3 =	vperm.xlane v3, v2;
	v4 =	vadd.s32 v1, v4;
	_ =	sdelay $0x1  }
0xb6: {  	v3 =	vadd.s32 v1, v3;
	_ =	sdelay $0x1  }
0xb7: {  	s13 =	simm.s32 $0xD400  }
0xb8: {  	[tilespmem:s13], [sflag:$0x1] =	stream.indirect_vreg.gather [hbm4b:s2+s3], $0x80, v4, vm0, $0xb8;
	[tilespmem:$0x10400] =	vst v63  }
0xb9: {  	s13 =	simm.s32 $0xDC00  }
0xba: {  	[tilespmem:s13], [sflag:$0x1] =	stream.indirect_vreg.gather [hbm4b:s2+s3], $0x80, v3, vm0, $0xb8;
	[tilespmem:$0x10400] =	vst v63  }
0xbb: {  	v3 =	vld [tilespmem:$0xE0];
	_ =	sdelay $0x4  }
0xbc: {  	v46 =	vshll.u32 v3, $0x1  }
0xbd: {  	v3 =	vand.u32 $0x7, v3;
	v4 =	vand.u32 $0xFFFFFFF0, v46  }
0xbe: {  	v3 =	vor.u32 v3, v4  }
0xbf: {  	v4 =	vperm.xlane v3, v0;
	_ =	sdelay $0x1  }
0xc0: {  	v3 =	vperm.xlane v3, v2;
	v4 =	vadd.s32 v1, v4;
	_ =	sdelay $0x1  }
0xc1: {  	v3 =	vadd.s32 v1, v3;
	_ =	sdelay $0x1  }
0xc2: {  	s13 =	simm.s32 $0xE400  }
0xc3: {  	[tilespmem:s13], [sflag:$0x1] =	stream.indirect_vreg.gather [hbm4b:s2+s3], $0x80, v4, vm0, $0xb8;
	[tilespmem:$0x10400] =	vst v63  }
0xc4: {  	s13 =	simm.s32 $0xEC00  }
0xc5: {  	[tilespmem:s13], [sflag:$0x1] =	stream.indirect_vreg.gather [hbm4b:s2+s3], $0x80, v3, vm0, $0xb8;
	[tilespmem:$0x10400] =	vst v63  }
0xc6: {  	v3 =	vld [tilespmem:$0xF0];
	_ =	sdelay $0x4  }
0xc7: {  	v47 =	vshll.u32 v3, $0x1  }
0xc8: {  	v3 =	vand.u32 $0x7, v3;
	v4 =	vand.u32 $0xFFFFFFF0, v47  }
0xc9: {  	v3 =	vor.u32 v3, v4  }
0xca: {  	v4 =	vperm.xlane v3, v0;
	_ =	sdelay $0x1  }
0xcb: {  	v3 =	vperm.xlane v3, v2;
	v4 =	vadd.s32 v1, v4;
	_ =	sdelay $0x1  }
0xcc: {  	v3 =	vadd.s32 v1, v3;
	_ =	sdelay $0x1  }
0xcd: {  	s13 =	simm.s32 $0xF400  }
0xce: {  	[tilespmem:s13], [sflag:$0x1] =	stream.indirect_vreg.gather [hbm4b:s2+s3], $0x80, v4, vm0, $0xb8;
	[tilespmem:$0x10400] =	vst v63  }
0xcf: {  	s13 =	simm.s32 $0xFC00  }
0xd0: {  	[tilespmem:s13], [sflag:$0x1] =	stream.indirect_vreg.gather [hbm4b:s2+s3], $0x80, v3, vm0, $0xb8;
	[tilespmem:$0x10400] =	vst v63  }
0xd1: {  	_ =	swait.ge [sflag:s12], $0x8000  }
0xd2: {  	[sflag:s12] =	ssyncset.done $0x0  }
0xd3: {  	s0 =	simm.s32 $0x400;
	s13 =	rddreg [dreg:$0x8];
	[sflag:s12] =	ssyncadd.s32 $0xFFFF8000  }
0xd4: {  	[hbm4b:s13+s3] =	stream.linear.scatter [tilespmem:s0], [sflag:$0x2], $0x8000, $0x38;
	[tilespmem:$0x10400] =	vst v63  }
0xd5: {  	_ =	swait.ge [sflag:s5], $0x8000  }
0xd6: {  	[sflag:s5] =	ssyncset.done $0x0  }
0xd7: {  	[sflag:s5] =	ssyncadd.s32 $0xFFFF8000  }
0xd8: {  	v3 =	vld [tilespmem:$0x100];
	_ =	sdelay $0x4  }
0xd9: {  	v48 =	vshll.u32 v3, $0x1  }
0xda: {  	v3 =	vand.u32 $0x7, v3;
	v4 =	vand.u32 $0xFFFFFFF0, v48  }
0xdb: {  	v3 =	vor.u32 v3, v4  }
0xdc: {  	v4 =	vperm.xlane v3, v0;
	_ =	sdelay $0x1  }
0xdd: {  	v3 =	vperm.xlane v3, v2;
	v4 =	vadd.s32 v1, v4;
	_ =	sdelay $0x1  }
0xde: {  	v3 =	vadd.s32 v1, v3;
	_ =	sdelay $0x2  }
0xdf: {  	[tilespmem:s0], [sflag:$0x1] =	stream.indirect_vreg.gather [hbm4b:s2+s3], $0x80, v4, vm0, $0xb8;
	[tilespmem:$0x10400] =	vst v63  }
0xe0: {  	_ = 	snop  }
0xe1: {  	[tilespmem:s14], [sflag:$0x1] =	stream.indirect_vreg.gather [hbm4b:s2+s3], $0x80, v3, vm0, $0xb8;
	[tilespmem:$0x10400] =	vst v63  }
0xe2: {  	v3 =	vld [tilespmem:$0x110];
	_ =	sdelay $0x4  }
0xe3: {  	v49 =	vshll.u32 v3, $0x1  }
0xe4: {  	v3 =	vand.u32 $0x7, v3;
	v4 =	vand.u32 $0xFFFFFFF0, v49  }
0xe5: {  	v3 =	vor.u32 v3, v4  }
0xe6: {  	v4 =	vperm.xlane v3, v0;
	_ =	sdelay $0x1  }
0xe7: {  	v3 =	vperm.xlane v3, v2;
	v4 =	vadd.s32 v1, v4;
	_ =	sdelay $0x1  }
0xe8: {  	v3 =	vadd.s32 v1, v3;
	_ =	sdelay $0x2  }
0xe9: {  	[tilespmem:s15], [sflag:$0x1] =	stream.indirect_vreg.gather [hbm4b:s2+s3], $0x80, v4, vm0, $0xb8;
	[tilespmem:$0x10400] =	vst v63  }
0xea: {  	_ = 	snop  }
0xeb: {  	[tilespmem:s16], [sflag:$0x1] =	stream.indirect_vreg.gather [hbm4b:s2+s3], $0x80, v3, vm0, $0xb8;
	[tilespmem:$0x10400] =	vst v63  }
0xec: {  	v3 =	vld [tilespmem:$0x120];
	_ =	sdelay $0x4  }
0xed: {  	v50 =	vshll.u32 v3, $0x1  }
0xee: {  	v3 =	vand.u32 $0x7, v3;
	v4 =	vand.u32 $0xFFFFFFF0, v50  }
0xef: {  	v3 =	vor.u32 v3, v4  }
0xf0: {  	v4 =	vperm.xlane v3, v0;
	_ =	sdelay $0x1  }
0xf1: {  	v3 =	vperm.xlane v3, v2;
	v4 =	vadd.s32 v1, v4;
	_ =	sdelay $0x1  }
0xf2: {  	v3 =	vadd.s32 v1, v3;
	_ =	sdelay $0x2  }
0xf3: {  	[tilespmem:s17], [sflag:$0x1] =	stream.indirect_vreg.gather [hbm4b:s2+s3], $0x80, v4, vm0, $0xb8;
	[tilespmem:$0x10400] =	vst v63  }
0xf4: {  	_ = 	snop  }
0xf5: {  	[tilespmem:s18], [sflag:$0x1] =	stream.indirect_vreg.gather [hbm4b:s2+s3], $0x80, v3, vm0, $0xb8;
	[tilespmem:$0x10400] =	vst v63  }
0xf6: {  	v3 =	vld [tilespmem:$0x130];
	_ =	sdelay $0x4  }
0xf7: {  	v51 =	vshll.u32 v3, $0x1  }
0xf8: {  	v3 =	vand.u32 $0x7, v3;
	v4 =	vand.u32 $0xFFFFFFF0, v51  }
0xf9: {  	v3 =	vor.u32 v3, v4  }
0xfa: {  	v4 =	vperm.xlane v3, v0;
	_ =	sdelay $0x1  }
0xfb: {  	v3 =	vperm.xlane v3, v2;
	v4 =	vadd.s32 v1, v4;
	_ =	sdelay $0x1  }
0xfc: {  	v3 =	vadd.s32 v1, v3;
	_ =	sdelay $0x2  }
0xfd: {  	[tilespmem:s19], [sflag:$0x1] =	stream.indirect_vreg.gather [hbm4b:s2+s3], $0x80, v4, vm0, $0xb8;
	[tilespmem:$0x10400] =	vst v63  }
0xfe: {  	_ = 	snop  }
0xff: {  	[tilespmem:s20], [sflag:$0x1] =	stream.indirect_vreg.gather [hbm4b:s2+s3], $0x80, v3, vm0, $0xb8;
	[tilespmem:$0x10400] =	vst v63  }
0x100: {  	v3 =	vld [tilespmem:$0x140];
	_ =	sdelay $0x4  }
0x101: {  	v52 =	vshll.u32 v3, $0x1  }
0x102: {  	v3 =	vand.u32 $0x7, v3;
	v4 =	vand.u32 $0xFFFFFFF0, v52  }
0x103: {  	v3 =	vor.u32 v3, v4  }
0x104: {  	v4 =	vperm.xlane v3, v0;
	_ =	sdelay $0x1  }
0x105: {  	v3 =	vperm.xlane v3, v2;
	v4 =	vadd.s32 v1, v4;
	_ =	sdelay $0x1  }
0x106: {  	v3 =	vadd.s32 v1, v3;
	_ =	sdelay $0x2  }
0x107: {  	[tilespmem:s21], [sflag:$0x1] =	stream.indirect_vreg.gather [hbm4b:s2+s3], $0x80, v4, vm0, $0xb8;
	[tilespmem:$0x10400] =	vst v63  }
0x108: {  	_ = 	snop  }
0x109: {  	[tilespmem:s23], [sflag:$0x1] =	stream.indirect_vreg.gather [hbm4b:s2+s3], $0x80, v3, vm0, $0xb8;
	[tilespmem:$0x10400] =	vst v63  }
0x10a: {  	v3 =	vld [tilespmem:$0x150];
	_ =	sdelay $0x4  }
0x10b: {  	v53 =	vshll.u32 v3, $0x1  }
0x10c: {  	v3 =	vand.u32 $0x7, v3;
	v4 =	vand.u32 $0xFFFFFFF0, v53  }
0x10d: {  	v3 =	vor.u32 v3, v4  }
0x10e: {  	v4 =	vperm.xlane v3, v0;
	_ =	sdelay $0x1  }
0x10f: {  	v3 =	vperm.xlane v3, v2;
	v4 =	vadd.s32 v1, v4;
	_ =	sdelay $0x1  }
0x110: {  	v3 =	vadd.s32 v1, v3;
	_ =	sdelay $0x2  }
0x111: {  	[tilespmem:s24], [sflag:$0x1] =	stream.indirect_vreg.gather [hbm4b:s2+s3], $0x80, v4, vm0, $0xb8;
	[tilespmem:$0x10400] =	vst v63  }
0x112: {  	_ = 	snop  }
0x113: {  	[tilespmem:s25], [sflag:$0x1] =	stream.indirect_vreg.gather [hbm4b:s2+s3], $0x80, v3, vm0, $0xb8;
	[tilespmem:$0x10400] =	vst v63  }
0x114: {  	v3 =	vld [tilespmem:$0x160];
	_ =	sdelay $0x4  }
0x115: {  	v54 =	vshll.u32 v3, $0x1  }
0x116: {  	v3 =	vand.u32 $0x7, v3;
	v4 =	vand.u32 $0xFFFFFFF0, v54  }
0x117: {  	v3 =	vor.u32 v3, v4  }
0x118: {  	v4 =	vperm.xlane v3, v0;
	_ =	sdelay $0x1  }
0x119: {  	v3 =	vperm.xlane v3, v2;
	v4 =	vadd.s32 v1, v4;
	_ =	sdelay $0x1  }
0x11a: {  	v3 =	vadd.s32 v1, v3;
	_ =	sdelay $0x2  }
0x11b: {  	[tilespmem:s26], [sflag:$0x1] =	stream.indirect_vreg.gather [hbm4b:s2+s3], $0x80, v4, vm0, $0xb8;
	[tilespmem:$0x10400] =	vst v63  }
0x11c: {  	_ = 	snop  }
0x11d: {  	[tilespmem:s28], [sflag:$0x1] =	stream.indirect_vreg.gather [hbm4b:s2+s3], $0x80, v3, vm0, $0xb8;
	[tilespmem:$0x10400] =	vst v63  }
0x11e: {  	v3 =	vld [tilespmem:$0x170];
	_ =	sdelay $0x4  }
0x11f: {  	v55 =	vshll.u32 v3, $0x1  }
0x120: {  	v3 =	vand.u32 $0x7, v3;
	v4 =	vand.u32 $0xFFFFFFF0, v55  }
0x121: {  	v3 =	vor.u32 v3, v4  }
0x122: {  	v4 =	vperm.xlane v3, v0;
	_ =	sdelay $0x1  }
0x123: {  	v3 =	vperm.xlane v3, v2;
	v4 =	vadd.s32 v1, v4;
	_ =	sdelay $0x1  }
0x124: {  	v3 =	vadd.s32 v1, v3;
	_ =	sdelay $0x2  }
0x125: {  	[tilespmem:s29], [sflag:$0x1] =	stream.indirect_vreg.gather [hbm4b:s2+s3], $0x80, v4, vm0, $0xb8;
	[tilespmem:$0x10400] =	vst v63  }
0x126: {  	_ = 	snop  }
0x127: {  	[tilespmem:s30], [sflag:$0x1] =	stream.indirect_vreg.gather [hbm4b:s2+s3], $0x80, v3, vm0, $0xb8;
	[tilespmem:$0x10400] =	vst v63  }
0x128: {  	_ =	swait.ge [sflag:s12], $0x8000  }
0x129: {  	[sflag:s12] =	ssyncset.done $0x0  }
0x12a: {  	s0 =	rddreg [dreg:$0x9];
	[sflag:s12] =	ssyncadd.s32 $0xFFFF8000  }
0x12b: {  	[hbm4b:s0+s3] =	stream.linear.scatter [tilespmem:s1], [sflag:$0x2], $0x8000, $0x38;
	[tilespmem:$0x10400] =	vst v63  }
0x12c: {  	_ =	swait.ge [sflag:s5], $0x8000  }
0x12d: {  	[sflag:s5] =	ssyncset.done $0x0  }
0x12e: {  	[sflag:s5] =	ssyncadd.s32 $0xFFFF8000  }
0x12f: {  	v3 =	vld [tilespmem:$0x180];
	_ =	sdelay $0x4  }
0x130: {  	v56 =	vshll.u32 v3, $0x1  }
0x131: {  	v3 =	vand.u32 $0x7, v3;
	v4 =	vand.u32 $0xFFFFFFF0, v56  }
0x132: {  	v3 =	vor.u32 v3, v4  }
0x133: {  	v4 =	vperm.xlane v3, v0;
	_ =	sdelay $0x1  }
0x134: {  	v3 =	vperm.xlane v3, v2;
	v4 =	vadd.s32 v1, v4;
	_ =	sdelay $0x1  }
0x135: {  	v3 =	vadd.s32 v1, v3;
	_ =	sdelay $0x2  }
0x136: {  	[tilespmem:s1], [sflag:$0x1] =	stream.indirect_vreg.gather [hbm4b:s2+s3], $0x80, v4, vm0, $0xb8;
	[tilespmem:$0x10400] =	vst v63  }
0x137: {  	_ = 	snop  }
0x138: {  	[tilespmem:s31], [sflag:$0x1] =	stream.indirect_vreg.gather [hbm4b:s2+s3], $0x80, v3, vm0, $0xb8;
	[tilespmem:$0x10400] =	vst v63  }
0x139: {  	v3 =	vld [tilespmem:$0x190];
	_ =	sdelay $0x4  }
0x13a: {  	v57 =	vshll.u32 v3, $0x1  }
0x13b: {  	v3 =	vand.u32 $0x7, v3;
	v4 =	vand.u32 $0xFFFFFFF0, v57  }
0x13c: {  	v3 =	vor.u32 v3, v4  }
0x13d: {  	v4 =	vperm.xlane v3, v0;
	_ =	sdelay $0x1  }
0x13e: {  	v3 =	vperm.xlane v3, v2;
	v4 =	vadd.s32 v1, v4;
	_ =	sdelay $0x1  }
0x13f: {  	v3 =	vadd.s32 v1, v3;
	_ =	sdelay $0x2  }
0x140: {  	[tilespmem:s22], [sflag:$0x1] =	stream.indirect_vreg.gather [hbm4b:s2+s3], $0x80, v4, vm0, $0xb8;
	[tilespmem:$0x10400] =	vst v63  }
0x141: {  	s14 =	simm.s32 $0x9C00  }
0x142: {  	[tilespmem:s14], [sflag:$0x1] =	stream.indirect_vreg.gather [hbm4b:s2+s3], $0x80, v3, vm0, $0xb8;
	[tilespmem:$0x10400] =	vst v63  }
0x143: {  	v3 =	vld [tilespmem:$0x1A0];
	_ =	sdelay $0x4  }
0x144: {  	v58 =	vshll.u32 v3, $0x1  }
0x145: {  	v3 =	vand.u32 $0x7, v3;
	v4 =	vand.u32 $0xFFFFFFF0, v58  }
0x146: {  	v3 =	vor.u32 v3, v4  }
0x147: {  	v4 =	vperm.xlane v3, v0;
	_ =	sdelay $0x1  }
0x148: {  	v3 =	vperm.xlane v3, v2;
	v4 =	vadd.s32 v1, v4;
	_ =	sdelay $0x1  }
0x149: {  	v3 =	vadd.s32 v1, v3;
	_ =	sdelay $0x2  }
0x14a: {  	[tilespmem:s7], [sflag:$0x1] =	stream.indirect_vreg.gather [hbm4b:s2+s3], $0x80, v4, vm0, $0xb8;
	[tilespmem:$0x10400] =	vst v63  }
0x14b: {  	_ = 	snop  }
0x14c: {  	[tilespmem:s8], [sflag:$0x1] =	stream.indirect_vreg.gather [hbm4b:s2+s3], $0x80, v3, vm0, $0xb8;
	[tilespmem:$0x10400] =	vst v63  }
0x14d: {  	v3 =	vld [tilespmem:$0x1B0];
	_ =	sdelay $0x4  }
0x14e: {  	v59 =	vshll.u32 v3, $0x1  }
0x14f: {  	v3 =	vand.u32 $0x7, v3;
	v4 =	vand.u32 $0xFFFFFFF0, v59  }
0x150: {  	v3 =	vor.u32 v3, v4  }
0x151: {  	v4 =	vperm.xlane v3, v0;
	_ =	sdelay $0x1  }
0x152: {  	v3 =	vperm.xlane v3, v2;
	v4 =	vadd.s32 v1, v4;
	_ =	sdelay $0x1  }
0x153: {  	v3 =	vadd.s32 v1, v3;
	_ =	sdelay $0x2  }
0x154: {  	[tilespmem:s9], [sflag:$0x1] =	stream.indirect_vreg.gather [hbm4b:s2+s3], $0x80, v4, vm0, $0xb8;
	[tilespmem:$0x10400] =	vst v63  }
0x155: {  	_ = 	snop  }
0x156: {  	[tilespmem:s10], [sflag:$0x1] =	stream.indirect_vreg.gather [hbm4b:s2+s3], $0x80, v3, vm0, $0xb8;
	[tilespmem:$0x10400] =	vst v63  }
0x157: {  	v3 =	vld [tilespmem:$0x1C0];
	_ =	sdelay $0x4  }
0x158: {  	v60 =	vshll.u32 v3, $0x1  }
0x159: {  	v3 =	vand.u32 $0x7, v3;
	v4 =	vand.u32 $0xFFFFFFF0, v60  }
0x15a: {  	v3 =	vor.u32 v3, v4  }
0x15b: {  	v4 =	vperm.xlane v3, v0;
	_ =	sdelay $0x1  }
0x15c: {  	v3 =	vperm.xlane v3, v2;
	v4 =	vadd.s32 v1, v4;
	_ =	sdelay $0x1  }
0x15d: {  	v3 =	vadd.s32 v1, v3;
	_ =	sdelay $0x2  }
0x15e: {  	[tilespmem:s11], [sflag:$0x1] =	stream.indirect_vreg.gather [hbm4b:s2+s3], $0x80, v4, vm0, $0xb8;
	[tilespmem:$0x10400] =	vst v63  }
0x15f: {  	_ = 	snop  }
0x160: {  	[tilespmem:s6], [sflag:$0x1] =	stream.indirect_vreg.gather [hbm4b:s2+s3], $0x80, v3, vm0, $0xb8;
	[tilespmem:$0x10400] =	vst v63  }
0x161: {  	v3 =	vld [tilespmem:$0x1D0];
	_ =	sdelay $0x4  }
0x162: {  	v61 =	vshll.u32 v3, $0x1  }
0x163: {  	v3 =	vand.u32 $0x7, v3;
	v4 =	vand.u32 $0xFFFFFFF0, v61  }
0x164: {  	v3 =	vor.u32 v3, v4  }
0x165: {  	v4 =	vperm.xlane v3, v0;
	_ =	sdelay $0x1  }
0x166: {  	v3 =	vperm.xlane v3, v2;
	v4 =	vadd.s32 v1, v4;
	_ =	sdelay $0x1  }
0x167: {  	v3 =	vadd.s32 v1, v3;
	_ =	sdelay $0x1  }
0x168: {  	s13 =	simm.s32 $0xD400  }
0x169: {  	[tilespmem:s13], [sflag:$0x1] =	stream.indirect_vreg.gather [hbm4b:s2+s3], $0x80, v4, vm0, $0xb8;
	[tilespmem:$0x10400] =	vst v63  }
0x16a: {  	s14 =	simm.s32 $0xDC00  }
0x16b: {  	[tilespmem:s14], [sflag:$0x1] =	stream.indirect_vreg.gather [hbm4b:s2+s3], $0x80, v3, vm0, $0xb8;
	[tilespmem:$0x10400] =	vst v63  }
0x16c: {  	v3 =	vld [tilespmem:$0x1E0];
	_ =	sdelay $0x4  }
0x16d: {  	v62 =	vshll.u32 v3, $0x1  }
0x16e: {  	v3 =	vand.u32 $0x7, v3;
	v4 =	vand.u32 $0xFFFFFFF0, v62  }
0x16f: {  	v3 =	vor.u32 v3, v4  }
0x170: {  	v4 =	vperm.xlane v3, v0;
	_ =	sdelay $0x1  }
0x171: {  	v3 =	vperm.xlane v3, v2;
	v4 =	vadd.s32 v1, v4;
	_ =	sdelay $0x1  }
0x172: {  	v3 =	vadd.s32 v1, v3;
	_ =	sdelay $0x1  }
0x173: {  	s13 =	simm.s32 $0xE400  }
0x174: {  	[tilespmem:s13], [sflag:$0x1] =	stream.indirect_vreg.gather [hbm4b:s2+s3], $0x80, v4, vm0, $0xb8;
	[tilespmem:$0x10400] =	vst v63  }
0x175: {  	s14 =	simm.s32 $0xEC00  }
0x176: {  	[tilespmem:s14], [sflag:$0x1] =	stream.indirect_vreg.gather [hbm4b:s2+s3], $0x80, v3, vm0, $0xb8;
	[tilespmem:$0x10400] =	vst v63  }
0x177: {  	v3 =	vld [tilespmem:$0x1F0];
	_ =	sdelay $0x4  }
0x178: {  	v63 =	vshll.u32 v3, $0x1  }
0x179: {  	v3 =	vand.u32 $0x7, v3;
	v4 =	vand.u32 $0xFFFFFFF0, v63  }
0x17a: {  	v3 =	vor.u32 v3, v4  }
0x17b: {  	v4 =	vperm.xlane v3, v0;
	_ =	sdelay $0x1  }
0x17c: {  	v3 =	vperm.xlane v3, v2;
	v4 =	vadd.s32 v1, v4;
	_ =	sdelay $0x1  }
0x17d: {  	v3 =	vadd.s32 v1, v3;
	_ =	sdelay $0x1  }
0x17e: {  	s13 =	simm.s32 $0xF400  }
0x17f: {  	[tilespmem:s13], [sflag:$0x1] =	stream.indirect_vreg.gather [hbm4b:s2+s3], $0x80, v4, vm0, $0xb8;
	[tilespmem:$0x10400] =	vst v63  }
0x180: {  	s14 =	simm.s32 $0xFC00  }
0x181: {  	[tilespmem:s14], [sflag:$0x1] =	stream.indirect_vreg.gather [hbm4b:s2+s3], $0x80, v3, vm0, $0xb8;
	[tilespmem:$0x10400] =	vst v63  }
0x182: {  	_ =	swait.ge [sflag:s12], $0x8000  }
0x183: {  	[sflag:s12] =	ssyncset.done $0x0  }
0x184: {  	s14 =	simm.s32 $0x400;
	s0 =	rddreg [dreg:$0xa];
	[sflag:s12] =	ssyncadd.s32 $0xFFFF8000  }
0x185: {  	[hbm4b:s0+s3] =	stream.linear.scatter [tilespmem:s14], [sflag:$0x2], $0x8000, $0x38;
	[tilespmem:$0x10400] =	vst v63  }
0x186: {  	_ =	swait.ge [sflag:s5], $0x8000  }
0x187: {  	[sflag:s5] =	ssyncset.done $0x0  }
0x188: {  	[sflag:s5] =	ssyncadd.s32 $0xFFFF8000  }
0x189: {  	_ =	swait.ge [sflag:s12], $0x8000  }
0x18a: {  	p0 =	sne.s32 s4, $0x1;
	[sflag:s12] =	ssyncset.done $0x0  }
.Ltmp0:
0x18b: {  	s14 =	rddreg [dreg:$0xb];
	[sflag:s12] =	ssyncadd.s32 $0xFFFF8000;
	(pc) =	sbr.rel @p0 .LBB2_1-.Ltmp0, $4  }
0x18c: {  	[hbm4b:s14+s3] =	stream.linear.scatter [tilespmem:s1], [sflag:$0x2], $0x8000, $0x38;
	[tilespmem:$0x10400] =	vst v63  }
0x18d: {  	_ =	swait.ge [sflag:s5], $0x8000  }
0x18e: {  	[sflag:s5] =	ssyncset.done $0x0  }
0x18f: {  	s4 =	sadd.s32 $0xFFFFFFFF, s4;
	[sflag:s5] =	ssyncadd.s32 $0xFFFF8000  }
0x190: {  	_ =	sfence.sel $0x180000  }
0x191: {  	[bflag:$0x0] =	sbarrier.arrive $0xFFFF  }
0x192: {  	_ =	strace $0x90000047  }
0x193: {  	s0 =	stileid.u32;
	[bflag:$0x2] =	sbarrier.arrive $0xFFFF  }
0x194: {  	p0 =	sne.s32 s0, $0x0;
	s0 =	rddreg [dreg:$0x3]  }
0x195: {  	s0 =	sadd.s32 @!p0 $0x100000, s0  }
0x196: {  	[sflag:s0] =	ssyncadd.tile.s32 @!p0 $0x1;
	_ =	shalt  }
.Lfunc_end2:
_tile_overlayer_lowered:
.L_overlay_start_2:
0x197: {  	(tag) =	ssettag $0x2  }
0x198: {  	s0 =	rddreg [dreg:$0x0];
	s2 =	stileid.u32  }
0x199: {  	s1 =	rddreg [dreg:$0x1];
	p0 =	sne.s32 s2, $0x0  }
0x19a: {  	s3 =	rddreg [dreg:$0x2];
	[bflag:$0x3] =	sbarrier.arrive $0xFFFF;
	s2 =	simm.s32 @!p0 $0x1C02  }
0x19b: {  	[timem:s3], [sflag:s2] =	dma.local @!p0 [hbm:s0], s1  }
0x19c: {  	s0 =	simm.s32 @!p0 $0x2  }
0x19d: {  	_ =	swait.ge @!p0 [sflag:s0], s1  }
0x19e: {  	s1 =	ssub.s32 @!p0 $0x0, s1;
	[sflag:s0] =	ssyncset.done @!p0 $0x0  }
0x19f: {  	[sflag:s0] =	ssyncadd.s32 @!p0 s1  }
0x1a0: {  	[bflag:$0x3] =	sbarrier.arrive $0xFFFF  }
0x1a1: {  	_ =	shalt  }

</sc_bundles>
